<compile_context>
chip_gen: v7x
topology: tpu7x:2x2x1
jax: 0.10.2.dev20260603
libtpu: 0.0.44.dev20260713+nightly
codegen_flags: <defaults>
</compile_context>

<pallas_src>
import functools

import jax
import jax.numpy as jnp
from jax import lax
from jax.experimental import pallas as pl
from jax.experimental.pallas import tpu as pltpu
from jax.experimental.pallas import tpu_sc as plsc

_CHUNK = 208
_DEPTH = 3


def kernel(embed_user, embed_item):
    n, d = embed_user.shape
    info = plsc.get_sparse_core_info()
    nw = info.num_cores * info.num_subcores
    rows = (n // nw) // 8 * 8
    rem = n - nw * rows
    chunk = _CHUNK
    depth = _DEPTH
    nchunks = rows // chunk
    assert rows % chunk == 0

    mesh = plsc.VectorSubcoreMesh(core_axis_name="c", subcore_axis_name="s")

    @functools.partial(
        pl.kernel,
        mesh=mesh,
        out_type=jax.ShapeDtypeStruct((2, n, d), embed_user.dtype),
        scratch_types=(
            [pltpu.VMEM((depth, chunk, d), jnp.float32)]
            + [pltpu.SemaphoreType.DMA] * (2 * depth)
        ),
    )
    def copy_tables(user_hbm, item_hbm, out_hbm, buf, *sems):
        sem_in, sem_out = sems[:depth], sems[depth:]
        wid = lax.axis_index("s") * info.num_cores + lax.axis_index("c")
        base = wid * rows
        srcs = (user_hbm, item_hbm)

        def src_dst(k):
            t, c = divmod(k, nchunks)
            lo = base + c * chunk
            return (srcs[t].at[pl.ds(lo, chunk)],
                    out_hbm.at[t, pl.ds(lo, chunk)])

        total = 2 * nchunks
        loads = [None] * total
        stores = [None] * total
        for k in range(total):
            s, o = src_dst(k)
            p = k % depth
            loads[k] = pltpu.make_async_copy(s, buf.at[p], sem_in[p])
            stores[k] = pltpu.make_async_copy(buf.at[p], o, sem_out[p])

        for k in range(depth):
            loads[k].start()
        for k in range(total):
            if k >= 1 and k - 1 + depth < total:
                stores[k - 1].wait()
                loads[k - 1 + depth].start()
            loads[k].wait()
            stores[k].start()
        for k in range(max(0, total - depth), total):
            stores[k].wait()

        if rem:
            tail = nw * rows

            for t in range(2):
                @pl.when(wid == t)
                def _():
                    lt = pltpu.make_async_copy(
                        srcs[t].at[pl.ds(tail, rem)],
                        buf.at[0, pl.ds(0, rem)], sem_in[0])
                    st = pltpu.make_async_copy(
                        buf.at[0, pl.ds(0, rem)],
                        out_hbm.at[t, pl.ds(tail, rem)], sem_out[0])
                    lt.start()
                    lt.wait()
                    st.start()
                    st.wait()

    return copy_tables(embed_user, embed_item)

# --- scband reference (transcript-rebuilt; emitter-appended) ---
"""Pipeline reference for scband-rel-graph-embed-44160853737990 (READ-ONLY COPY).

The authoritative reference and input builder live on the scoring server;
editing this copy changes nothing except your own understanding.
"""

import jax, jax.numpy as jnp
import numpy as np

# RelGraphEmbed: one learnable embedding table per node type of a featureless
# heterograph; forward() simply returns the dict of embedding tables.
# Heterograph config: ntypes = ['user', 'item'], 100000 nodes each, embed_size=128.
# init: uniform(-1, 1). activation=None, dropout=0.0 -> forward is identity on tables.

N_NODES = 100000
EMBED_SIZE = 128


def setup_inputs(seed: int = 0) -> dict:
    key = jax.random.key(seed)
    k1, k2 = jax.random.split(key)
    embed_user = jax.random.uniform(k1, (N_NODES, EMBED_SIZE), minval=-1.0, maxval=1.0, dtype=jnp.float32)
    embed_item = jax.random.uniform(k2, (N_NODES, EMBED_SIZE), minval=-1.0, maxval=1.0, dtype=jnp.float32)
    return {"embed_user": embed_user, "embed_item": embed_item}


def reference(embed_user, embed_item):
    # Original forward returns self.embeds (ParameterDict of per-ntype tables).
    # activation is None and dropout p=0.0, so no transformation is applied.
    # We return the tables stacked along a leading ntype axis (both ntypes have
    # identical [N, D] shape) as the JAX equivalent of the dict of tables.
    return jnp.stack([embed_user, embed_item], axis=0)

if __name__ == "__main__":
    import jax
    _d = setup_inputs()
    print(jax.jit(kernel)(*tuple(_d.values())))

</pallas_src>

<mosaic_0001>
#map = affine_map<(d0, d1) -> (0, 0)>
#map1 = affine_map<(d0, d1) -> (0, 0, 0)>
module attributes {stable_mosaic.version = 14 : i64} {
  func.func @copy_tables(%arg0: i32, %arg1: i32, %arg2: memref<100000x128xf32, #tpu.memory_space<hbm>>, %arg3: memref<100000x128xf32, #tpu.memory_space<hbm>>, %arg4: memref<2x100000x128xf32, #tpu.memory_space<hbm>>, %arg5: memref<3x208x128xf32, #tpu.memory_space<vmem>>, %arg6: memref<!tpu.dma_semaphore, #tpu.memory_space<semaphore_mem>>, %arg7: memref<!tpu.dma_semaphore, #tpu.memory_space<semaphore_mem>>, %arg8: memref<!tpu.dma_semaphore, #tpu.memory_space<semaphore_mem>>, %arg9: memref<!tpu.dma_semaphore, #tpu.memory_space<semaphore_mem>>, %arg10: memref<!tpu.dma_semaphore, #tpu.memory_space<semaphore_mem>>, %arg11: memref<!tpu.dma_semaphore, #tpu.memory_space<semaphore_mem>>) attributes {dimension_semantics = [#tpu.dimension_semantics<core_parallel>, #tpu.dimension_semantics<subcore_parallel>], iteration_bounds = array<i64: 2, 16>, scalar_prefetch = 0 : i64, scratch_operands = 7 : i64, tpu.core_type = #tpu.core_type<sc_vector_subcore>, window_params = [{transform_indices = #map}, {transform_indices = #map}, {transform_indices = #map1}]} {
    %mul3A = arith.constant 2 : i32
    %mul3A_0 = arith.muli %arg1, %mul3A : i32
    %add3A = arith.addi %mul3A_0, %arg0 : i32
    %mul3A_1 = arith.constant 3120 : i32
    %mul3A_2 = arith.muli %add3A, %mul3A_1 : i32
    %add3A_3 = arith.constant 0 : i32
    %add3A_4 = arith.addi %mul3A_2, %add3A_3 : i32
    %add3A_5 = arith.constant 208 : i32
    %add3A_6 = arith.addi %mul3A_2, %add3A_5 : i32
    %add3A_7 = arith.constant 416 : i32
    %add3A_8 = arith.addi %mul3A_2, %add3A_7 : i32
    %add3A_9 = arith.constant 624 : i32
    %add3A_10 = arith.addi %mul3A_2, %add3A_9 : i32
    %add3A_11 = arith.constant 832 : i32
    %add3A_12 = arith.addi %mul3A_2, %add3A_11 : i32
    %add3A_13 = arith.constant 1040 : i32
    %add3A_14 = arith.addi %mul3A_2, %add3A_13 : i32
    %add3A_15 = arith.constant 1248 : i32
    %add3A_16 = arith.addi %mul3A_2, %add3A_15 : i32
    %add3A_17 = arith.constant 1456 : i32
    %add3A_18 = arith.addi %mul3A_2, %add3A_17 : i32
    %add3A_19 = arith.constant 1664 : i32
    %add3A_20 = arith.addi %mul3A_2, %add3A_19 : i32
    %add3A_21 = arith.constant 1872 : i32
    %add3A_22 = arith.addi %mul3A_2, %add3A_21 : i32
    %add3A_23 = arith.constant 2080 : i32
    %add3A_24 = arith.addi %mul3A_2, %add3A_23 : i32
    %add3A_25 = arith.constant 2288 : i32
    %add3A_26 = arith.addi %mul3A_2, %add3A_25 : i32
    %add3A_27 = arith.constant 2496 : i32
    %add3A_28 = arith.addi %mul3A_2, %add3A_27 : i32
    %add3A_29 = arith.constant 2704 : i32
    %add3A_30 = arith.addi %mul3A_2, %add3A_29 : i32
    %add3A_31 = arith.constant 2912 : i32
    %add3A_32 = arith.addi %mul3A_2, %add3A_31 : i32
    %add3A_33 = arith.constant 0 : i32
    %add3A_34 = arith.addi %mul3A_2, %add3A_33 : i32
    %add3A_35 = arith.constant 208 : i32
    %add3A_36 = arith.addi %mul3A_2, %add3A_35 : i32
    %add3A_37 = arith.constant 416 : i32
    %add3A_38 = arith.addi %mul3A_2, %add3A_37 : i32
    %add3A_39 = arith.constant 624 : i32
    %add3A_40 = arith.addi %mul3A_2, %add3A_39 : i32
    %add3A_41 = arith.constant 832 : i32
    %add3A_42 = arith.addi %mul3A_2, %add3A_41 : i32
    %add3A_43 = arith.constant 1040 : i32
    %add3A_44 = arith.addi %mul3A_2, %add3A_43 : i32
    %add3A_45 = arith.constant 1248 : i32
    %add3A_46 = arith.addi %mul3A_2, %add3A_45 : i32
    %add3A_47 = arith.constant 1456 : i32
    %add3A_48 = arith.addi %mul3A_2, %add3A_47 : i32
    %add3A_49 = arith.constant 1664 : i32
    %add3A_50 = arith.addi %mul3A_2, %add3A_49 : i32
    %add3A_51 = arith.constant 1872 : i32
    %add3A_52 = arith.addi %mul3A_2, %add3A_51 : i32
    %add3A_53 = arith.constant 2080 : i32
    %add3A_54 = arith.addi %mul3A_2, %add3A_53 : i32
    %add3A_55 = arith.constant 2288 : i32
    %add3A_56 = arith.addi %mul3A_2, %add3A_55 : i32
    %add3A_57 = arith.constant 2496 : i32
    %add3A_58 = arith.addi %mul3A_2, %add3A_57 : i32
    %add3A_59 = arith.constant 2704 : i32
    %add3A_60 = arith.addi %mul3A_2, %add3A_59 : i32
    %add3A_61 = arith.constant 2912 : i32
    %add3A_62 = arith.addi %mul3A_2, %add3A_61 : i32
    %dma_start3A = arith.constant 0 : i32
    %dma_start3A_63 = arith.constant 0 : i32
    %dma_start3A_64 = arith.constant 0 : i32
    %dma_start3A_65 = tpu.memref_slice %arg5[%dma_start3A, %dma_start3A_63, %dma_start3A_64] : memref<3x208x128xf32, #tpu.memory_space<vmem>> -> memref<1x208x128xf32, #tpu.memory_space<vmem>>
    %dma_start3A_66 = tpu.memref_squeeze %dma_start3A_65 : memref<1x208x128xf32, #tpu.memory_space<vmem>> -> memref<208x128xf32, #tpu.memory_space<vmem>>
    %dma_start3A_67 = arith.constant 0 : i32
    %dma_start3A_68 = tpu.memref_slice %arg2[%add3A_4, %dma_start3A_67] : memref<100000x128xf32, #tpu.memory_space<hbm>> -> memref<208x128xf32, #tpu.memory_space<hbm>>
    %dma_start3A_69 = arith.constant 0 : i32
    %dma_start3A_70 = arith.constant 0 : i32
    %dma_start3A_71 = tpu.memref_slice %arg5[%dma_start3A, %dma_start3A_69, %dma_start3A_70] : memref<3x208x128xf32, #tpu.memory_space<vmem>> -> memref<1x208x128xf32, #tpu.memory_space<vmem>>
    %dma_start3A_72 = tpu.memref_squeeze %dma_start3A_71 : memref<1x208x128xf32, #tpu.memory_space<vmem>> -> memref<208x128xf32, #tpu.memory_space<vmem>>
    %dma_start3A_73 = arith.constant 0 : i32
    %dma_start3A_74 = tpu.memref_slice %arg2[%add3A_4, %dma_start3A_73] : memref<100000x128xf32, #tpu.memory_space<hbm>> -> memref<208x128xf32, #tpu.memory_space<hbm>>
    tpu.enqueue_dma source(%dma_start3A_74 : memref<208x128xf32, #tpu.memory_space<hbm>>) target(%dma_start3A_72 : memref<208x128xf32, #tpu.memory_space<vmem>>) target_semaphore(%arg6 : memref<!tpu.dma_semaphore, #tpu.memory_space<semaphore_mem>>)
    %dma_start3A_75 = arith.constant 1 : i32
    %dma_start3A_76 = arith.constant 0 : i32
    %dma_start3A_77 = arith.constant 0 : i32
    %dma_start3A_78 = tpu.memref_slice %arg5[%dma_start3A_75, %dma_start3A_76, %dma_start3A_77] : memref<3x208x128xf32, #tpu.memory_space<vmem>> -> memref<1x208x128xf32, #tpu.memory_space<vmem>>
    %dma_start3A_79 = tpu.memref_squeeze %dma_start3A_78 : memref<1x208x128xf32, #tpu.memory_space<vmem>> -> memref<208x128xf32, #tpu.memory_space<vmem>>
    %dma_start3A_80 = arith.constant 0 : i32
    %dma_start3A_81 = tpu.memref_slice %arg2[%add3A_6, %dma_start3A_80] : memref<100000x128xf32, #tpu.memory_space<hbm>> -> memref<208x128xf32, #tpu.memory_space<hbm>>
    %dma_start3A_82 = arith.constant 0 : i32
    %dma_start3A_83 = arith.constant 0 : i32
    %dma_start3A_84 = tpu.memref_slice %arg5[%dma_start3A_75, %dma_start3A_82, %dma_start3A_83] : memref<3x208x128xf32, #tpu.memory_space<vmem>> -> memref<1x208x128xf32, #tpu.memory_space<vmem>>
    %dma_start3A_85 = tpu.memref_squeeze %dma_start3A_84 : memref<1x208x128xf32, #tpu.memory_space<vmem>> -> memref<208x128xf32, #tpu.memory_space<vmem>>
    %dma_start3A_86 = arith.constant 0 : i32
    %dma_start3A_87 = tpu.memref_slice %arg2[%add3A_6, %dma_start3A_86] : memref<100000x128xf32, #tpu.memory_space<hbm>> -> memref<208x128xf32, #tpu.memory_space<hbm>>
    tpu.enqueue_dma source(%dma_start3A_87 : memref<208x128xf32, #tpu.memory_space<hbm>>) target(%dma_start3A_85 : memref<208x128xf32, #tpu.memory_space<vmem>>) target_semaphore(%arg7 : memref<!tpu.dma_semaphore, #tpu.memory_space<semaphore_mem>>)
    %dma_start3A_88 = arith.constant 2 : i32
    %dma_start3A_89 = arith.constant 0 : i32
    %dma_start3A_90 = arith.constant 0 : i32
    %dma_start3A_91 = tpu.memref_slice %arg5[%dma_start3A_88, %dma_start3A_89, %dma_start3A_90] : memref<3x208x128xf32, #tpu.memory_space<vmem>> -> memref<1x208x128xf32, #tpu.memory_space<vmem>>
    %dma_start3A_92 = tpu.memref_squeeze %dma_start3A_91 : memref<1x208x128xf32, #tpu.memory_space<vmem>> -> memref<208x128xf32, #tpu.memory_space<vmem>>
    %dma_start3A_93 = arith.constant 0 : i32
    %dma_start3A_94 = tpu.memref_slice %arg2[%add3A_8, %dma_start3A_93] : memref<100000x128xf32, #tpu.memory_space<hbm>> -> memref<208x128xf32, #tpu.memory_space<hbm>>
    %dma_start3A_95 = arith.constant 0 : i32
    %dma_start3A_96 = arith.constant 0 : i32
    %dma_start3A_97 = tpu.memref_slice %arg5[%dma_start3A_88, %dma_start3A_95, %dma_start3A_96] : memref<3x208x128xf32, #tpu.memory_space<vmem>> -> memref<1x208x128xf32, #tpu.memory_space<vmem>>
    %dma_start3A_98 = tpu.memref_squeeze %dma_start3A_97 : memref<1x208x128xf32, #tpu.memory_space<vmem>> -> memref<208x128xf32, #tpu.memory_space<vmem>>
    %dma_start3A_99 = arith.constant 0 : i32
    %dma_start3A_100 = tpu.memref_slice %arg2[%add3A_8, %dma_start3A_99] : memref<100000x128xf32, #tpu.memory_space<hbm>> -> memref<208x128xf32, #tpu.memory_space<hbm>>
    tpu.enqueue_dma source(%dma_start3A_100 : memref<208x128xf32, #tpu.memory_space<hbm>>) target(%dma_start3A_98 : memref<208x128xf32, #tpu.memory_space<vmem>>) target_semaphore(%arg8 : memref<!tpu.dma_semaphore, #tpu.memory_space<semaphore_mem>>)
    %dma_wait3A = arith.constant 0 : i32
    %dma_wait3A_101 = arith.constant 0 : i32
    %dma_wait3A_102 = arith.constant 0 : i32
    %dma_wait3A_103 = tpu.memref_slice %arg5[%dma_wait3A, %dma_wait3A_101, %dma_wait3A_102] : memref<3x208x128xf32, #tpu.memory_space<vmem>> -> memref<1x208x128xf32, #tpu.memory_space<vmem>>
    %dma_wait3A_104 = tpu.memref_squeeze %dma_wait3A_103 : memref<1x208x128xf32, #tpu.memory_space<vmem>> -> memref<208x128xf32, #tpu.memory_space<vmem>>
    %dma_wait3A_105 = arith.constant 0 : i32
    %dma_wait3A_106 = tpu.memref_slice %arg2[%add3A_4, %dma_wait3A_105] : memref<100000x128xf32, #tpu.memory_space<hbm>> -> memref<208x128xf32, #tpu.memory_space<hbm>>
    %dma_wait3A_107 = arith.constant 0 : i32
    %dma_wait3A_108 = arith.constant 0 : i32
    %dma_wait3A_109 = tpu.memref_slice %arg5[%dma_wait3A, %dma_wait3A_107, %dma_wait3A_108] : memref<3x208x128xf32, #tpu.memory_space<vmem>> -> memref<1x208x128xf32, #tpu.memory_space<vmem>>
    %dma_wait3A_110 = tpu.memref_squeeze %dma_wait3A_109 : memref<1x208x128xf32, #tpu.memory_space<vmem>> -> memref<208x128xf32, #tpu.memory_space<vmem>>
    %dma_wait3A_111 = arith.constant 0 : i32
    %dma_wait3A_112 = tpu.memref_slice %arg2[%add3A_4, %dma_wait3A_111] : memref<100000x128xf32, #tpu.memory_space<hbm>> -> memref<208x128xf32, #tpu.memory_space<hbm>>
    tpu.wait_dma2 semaphore(%arg6 : memref<!tpu.dma_semaphore, #tpu.memory_space<semaphore_mem>>) src(%dma_wait3A_112 : memref<208x128xf32, #tpu.memory_space<hbm>>) dst(%dma_wait3A_110 : memref<208x128xf32, #tpu.memory_space<vmem>>)
    %dma_start3A_113 = arith.constant 0 : i32
    %dma_start3A_114 = arith.constant 0 : i32
    %dma_start3A_115 = arith.constant 0 : i32
    %dma_start3A_116 = arith.constant 0 : i32
    %dma_start3A_117 = tpu.memref_slice %arg5[%dma_start3A_113, %dma_start3A_115, %dma_start3A_116] : memref<3x208x128xf32, #tpu.memory_space<vmem>> -> memref<1x208x128xf32, #tpu.memory_space<vmem>>
    %dma_start3A_118 = tpu.memref_squeeze %dma_start3A_117 : memref<1x208x128xf32, #tpu.memory_space<vmem>> -> memref<208x128xf32, #tpu.memory_space<vmem>>
    %dma_start3A_119 = arith.constant 0 : i32
    %dma_start3A_120 = tpu.memref_slice %arg4[%dma_start3A_114, %add3A_4, %dma_start3A_119] : memref<2x100000x128xf32, #tpu.memory_space<hbm>> -> memref<1x208x128xf32, #tpu.memory_space<hbm>>
    %dma_start3A_121 = tpu.memref_squeeze %dma_start3A_120 : memref<1x208x128xf32, #tpu.memory_space<hbm>> -> memref<208x128xf32, #tpu.memory_space<hbm>>
    %dma_start3A_122 = arith.constant 0 : i32
    %dma_start3A_123 = tpu.memref_slice %arg4[%dma_start3A_114, %add3A_4, %dma_start3A_122] : memref<2x100000x128xf32, #tpu.memory_space<hbm>> -> memref<1x208x128xf32, #tpu.memory_space<hbm>>
    %dma_start3A_124 = tpu.memref_squeeze %dma_start3A_123 : memref<1x208x128xf32, #tpu.memory_space<hbm>> -> memref<208x128xf32, #tpu.memory_space<hbm>>
    %dma_start3A_125 = arith.constant 0 : i32
    %dma_start3A_126 = arith.constant 0 : i32
    %dma_start3A_127 = tpu.memref_slice %arg5[%dma_start3A_113, %dma_start3A_125, %dma_start3A_126] : memref<3x208x128xf32, #tpu.memory_space<vmem>> -> memref<1x208x128xf32, #tpu.memory_space<vmem>>
    %dma_start3A_128 = tpu.memref_squeeze %dma_start3A_127 : memref<1x208x128xf32, #tpu.memory_space<vmem>> -> memref<208x128xf32, #tpu.memory_space<vmem>>
    tpu.enqueue_dma source(%dma_start3A_128 : memref<208x128xf32, #tpu.memory_space<vmem>>) target(%dma_start3A_124 : memref<208x128xf32, #tpu.memory_space<hbm>>) target_semaphore(%arg9 : memref<!tpu.dma_semaphore, #tpu.memory_space<semaphore_mem>>)
    %dma_wait3A_129 = arith.constant 0 : i32
    %dma_wait3A_130 = arith.constant 0 : i32
    %dma_wait3A_131 = arith.constant 0 : i32
    %dma_wait3A_132 = arith.constant 0 : i32
    %dma_wait3A_133 = tpu.memref_slice %arg5[%dma_wait3A_129, %dma_wait3A_131, %dma_wait3A_132] : memref<3x208x128xf32, #tpu.memory_space<vmem>> -> memref<1x208x128xf32, #tpu.memory_space<vmem>>
    %dma_wait3A_134 = tpu.memref_squeeze %dma_wait3A_133 : memref<1x208x128xf32, #tpu.memory_space<vmem>> -> memref<208x128xf32, #tpu.memory_space<vmem>>
    %dma_wait3A_135 = arith.constant 0 : i32
    %dma_wait3A_136 = tpu.memref_slice %arg4[%dma_wait3A_130, %add3A_4, %dma_wait3A_135] : memref<2x100000x128xf32, #tpu.memory_space<hbm>> -> memref<1x208x128xf32, #tpu.memory_space<hbm>>
    %dma_wait3A_137 = tpu.memref_squeeze %dma_wait3A_136 : memref<1x208x128xf32, #tpu.memory_space<hbm>> -> memref<208x128xf32, #tpu.memory_space<hbm>>
    %dma_wait3A_138 = arith.constant 0 : i32
    %dma_wait3A_139 = tpu.memref_slice %arg4[%dma_wait3A_130, %add3A_4, %dma_wait3A_138] : memref<2x100000x128xf32, #tpu.memory_space<hbm>> -> memref<1x208x128xf32, #tpu.memory_space<hbm>>
    %dma_wait3A_140 = tpu.memref_squeeze %dma_wait3A_139 : memref<1x208x128xf32, #tpu.memory_space<hbm>> -> memref<208x128xf32, #tpu.memory_space<hbm>>
    %dma_wait3A_141 = arith.constant 0 : i32
    %dma_wait3A_142 = arith.constant 0 : i32
    %dma_wait3A_143 = tpu.memref_slice %arg5[%dma_wait3A_129, %dma_wait3A_141, %dma_wait3A_142] : memref<3x208x128xf32, #tpu.memory_space<vmem>> -> memref<1x208x128xf32, #tpu.memory_space<vmem>>
    %dma_wait3A_144 = tpu.memref_squeeze %dma_wait3A_143 : memref<1x208x128xf32, #tpu.memory_space<vmem>> -> memref<208x128xf32, #tpu.memory_space<vmem>>
    tpu.wait_dma2 semaphore(%arg9 : memref<!tpu.dma_semaphore, #tpu.memory_space<semaphore_mem>>) src(%dma_wait3A_144 : memref<208x128xf32, #tpu.memory_space<vmem>>) dst(%dma_wait3A_140 : memref<208x128xf32, #tpu.memory_space<hbm>>)
    %dma_start3A_145 = arith.constant 0 : i32
    %dma_start3A_146 = arith.constant 0 : i32
    %dma_start3A_147 = arith.constant 0 : i32
    %dma_start3A_148 = tpu.memref_slice %arg5[%dma_start3A_145, %dma_start3A_146, %dma_start3A_147] : memref<3x208x128xf32, #tpu.memory_space<vmem>> -> memref<1x208x128xf32, #tpu.memory_space<vmem>>
    %dma_start3A_149 = tpu.memref_squeeze %dma_start3A_148 : memref<1x208x128xf32, #tpu.memory_space<vmem>> -> memref<208x128xf32, #tpu.memory_space<vmem>>
    %dma_start3A_150 = arith.constant 0 : i32
    %dma_start3A_151 = tpu.memref_slice %arg2[%add3A_10, %dma_start3A_150] : memref<100000x128xf32, #tpu.memory_space<hbm>> -> memref<208x128xf32, #tpu.memory_space<hbm>>
    %dma_start3A_152 = arith.constant 0 : i32
    %dma_start3A_153 = arith.constant 0 : i32
    %dma_start3A_154 = tpu.memref_slice %arg5[%dma_start3A_145, %dma_start3A_152, %dma_start3A_153] : memref<3x208x128xf32, #tpu.memory_space<vmem>> -> memref<1x208x128xf32, #tpu.memory_space<vmem>>
    %dma_start3A_155 = tpu.memref_squeeze %dma_start3A_154 : memref<1x208x128xf32, #tpu.memory_space<vmem>> -> memref<208x128xf32, #tpu.memory_space<vmem>>
    %dma_start3A_156 = arith.constant 0 : i32
    %dma_start3A_157 = tpu.memref_slice %arg2[%add3A_10, %dma_start3A_156] : memref<100000x128xf32, #tpu.memory_space<hbm>> -> memref<208x128xf32, #tpu.memory_space<hbm>>
    tpu.enqueue_dma source(%dma_start3A_157 : memref<208x128xf32, #tpu.memory_space<hbm>>) target(%dma_start3A_155 : memref<208x128xf32, #tpu.memory_space<vmem>>) target_semaphore(%arg6 : memref<!tpu.dma_semaphore, #tpu.memory_space<semaphore_mem>>)
    %dma_wait3A_158 = arith.constant 1 : i32
    %dma_wait3A_159 = arith.constant 0 : i32
    %dma_wait3A_160 = arith.constant 0 : i32
    %dma_wait3A_161 = tpu.memref_slice %arg5[%dma_wait3A_158, %dma_wait3A_159, %dma_wait3A_160] : memref<3x208x128xf32, #tpu.memory_space<vmem>> -> memref<1x208x128xf32, #tpu.memory_space<vmem>>
    %dma_wait3A_162 = tpu.memref_squeeze %dma_wait3A_161 : memref<1x208x128xf32, #tpu.memory_space<vmem>> -> memref<208x128xf32, #tpu.memory_space<vmem>>
    %dma_wait3A_163 = arith.constant 0 : i32
    %dma_wait3A_164 = tpu.memref_slice %arg2[%add3A_6, %dma_wait3A_163] : memref<100000x128xf32, #tpu.memory_space<hbm>> -> memref<208x128xf32, #tpu.memory_space<hbm>>
    %dma_wait3A_165 = arith.constant 0 : i32
    %dma_wait3A_166 = arith.constant 0 : i32
    %dma_wait3A_167 = tpu.memref_slice %arg5[%dma_wait3A_158, %dma_wait3A_165, %dma_wait3A_166] : memref<3x208x128xf32, #tpu.memory_space<vmem>> -> memref<1x208x128xf32, #tpu.memory_space<vmem>>
    %dma_wait3A_168 = tpu.memref_squeeze %dma_wait3A_167 : memref<1x208x128xf32, #tpu.memory_space<vmem>> -> memref<208x128xf32, #tpu.memory_space<vmem>>
    %dma_wait3A_169 = arith.constant 0 : i32
    %dma_wait3A_170 = tpu.memref_slice %arg2[%add3A_6, %dma_wait3A_169] : memref<100000x128xf32, #tpu.memory_space<hbm>> -> memref<208x128xf32, #tpu.memory_space<hbm>>
    tpu.wait_dma2 semaphore(%arg7 : memref<!tpu.dma_semaphore, #tpu.memory_space<semaphore_mem>>) src(%dma_wait3A_170 : memref<208x128xf32, #tpu.memory_space<hbm>>) dst(%dma_wait3A_168 : memref<208x128xf32, #tpu.memory_space<vmem>>)
    %dma_start3A_171 = arith.constant 1 : i32
    %dma_start3A_172 = arith.constant 0 : i32
    %dma_start3A_173 = arith.constant 0 : i32
    %dma_start3A_174 = arith.constant 0 : i32
    %dma_start3A_175 = tpu.memref_slice %arg5[%dma_start3A_171, %dma_start3A_173, %dma_start3A_174] : memref<3x208x128xf32, #tpu.memory_space<vmem>> -> memref<1x208x128xf32, #tpu.memory_space<vmem>>
    %dma_start3A_176 = tpu.memref_squeeze %dma_start3A_175 : memref<1x208x128xf32, #tpu.memory_space<vmem>> -> memref<208x128xf32, #tpu.memory_space<vmem>>
    %dma_start3A_177 = arith.constant 0 : i32
    %dma_start3A_178 = tpu.memref_slice %arg4[%dma_start3A_172, %add3A_6, %dma_start3A_177] : memref<2x100000x128xf32, #tpu.memory_space<hbm>> -> memref<1x208x128xf32, #tpu.memory_space<hbm>>
    %dma_start3A_179 = tpu.memref_squeeze %dma_start3A_178 : memref<1x208x128xf32, #tpu.memory_space<hbm>> -> memref<208x128xf32, #tpu.memory_space<hbm>>
    %dma_start3A_180 = arith.constant 0 : i32
    %dma_start3A_181 = tpu.memref_slice %arg4[%dma_start3A_172, %add3A_6, %dma_start3A_180] : memref<2x100000x128xf32, #tpu.memory_space<hbm>> -> memref<1x208x128xf32, #tpu.memory_space<hbm>>
    %dma_start3A_182 = tpu.memref_squeeze %dma_start3A_181 : memref<1x208x128xf32, #tpu.memory_space<hbm>> -> memref<208x128xf32, #tpu.memory_space<hbm>>
    %dma_start3A_183 = arith.constant 0 : i32
    %dma_start3A_184 = arith.constant 0 : i32
    %dma_start3A_185 = tpu.memref_slice %arg5[%dma_start3A_171, %dma_start3A_183, %dma_start3A_184] : memref<3x208x128xf32, #tpu.memory_space<vmem>> -> memref<1x208x128xf32, #tpu.memory_space<vmem>>
    %dma_start3A_186 = tpu.memref_squeeze %dma_start3A_185 : memref<1x208x128xf32, #tpu.memory_space<vmem>> -> memref<208x128xf32, #tpu.memory_space<vmem>>
    tpu.enqueue_dma source(%dma_start3A_186 : memref<208x128xf32, #tpu.memory_space<vmem>>) target(%dma_start3A_182 : memref<208x128xf32, #tpu.memory_space<hbm>>) target_semaphore(%arg10 : memref<!tpu.dma_semaphore, #tpu.memory_space<semaphore_mem>>)
    %dma_wait3A_187 = arith.constant 1 : i32
    %dma_wait3A_188 = arith.constant 0 : i32
    %dma_wait3A_189 = arith.constant 0 : i32
    %dma_wait3A_190 = arith.constant 0 : i32
    %dma_wait3A_191 = tpu.memref_slice %arg5[%dma_wait3A_187, %dma_wait3A_189, %dma_wait3A_190] : memref<3x208x128xf32, #tpu.memory_space<vmem>> -> memref<1x208x128xf32, #tpu.memory_space<vmem>>
    %dma_wait3A_192 = tpu.memref_squeeze %dma_wait3A_191 : memref<1x208x128xf32, #tpu.memory_space<vmem>> -> memref<208x128xf32, #tpu.memory_space<vmem>>
    %dma_wait3A_193 = arith.constant 0 : i32
    %dma_wait3A_194 = tpu.memref_slice %arg4[%dma_wait3A_188, %add3A_6, %dma_wait3A_193] : memref<2x100000x128xf32, #tpu.memory_space<hbm>> -> memref<1x208x128xf32, #tpu.memory_space<hbm>>
    %dma_wait3A_195 = tpu.memref_squeeze %dma_wait3A_194 : memref<1x208x128xf32, #tpu.memory_space<hbm>> -> memref<208x128xf32, #tpu.memory_space<hbm>>
    %dma_wait3A_196 = arith.constant 0 : i32
    %dma_wait3A_197 = tpu.memref_slice %arg4[%dma_wait3A_188, %add3A_6, %dma_wait3A_196] : memref<2x100000x128xf32, #tpu.memory_space<hbm>> -> memref<1x208x128xf32, #tpu.memory_space<hbm>>
    %dma_wait3A_198 = tpu.memref_squeeze %dma_wait3A_197 : memref<1x208x128xf32, #tpu.memory_space<hbm>> -> memref<208x128xf32, #tpu.memory_space<hbm>>
    %dma_wait3A_199 = arith.constant 0 : i32
    %dma_wait3A_200 = arith.constant 0 : i32
    %dma_wait3A_201 = tpu.memref_slice %arg5[%dma_wait3A_187, %dma_wait3A_199, %dma_wait3A_200] : memref<3x208x128xf32, #tpu.memory_space<vmem>> -> memref<1x208x128xf32, #tpu.memory_space<vmem>>
    %dma_wait3A_202 = tpu.memref_squeeze %dma_wait3A_201 : memref<1x208x128xf32, #tpu.memory_space<vmem>> -> memref<208x128xf32, #tpu.memory_space<vmem>>
    tpu.wait_dma2 semaphore(%arg10 : memref<!tpu.dma_semaphore, #tpu.memory_space<semaphore_mem>>) src(%dma_wait3A_202 : memref<208x128xf32, #tpu.memory_space<vmem>>) dst(%dma_wait3A_198 : memref<208x128xf32, #tpu.memory_space<hbm>>)
    %dma_start3A_203 = arith.constant 1 : i32
    %dma_start3A_204 = arith.constant 0 : i32
    %dma_start3A_205 = arith.constant 0 : i32
    %dma_start3A_206 = tpu.memref_slice %arg5[%dma_start3A_203, %dma_start3A_204, %dma_start3A_205] : memref<3x208x128xf32, #tpu.memory_space<vmem>> -> memref<1x208x128xf32, #tpu.memory_space<vmem>>
    %dma_start3A_207 = tpu.memref_squeeze %dma_start3A_206 : memref<1x208x128xf32, #tpu.memory_space<vmem>> -> memref<208x128xf32, #tpu.memory_space<vmem>>
    %dma_start3A_208 = arith.constant 0 : i32
    %dma_start3A_209 = tpu.memref_slice %arg2[%add3A_12, %dma_start3A_208] : memref<100000x128xf32, #tpu.memory_space<hbm>> -> memref<208x128xf32, #tpu.memory_space<hbm>>
    %dma_start3A_210 = arith.constant 0 : i32
    %dma_start3A_211 = arith.constant 0 : i32
    %dma_start3A_212 = tpu.memref_slice %arg5[%dma_start3A_203, %dma_start3A_210, %dma_start3A_211] : memref<3x208x128xf32, #tpu.memory_space<vmem>> -> memref<1x208x128xf32, #tpu.memory_space<vmem>>
    %dma_start3A_213 = tpu.memref_squeeze %dma_start3A_212 : memref<1x208x128xf32, #tpu.memory_space<vmem>> -> memref<208x128xf32, #tpu.memory_space<vmem>>
    %dma_start3A_214 = arith.constant 0 : i32
    %dma_start3A_215 = tpu.memref_slice %arg2[%add3A_12, %dma_start3A_214] : memref<100000x128xf32, #tpu.memory_space<hbm>> -> memref<208x128xf32, #tpu.memory_space<hbm>>
    tpu.enqueue_dma source(%dma_start3A_215 : memref<208x128xf32, #tpu.memory_space<hbm>>) target(%dma_start3A_213 : memref<208x128xf32, #tpu.memory_space<vmem>>) target_semaphore(%arg7 : memref<!tpu.dma_semaphore, #tpu.memory_space<semaphore_mem>>)
    %dma_wait3A_216 = arith.constant 2 : i32
    %dma_wait3A_217 = arith.constant 0 : i32
    %dma_wait3A_218 = arith.constant 0 : i32
    %dma_wait3A_219 = tpu.memref_slice %arg5[%dma_wait3A_216, %dma_wait3A_217, %dma_wait3A_218] : memref<3x208x128xf32, #tpu.memory_space<vmem>> -> memref<1x208x128xf32, #tpu.memory_space<vmem>>
    %dma_wait3A_220 = tpu.memref_squeeze %dma_wait3A_219 : memref<1x208x128xf32, #tpu.memory_space<vmem>> -> memref<208x128xf32, #tpu.memory_space<vmem>>
    %dma_wait3A_221 = arith.constant 0 : i32
    %dma_wait3A_222 = tpu.memref_slice %arg2[%add3A_8, %dma_wait3A_221] : memref<100000x128xf32, #tpu.memory_space<hbm>> -> memref<208x128xf32, #tpu.memory_space<hbm>>
    %dma_wait3A_223 = arith.constant 0 : i32
    %dma_wait3A_224 = arith.constant 0 : i32
    %dma_wait3A_225 = tpu.memref_slice %arg5[%dma_wait3A_216, %dma_wait3A_223, %dma_wait3A_224] : memref<3x208x128xf32, #tpu.memory_space<vmem>> -> memref<1x208x128xf32, #tpu.memory_space<vmem>>
    %dma_wait3A_226 = tpu.memref_squeeze %dma_wait3A_225 : memref<1x208x128xf32, #tpu.memory_space<vmem>> -> memref<208x128xf32, #tpu.memory_space<vmem>>
    %dma_wait3A_227 = arith.constant 0 : i32
    %dma_wait3A_228 = tpu.memref_slice %arg2[%add3A_8, %dma_wait3A_227] : memref<100000x128xf32, #tpu.memory_space<hbm>> -> memref<208x128xf32, #tpu.memory_space<hbm>>
    tpu.wait_dma2 semaphore(%arg8 : memref<!tpu.dma_semaphore, #tpu.memory_space<semaphore_mem>>) src(%dma_wait3A_228 : memref<208x128xf32, #tpu.memory_space<hbm>>) dst(%dma_wait3A_226 : memref<208x128xf32, #tpu.memory_space<vmem>>)
    %dma_start3A_229 = arith.constant 2 : i32
    %dma_start3A_230 = arith.constant 0 : i32
    %dma_start3A_231 = arith.constant 0 : i32
    %dma_start3A_232 = arith.constant 0 : i32
    %dma_start3A_233 = tpu.memref_slice %arg5[%dma_start3A_229, %dma_start3A_231, %dma_start3A_232] : memref<3x208x128xf32, #tpu.memory_space<vmem>> -> memref<1x208x128xf32, #tpu.memory_space<vmem>>
    %dma_start3A_234 = tpu.memref_squeeze %dma_start3A_233 : memref<1x208x128xf32, #tpu.memory_space<vmem>> -> memref<208x128xf32, #tpu.memory_space<vmem>>
    %dma_start3A_235 = arith.constant 0 : i32
    %dma_start3A_236 = tpu.memref_slice %arg4[%dma_start3A_230, %add3A_8, %dma_start3A_235] : memref<2x100000x128xf32, #tpu.memory_space<hbm>> -> memref<1x208x128xf32, #tpu.memory_space<hbm>>
    %dma_start3A_237 = tpu.memref_squeeze %dma_start3A_236 : memref<1x208x128xf32, #tpu.memory_space<hbm>> -> memref<208x128xf32, #tpu.memory_space<hbm>>
    %dma_start3A_238 = arith.constant 0 : i32
    %dma_start3A_239 = tpu.memref_slice %arg4[%dma_start3A_230, %add3A_8, %dma_start3A_238] : memref<2x100000x128xf32, #tpu.memory_space<hbm>> -> memref<1x208x128xf32, #tpu.memory_space<hbm>>
    %dma_start3A_240 = tpu.memref_squeeze %dma_start3A_239 : memref<1x208x128xf32, #tpu.memory_space<hbm>> -> memref<208x128xf32, #tpu.memory_space<hbm>>
    %dma_start3A_241 = arith.constant 0 : i32
    %dma_start3A_242 = arith.constant 0 : i32
    %dma_start3A_243 = tpu.memref_slice %arg5[%dma_start3A_229, %dma_start3A_241, %dma_start3A_242] : memref<3x208x128xf32, #tpu.memory_space<vmem>> -> memref<1x208x128xf32, #tpu.memory_space<vmem>>
    %dma_start3A_244 = tpu.memref_squeeze %dma_start3A_243 : memref<1x208x128xf32, #tpu.memory_space<vmem>> -> memref<208x128xf32, #tpu.memory_space<vmem>>
    tpu.enqueue_dma source(%dma_start3A_244 : memref<208x128xf32, #tpu.memory_space<vmem>>) target(%dma_start3A_240 : memref<208x128xf32, #tpu.memory_space<hbm>>) target_semaphore(%arg11 : memref<!tpu.dma_semaphore, #tpu.memory_space<semaphore_mem>>)
    %dma_wait3A_245 = arith.constant 2 : i32
    %dma_wait3A_246 = arith.constant 0 : i32
    %dma_wait3A_247 = arith.constant 0 : i32
    %dma_wait3A_248 = arith.constant 0 : i32
    %dma_wait3A_249 = tpu.memref_slice %arg5[%dma_wait3A_245, %dma_wait3A_247, %dma_wait3A_248] : memref<3x208x128xf32, #tpu.memory_space<vmem>> -> memref<1x208x128xf32, #tpu.memory_space<vmem>>
    %dma_wait3A_250 = tpu.memref_squeeze %dma_wait3A_249 : memref<1x208x128xf32, #tpu.memory_space<vmem>> -> memref<208x128xf32, #tpu.memory_space<vmem>>
    %dma_wait3A_251 = arith.constant 0 : i32
    %dma_wait3A_252 = tpu.memref_slice %arg4[%dma_wait3A_246, %add3A_8, %dma_wait3A_251] : memref<2x100000x128xf32, #tpu.memory_space<hbm>> -> memref<1x208x128xf32, #tpu.memory_space<hbm>>
    %dma_wait3A_253 = tpu.memref_squeeze %dma_wait3A_252 : memref<1x208x128xf32, #tpu.memory_space<hbm>> -> memref<208x128xf32, #tpu.memory_space<hbm>>
    %dma_wait3A_254 = arith.constant 0 : i32
    %dma_wait3A_255 = tpu.memref_slice %arg4[%dma_wait3A_246, %add3A_8, %dma_wait3A_254] : memref<2x100000x128xf32, #tpu.memory_space<hbm>> -> memref<1x208x128xf32, #tpu.memory_space<hbm>>
    %dma_wait3A_256 = tpu.memref_squeeze %dma_wait3A_255 : memref<1x208x128xf32, #tpu.memory_space<hbm>> -> memref<208x128xf32, #tpu.memory_space<hbm>>
    %dma_wait3A_257 = arith.constant 0 : i32
    %dma_wait3A_258 = arith.constant 0 : i32
    %dma_wait3A_259 = tpu.memref_slice %arg5[%dma_wait3A_245, %dma_wait3A_257, %dma_wait3A_258] : memref<3x208x128xf32, #tpu.memory_space<vmem>> -> memref<1x208x128xf32, #tpu.memory_space<vmem>>
    %dma_wait3A_260 = tpu.memref_squeeze %dma_wait3A_259 : memref<1x208x128xf32, #tpu.memory_space<vmem>> -> memref<208x128xf32, #tpu.memory_space<vmem>>
    tpu.wait_dma2 semaphore(%arg11 : memref<!tpu.dma_semaphore, #tpu.memory_space<semaphore_mem>>) src(%dma_wait3A_260 : memref<208x128xf32, #tpu.memory_space<vmem>>) dst(%dma_wait3A_256 : memref<208x128xf32, #tpu.memory_space<hbm>>)
    %dma_start3A_261 = arith.constant 2 : i32
    %dma_start3A_262 = arith.constant 0 : i32
    %dma_start3A_263 = arith.constant 0 : i32
    %dma_start3A_264 = tpu.memref_slice %arg5[%dma_start3A_261, %dma_start3A_262, %dma_start3A_263] : memref<3x208x128xf32, #tpu.memory_space<vmem>> -> memref<1x208x128xf32, #tpu.memory_space<vmem>>
    %dma_start3A_265 = tpu.memref_squeeze %dma_start3A_264 : memref<1x208x128xf32, #tpu.memory_space<vmem>> -> memref<208x128xf32, #tpu.memory_space<vmem>>
    %dma_start3A_266 = arith.constant 0 : i32
    %dma_start3A_267 = tpu.memref_slice %arg2[%add3A_14, %dma_start3A_266] : memref<100000x128xf32, #tpu.memory_space<hbm>> -> memref<208x128xf32, #tpu.memory_space<hbm>>
    %dma_start3A_268 = arith.constant 0 : i32
    %dma_start3A_269 = arith.constant 0 : i32
    %dma_start3A_270 = tpu.memref_slice %arg5[%dma_start3A_261, %dma_start3A_268, %dma_start3A_269] : memref<3x208x128xf32, #tpu.memory_space<vmem>> -> memref<1x208x128xf32, #tpu.memory_space<vmem>>
    %dma_start3A_271 = tpu.memref_squeeze %dma_start3A_270 : memref<1x208x128xf32, #tpu.memory_space<vmem>> -> memref<208x128xf32, #tpu.memory_space<vmem>>
    %dma_start3A_272 = arith.constant 0 : i32
    %dma_start3A_273 = tpu.memref_slice %arg2[%add3A_14, %dma_start3A_272] : memref<100000x128xf32, #tpu.memory_space<hbm>> -> memref<208x128xf32, #tpu.memory_space<hbm>>
    tpu.enqueue_dma source(%dma_start3A_273 : memref<208x128xf32, #tpu.memory_space<hbm>>) target(%dma_start3A_271 : memref<208x128xf32, #tpu.memory_space<vmem>>) target_semaphore(%arg8 : memref<!tpu.dma_semaphore, #tpu.memory_space<semaphore_mem>>)
    %dma_wait3A_274 = arith.constant 0 : i32
    %dma_wait3A_275 = arith.constant 0 : i32
    %dma_wait3A_276 = arith.constant 0 : i32
    %dma_wait3A_277 = tpu.memref_slice %arg5[%dma_wait3A_274, %dma_wait3A_275, %dma_wait3A_276] : memref<3x208x128xf32, #tpu.memory_space<vmem>> -> memref<1x208x128xf32, #tpu.memory_space<vmem>>
    %dma_wait3A_278 = tpu.memref_squeeze %dma_wait3A_277 : memref<1x208x128xf32, #tpu.memory_space<vmem>> -> memref<208x128xf32, #tpu.memory_space<vmem>>
    %dma_wait3A_279 = arith.constant 0 : i32
    %dma_wait3A_280 = tpu.memref_slice %arg2[%add3A_10, %dma_wait3A_279] : memref<100000x128xf32, #tpu.memory_space<hbm>> -> memref<208x128xf32, #tpu.memory_space<hbm>>
    %dma_wait3A_281 = arith.constant 0 : i32
    %dma_wait3A_282 = arith.constant 0 : i32
    %dma_wait3A_283 = tpu.memref_slice %arg5[%dma_wait3A_274, %dma_wait3A_281, %dma_wait3A_282] : memref<3x208x128xf32, #tpu.memory_space<vmem>> -> memref<1x208x128xf32, #tpu.memory_space<vmem>>
    %dma_wait3A_284 = tpu.memref_squeeze %dma_wait3A_283 : memref<1x208x128xf32, #tpu.memory_space<vmem>> -> memref<208x128xf32, #tpu.memory_space<vmem>>
    %dma_wait3A_285 = arith.constant 0 : i32
    %dma_wait3A_286 = tpu.memref_slice %arg2[%add3A_10, %dma_wait3A_285] : memref<100000x128xf32, #tpu.memory_space<hbm>> -> memref<208x128xf32, #tpu.memory_space<hbm>>
    tpu.wait_dma2 semaphore(%arg6 : memref<!tpu.dma_semaphore, #tpu.memory_space<semaphore_mem>>) src(%dma_wait3A_286 : memref<208x128xf32, #tpu.memory_space<hbm>>) dst(%dma_wait3A_284 : memref<208x128xf32, #tpu.memory_space<vmem>>)
    %dma_start3A_287 = arith.constant 0 : i32
    %dma_start3A_288 = arith.constant 0 : i32
    %dma_start3A_289 = arith.constant 0 : i32
    %dma_start3A_290 = arith.constant 0 : i32
    %dma_start3A_291 = tpu.memref_slice %arg5[%dma_start3A_287, %dma_start3A_289, %dma_start3A_290] : memref<3x208x128xf32, #tpu.memory_space<vmem>> -> memref<1x208x128xf32, #tpu.memory_space<vmem>>
    %dma_start3A_292 = tpu.memref_squeeze %dma_start3A_291 : memref<1x208x128xf32, #tpu.memory_space<vmem>> -> memref<208x128xf32, #tpu.memory_space<vmem>>
    %dma_start3A_293 = arith.constant 0 : i32
    %dma_start3A_294 = tpu.memref_slice %arg4[%dma_start3A_288, %add3A_10, %dma_start3A_293] : memref<2x100000x128xf32, #tpu.memory_space<hbm>> -> memref<1x208x128xf32, #tpu.memory_space<hbm>>
    %dma_start3A_295 = tpu.memref_squeeze %dma_start3A_294 : memref<1x208x128xf32, #tpu.memory_space<hbm>> -> memref<208x128xf32, #tpu.memory_space<hbm>>
    %dma_start3A_296 = arith.constant 0 : i32
    %dma_start3A_297 = tpu.memref_slice %arg4[%dma_start3A_288, %add3A_10, %dma_start3A_296] : memref<2x100000x128xf32, #tpu.memory_space<hbm>> -> memref<1x208x128xf32, #tpu.memory_space<hbm>>
    %dma_start3A_298 = tpu.memref_squeeze %dma_start3A_297 : memref<1x208x128xf32, #tpu.memory_space<hbm>> -> memref<208x128xf32, #tpu.memory_space<hbm>>
    %dma_start3A_299 = arith.constant 0 : i32
    %dma_start3A_300 = arith.constant 0 : i32
    %dma_start3A_301 = tpu.memref_slice %arg5[%dma_start3A_287, %dma_start3A_299, %dma_start3A_300] : memref<3x208x128xf32, #tpu.memory_space<vmem>> -> memref<1x208x128xf32, #tpu.memory_space<vmem>>
    %dma_start3A_302 = tpu.memref_squeeze %dma_start3A_301 : memref<1x208x128xf32, #tpu.memory_space<vmem>> -> memref<208x128xf32, #tpu.memory_space<vmem>>
    tpu.enqueue_dma source(%dma_start3A_302 : memref<208x128xf32, #tpu.memory_space<vmem>>) target(%dma_start3A_298 : memref<208x128xf32, #tpu.memory_space<hbm>>) target_semaphore(%arg9 : memref<!tpu.dma_semaphore, #tpu.memory_space<semaphore_mem>>)
    %dma_wait3A_303 = arith.constant 0 : i32
    %dma_wait3A_304 = arith.constant 0 : i32
    %dma_wait3A_305 = arith.constant 0 : i32
    %dma_wait3A_306 = arith.constant 0 : i32
    %dma_wait3A_307 = tpu.memref_slice %arg5[%dma_wait3A_303, %dma_wait3A_305, %dma_wait3A_306] : memref<3x208x128xf32, #tpu.memory_space<vmem>> -> memref<1x208x128xf32, #tpu.memory_space<vmem>>
    %dma_wait3A_308 = tpu.memref_squeeze %dma_wait3A_307 : memref<1x208x128xf32, #tpu.memory_space<vmem>> -> memref<208x128xf32, #tpu.memory_space<vmem>>
    %dma_wait3A_309 = arith.constant 0 : i32
    %dma_wait3A_310 = tpu.memref_slice %arg4[%dma_wait3A_304, %add3A_10, %dma_wait3A_309] : memref<2x100000x128xf32, #tpu.memory_space<hbm>> -> memref<1x208x128xf32, #tpu.memory_space<hbm>>
    %dma_wait3A_311 = tpu.memref_squeeze %dma_wait3A_310 : memref<1x208x128xf32, #tpu.memory_space<hbm>> -> memref<208x128xf32, #tpu.memory_space<hbm>>
    %dma_wait3A_312 = arith.constant 0 : i32
    %dma_wait3A_313 = tpu.memref_slice %arg4[%dma_wait3A_304, %add3A_10, %dma_wait3A_312] : memref<2x100000x128xf32, #tpu.memory_space<hbm>> -> memref<1x208x128xf32, #tpu.memory_space<hbm>>
    %dma_wait3A_314 = tpu.memref_squeeze %dma_wait3A_313 : memref<1x208x128xf32, #tpu.memory_space<hbm>> -> memref<208x128xf32, #tpu.memory_space<hbm>>
    %dma_wait3A_315 = arith.constant 0 : i32
    %dma_wait3A_316 = arith.constant 0 : i32
    %dma_wait3A_317 = tpu.memref_slice %arg5[%dma_wait3A_303, %dma_wait3A_315, %dma_wait3A_316] : memref<3x208x128xf32, #tpu.memory_space<vmem>> -> memref<1x208x128xf32, #tpu.memory_space<vmem>>
    %dma_wait3A_318 = tpu.memref_squeeze %dma_wait3A_317 : memref<1x208x128xf32, #tpu.memory_space<vmem>> -> memref<208x128xf32, #tpu.memory_space<vmem>>
    tpu.wait_dma2 semaphore(%arg9 : memref<!tpu.dma_semaphore, #tpu.memory_space<semaphore_mem>>) src(%dma_wait3A_318 : memref<208x128xf32, #tpu.memory_space<vmem>>) dst(%dma_wait3A_314 : memref<208x128xf32, #tpu.memory_space<hbm>>)
    %dma_start3A_319 = arith.constant 0 : i32
    %dma_start3A_320 = arith.constant 0 : i32
    %dma_start3A_321 = arith.constant 0 : i32
    %dma_start3A_322 = tpu.memref_slice %arg5[%dma_start3A_319, %dma_start3A_320, %dma_start3A_321] : memref<3x208x128xf32, #tpu.memory_space<vmem>> -> memref<1x208x128xf32, #tpu.memory_space<vmem>>
    %dma_start3A_323 = tpu.memref_squeeze %dma_start3A_322 : memref<1x208x128xf32, #tpu.memory_space<vmem>> -> memref<208x128xf32, #tpu.memory_space<vmem>>
    %dma_start3A_324 = arith.constant 0 : i32
    %dma_start3A_325 = tpu.memref_slice %arg2[%add3A_16, %dma_start3A_324] : memref<100000x128xf32, #tpu.memory_space<hbm>> -> memref<208x128xf32, #tpu.memory_space<hbm>>
    %dma_start3A_326 = arith.constant 0 : i32
    %dma_start3A_327 = arith.constant 0 : i32
    %dma_start3A_328 = tpu.memref_slice %arg5[%dma_start3A_319, %dma_start3A_326, %dma_start3A_327] : memref<3x208x128xf32, #tpu.memory_space<vmem>> -> memref<1x208x128xf32, #tpu.memory_space<vmem>>
    %dma_start3A_329 = tpu.memref_squeeze %dma_start3A_328 : memref<1x208x128xf32, #tpu.memory_space<vmem>> -> memref<208x128xf32, #tpu.memory_space<vmem>>
    %dma_start3A_330 = arith.constant 0 : i32
    %dma_start3A_331 = tpu.memref_slice %arg2[%add3A_16, %dma_start3A_330] : memref<100000x128xf32, #tpu.memory_space<hbm>> -> memref<208x128xf32, #tpu.memory_space<hbm>>
    tpu.enqueue_dma source(%dma_start3A_331 : memref<208x128xf32, #tpu.memory_space<hbm>>) target(%dma_start3A_329 : memref<208x128xf32, #tpu.memory_space<vmem>>) target_semaphore(%arg6 : memref<!tpu.dma_semaphore, #tpu.memory_space<semaphore_mem>>)
    %dma_wait3A_332 = arith.constant 1 : i32
    %dma_wait3A_333 = arith.constant 0 : i32
    %dma_wait3A_334 = arith.constant 0 : i32
    %dma_wait3A_335 = tpu.memref_slice %arg5[%dma_wait3A_332, %dma_wait3A_333, %dma_wait3A_334] : memref<3x208x128xf32, #tpu.memory_space<vmem>> -> memref<1x208x128xf32, #tpu.memory_space<vmem>>
    %dma_wait3A_336 = tpu.memref_squeeze %dma_wait3A_335 : memref<1x208x128xf32, #tpu.memory_space<vmem>> -> memref<208x128xf32, #tpu.memory_space<vmem>>
    %dma_wait3A_337 = arith.constant 0 : i32
    %dma_wait3A_338 = tpu.memref_slice %arg2[%add3A_12, %dma_wait3A_337] : memref<100000x128xf32, #tpu.memory_space<hbm>> -> memref<208x128xf32, #tpu.memory_space<hbm>>
    %dma_wait3A_339 = arith.constant 0 : i32
    %dma_wait3A_340 = arith.constant 0 : i32
    %dma_wait3A_341 = tpu.memref_slice %arg5[%dma_wait3A_332, %dma_wait3A_339, %dma_wait3A_340] : memref<3x208x128xf32, #tpu.memory_space<vmem>> -> memref<1x208x128xf32, #tpu.memory_space<vmem>>
    %dma_wait3A_342 = tpu.memref_squeeze %dma_wait3A_341 : memref<1x208x128xf32, #tpu.memory_space<vmem>> -> memref<208x128xf32, #tpu.memory_space<vmem>>
    %dma_wait3A_343 = arith.constant 0 : i32
    %dma_wait3A_344 = tpu.memref_slice %arg2[%add3A_12, %dma_wait3A_343] : memref<100000x128xf32, #tpu.memory_space<hbm>> -> memref<208x128xf32, #tpu.memory_space<hbm>>
    tpu.wait_dma2 semaphore(%arg7 : memref<!tpu.dma_semaphore, #tpu.memory_space<semaphore_mem>>) src(%dma_wait3A_344 : memref<208x128xf32, #tpu.memory_space<hbm>>) dst(%dma_wait3A_342 : memref<208x128xf32, #tpu.memory_space<vmem>>)
    %dma_start3A_345 = arith.constant 1 : i32
    %dma_start3A_346 = arith.constant 0 : i32
    %dma_start3A_347 = arith.constant 0 : i32
    %dma_start3A_348 = arith.constant 0 : i32
    %dma_start3A_349 = tpu.memref_slice %arg5[%dma_start3A_345, %dma_start3A_347, %dma_start3A_348] : memref<3x208x128xf32, #tpu.memory_space<vmem>> -> memref<1x208x128xf32, #tpu.memory_space<vmem>>
    %dma_start3A_350 = tpu.memref_squeeze %dma_start3A_349 : memref<1x208x128xf32, #tpu.memory_space<vmem>> -> memref<208x128xf32, #tpu.memory_space<vmem>>
    %dma_start3A_351 = arith.constant 0 : i32
    %dma_start3A_352 = tpu.memref_slice %arg4[%dma_start3A_346, %add3A_12, %dma_start3A_351] : memref<2x100000x128xf32, #tpu.memory_space<hbm>> -> memref<1x208x128xf32, #tpu.memory_space<hbm>>
    %dma_start3A_353 = tpu.memref_squeeze %dma_start3A_352 : memref<1x208x128xf32, #tpu.memory_space<hbm>> -> memref<208x128xf32, #tpu.memory_space<hbm>>
    %dma_start3A_354 = arith.constant 0 : i32
    %dma_start3A_355 = tpu.memref_slice %arg4[%dma_start3A_346, %add3A_12, %dma_start3A_354] : memref<2x100000x128xf32, #tpu.memory_space<hbm>> -> memref<1x208x128xf32, #tpu.memory_space<hbm>>
    %dma_start3A_356 = tpu.memref_squeeze %dma_start3A_355 : memref<1x208x128xf32, #tpu.memory_space<hbm>> -> memref<208x128xf32, #tpu.memory_space<hbm>>
    %dma_start3A_357 = arith.constant 0 : i32
    %dma_start3A_358 = arith.constant 0 : i32
    %dma_start3A_359 = tpu.memref_slice %arg5[%dma_start3A_345, %dma_start3A_357, %dma_start3A_358] : memref<3x208x128xf32, #tpu.memory_space<vmem>> -> memref<1x208x128xf32, #tpu.memory_space<vmem>>
    %dma_start3A_360 = tpu.memref_squeeze %dma_start3A_359 : memref<1x208x128xf32, #tpu.memory_space<vmem>> -> memref<208x128xf32, #tpu.memory_space<vmem>>
    tpu.enqueue_dma source(%dma_start3A_360 : memref<208x128xf32, #tpu.memory_space<vmem>>) target(%dma_start3A_356 : memref<208x128xf32, #tpu.memory_space<hbm>>) target_semaphore(%arg10 : memref<!tpu.dma_semaphore, #tpu.memory_space<semaphore_mem>>)
    %dma_wait3A_361 = arith.constant 1 : i32
    %dma_wait3A_362 = arith.constant 0 : i32
    %dma_wait3A_363 = arith.constant 0 : i32
    %dma_wait3A_364 = arith.constant 0 : i32
    %dma_wait3A_365 = tpu.memref_slice %arg5[%dma_wait3A_361, %dma_wait3A_363, %dma_wait3A_364] : memref<3x208x128xf32, #tpu.memory_space<vmem>> -> memref<1x208x128xf32, #tpu.memory_space<vmem>>
    %dma_wait3A_366 = tpu.memref_squeeze %dma_wait3A_365 : memref<1x208x128xf32, #tpu.memory_space<vmem>> -> memref<208x128xf32, #tpu.memory_space<vmem>>
    %dma_wait3A_367 = arith.constant 0 : i32
    %dma_wait3A_368 = tpu.memref_slice %arg4[%dma_wait3A_362, %add3A_12, %dma_wait3A_367] : memref<2x100000x128xf32, #tpu.memory_space<hbm>> -> memref<1x208x128xf32, #tpu.memory_space<hbm>>
    %dma_wait3A_369 = tpu.memref_squeeze %dma_wait3A_368 : memref<1x208x128xf32, #tpu.memory_space<hbm>> -> memref<208x128xf32, #tpu.memory_space<hbm>>
    %dma_wait3A_370 = arith.constant 0 : i32
    %dma_wait3A_371 = tpu.memref_slice %arg4[%dma_wait3A_362, %add3A_12, %dma_wait3A_370] : memref<2x100000x128xf32, #tpu.memory_space<hbm>> -> memref<1x208x128xf32, #tpu.memory_space<hbm>>
    %dma_wait3A_372 = tpu.memref_squeeze %dma_wait3A_371 : memref<1x208x128xf32, #tpu.memory_space<hbm>> -> memref<208x128xf32, #tpu.memory_space<hbm>>
    %dma_wait3A_373 = arith.constant 0 : i32
    %dma_wait3A_374 = arith.constant 0 : i32
    %dma_wait3A_375 = tpu.memref_slice %arg5[%dma_wait3A_361, %dma_wait3A_373, %dma_wait3A_374] : memref<3x208x128xf32, #tpu.memory_space<vmem>> -> memref<1x208x128xf32, #tpu.memory_space<vmem>>
    %dma_wait3A_376 = tpu.memref_squeeze %dma_wait3A_375 : memref<1x208x128xf32, #tpu.memory_space<vmem>> -> memref<208x128xf32, #tpu.memory_space<vmem>>
    tpu.wait_dma2 semaphore(%arg10 : memref<!tpu.dma_semaphore, #tpu.memory_space<semaphore_mem>>) src(%dma_wait3A_376 : memref<208x128xf32, #tpu.memory_space<vmem>>) dst(%dma_wait3A_372 : memref<208x128xf32, #tpu.memory_space<hbm>>)
    %dma_start3A_377 = arith.constant 1 : i32
    %dma_start3A_378 = arith.constant 0 : i32
    %dma_start3A_379 = arith.constant 0 : i32
    %dma_start3A_380 = tpu.memref_slice %arg5[%dma_start3A_377, %dma_start3A_378, %dma_start3A_379] : memref<3x208x128xf32, #tpu.memory_space<vmem>> -> memref<1x208x128xf32, #tpu.memory_space<vmem>>
    %dma_start3A_381 = tpu.memref_squeeze %dma_start3A_380 : memref<1x208x128xf32, #tpu.memory_space<vmem>> -> memref<208x128xf32, #tpu.memory_space<vmem>>
    %dma_start3A_382 = arith.constant 0 : i32
    %dma_start3A_383 = tpu.memref_slice %arg2[%add3A_18, %dma_start3A_382] : memref<100000x128xf32, #tpu.memory_space<hbm>> -> memref<208x128xf32, #tpu.memory_space<hbm>>
    %dma_start3A_384 = arith.constant 0 : i32
    %dma_start3A_385 = arith.constant 0 : i32
    %dma_start3A_386 = tpu.memref_slice %arg5[%dma_start3A_377, %dma_start3A_384, %dma_start3A_385] : memref<3x208x128xf32, #tpu.memory_space<vmem>> -> memref<1x208x128xf32, #tpu.memory_space<vmem>>
    %dma_start3A_387 = tpu.memref_squeeze %dma_start3A_386 : memref<1x208x128xf32, #tpu.memory_space<vmem>> -> memref<208x128xf32, #tpu.memory_space<vmem>>
    %dma_start3A_388 = arith.constant 0 : i32
    %dma_start3A_389 = tpu.memref_slice %arg2[%add3A_18, %dma_start3A_388] : memref<100000x128xf32, #tpu.memory_space<hbm>> -> memref<208x128xf32, #tpu.memory_space<hbm>>
    tpu.enqueue_dma source(%dma_start3A_389 : memref<208x128xf32, #tpu.memory_space<hbm>>) target(%dma_start3A_387 : memref<208x128xf32, #tpu.memory_space<vmem>>) target_semaphore(%arg7 : memref<!tpu.dma_semaphore, #tpu.memory_space<semaphore_mem>>)
    %dma_wait3A_390 = arith.constant 2 : i32
    %dma_wait3A_391 = arith.constant 0 : i32
    %dma_wait3A_392 = arith.constant 0 : i32
    %dma_wait3A_393 = tpu.memref_slice %arg5[%dma_wait3A_390, %dma_wait3A_391, %dma_wait3A_392] : memref<3x208x128xf32, #tpu.memory_space<vmem>> -> memref<1x208x128xf32, #tpu.memory_space<vmem>>
    %dma_wait3A_394 = tpu.memref_squeeze %dma_wait3A_393 : memref<1x208x128xf32, #tpu.memory_space<vmem>> -> memref<208x128xf32, #tpu.memory_space<vmem>>
    %dma_wait3A_395 = arith.constant 0 : i32
    %dma_wait3A_396 = tpu.memref_slice %arg2[%add3A_14, %dma_wait3A_395] : memref<100000x128xf32, #tpu.memory_space<hbm>> -> memref<208x128xf32, #tpu.memory_space<hbm>>
    %dma_wait3A_397 = arith.constant 0 : i32
    %dma_wait3A_398 = arith.constant 0 : i32
    %dma_wait3A_399 = tpu.memref_slice %arg5[%dma_wait3A_390, %dma_wait3A_397, %dma_wait3A_398] : memref<3x208x128xf32, #tpu.memory_space<vmem>> -> memref<1x208x128xf32, #tpu.memory_space<vmem>>
    %dma_wait3A_400 = tpu.memref_squeeze %dma_wait3A_399 : memref<1x208x128xf32, #tpu.memory_space<vmem>> -> memref<208x128xf32, #tpu.memory_space<vmem>>
    %dma_wait3A_401 = arith.constant 0 : i32
    %dma_wait3A_402 = tpu.memref_slice %arg2[%add3A_14, %dma_wait3A_401] : memref<100000x128xf32, #tpu.memory_space<hbm>> -> memref<208x128xf32, #tpu.memory_space<hbm>>
    tpu.wait_dma2 semaphore(%arg8 : memref<!tpu.dma_semaphore, #tpu.memory_space<semaphore_mem>>) src(%dma_wait3A_402 : memref<208x128xf32, #tpu.memory_space<hbm>>) dst(%dma_wait3A_400 : memref<208x128xf32, #tpu.memory_space<vmem>>)
    %dma_start3A_403 = arith.constant 2 : i32
    %dma_start3A_404 = arith.constant 0 : i32
    %dma_start3A_405 = arith.constant 0 : i32
    %dma_start3A_406 = arith.constant 0 : i32
    %dma_start3A_407 = tpu.memref_slice %arg5[%dma_start3A_403, %dma_start3A_405, %dma_start3A_406] : memref<3x208x128xf32, #tpu.memory_space<vmem>> -> memref<1x208x128xf32, #tpu.memory_space<vmem>>
    %dma_start3A_408 = tpu.memref_squeeze %dma_start3A_407 : memref<1x208x128xf32, #tpu.memory_space<vmem>> -> memref<208x128xf32, #tpu.memory_space<vmem>>
    %dma_start3A_409 = arith.constant 0 : i32
    %dma_start3A_410 = tpu.memref_slice %arg4[%dma_start3A_404, %add3A_14, %dma_start3A_409] : memref<2x100000x128xf32, #tpu.memory_space<hbm>> -> memref<1x208x128xf32, #tpu.memory_space<hbm>>
    %dma_start3A_411 = tpu.memref_squeeze %dma_start3A_410 : memref<1x208x128xf32, #tpu.memory_space<hbm>> -> memref<208x128xf32, #tpu.memory_space<hbm>>
    %dma_start3A_412 = arith.constant 0 : i32
    %dma_start3A_413 = tpu.memref_slice %arg4[%dma_start3A_404, %add3A_14, %dma_start3A_412] : memref<2x100000x128xf32, #tpu.memory_space<hbm>> -> memref<1x208x128xf32, #tpu.memory_space<hbm>>
    %dma_start3A_414 = tpu.memref_squeeze %dma_start3A_413 : memref<1x208x128xf32, #tpu.memory_space<hbm>> -> memref<208x128xf32, #tpu.memory_space<hbm>>
    %dma_start3A_415 = arith.constant 0 : i32
    %dma_start3A_416 = arith.constant 0 : i32
    %dma_start3A_417 = tpu.memref_slice %arg5[%dma_start3A_403, %dma_start3A_415, %dma_start3A_416] : memref<3x208x128xf32, #tpu.memory_space<vmem>> -> memref<1x208x128xf32, #tpu.memory_space<vmem>>
    %dma_start3A_418 = tpu.memref_squeeze %dma_start3A_417 : memref<1x208x128xf32, #tpu.memory_space<vmem>> -> memref<208x128xf32, #tpu.memory_space<vmem>>
    tpu.enqueue_dma source(%dma_start3A_418 : memref<208x128xf32, #tpu.memory_space<vmem>>) target(%dma_start3A_414 : memref<208x128xf32, #tpu.memory_space<hbm>>) target_semaphore(%arg11 : memref<!tpu.dma_semaphore, #tpu.memory_space<semaphore_mem>>)
    %dma_wait3A_419 = arith.constant 2 : i32
    %dma_wait3A_420 = arith.constant 0 : i32
    %dma_wait3A_421 = arith.constant 0 : i32
    %dma_wait3A_422 = arith.constant 0 : i32
    %dma_wait3A_423 = tpu.memref_slice %arg5[%dma_wait3A_419, %dma_wait3A_421, %dma_wait3A_422] : memref<3x208x128xf32, #tpu.memory_space<vmem>> -> memref<1x208x128xf32, #tpu.memory_space<vmem>>
    %dma_wait3A_424 = tpu.memref_squeeze %dma_wait3A_423 : memref<1x208x128xf32, #tpu.memory_space<vmem>> -> memref<208x128xf32, #tpu.memory_space<vmem>>
    %dma_wait3A_425 = arith.constant 0 : i32
    %dma_wait3A_426 = tpu.memref_slice %arg4[%dma_wait3A_420, %add3A_14, %dma_wait3A_425] : memref<2x100000x128xf32, #tpu.memory_space<hbm>> -> memref<1x208x128xf32, #tpu.memory_space<hbm>>
    %dma_wait3A_427 = tpu.memref_squeeze %dma_wait3A_426 : memref<1x208x128xf32, #tpu.memory_space<hbm>> -> memref<208x128xf32, #tpu.memory_space<hbm>>
    %dma_wait3A_428 = arith.constant 0 : i32
    %dma_wait3A_429 = tpu.memref_slice %arg4[%dma_wait3A_420, %add3A_14, %dma_wait3A_428] : memref<2x100000x128xf32, #tpu.memory_space<hbm>> -> memref<1x208x128xf32, #tpu.memory_space<hbm>>
    %dma_wait3A_430 = tpu.memref_squeeze %dma_wait3A_429 : memref<1x208x128xf32, #tpu.memory_space<hbm>> -> memref<208x128xf32, #tpu.memory_space<hbm>>
    %dma_wait3A_431 = arith.constant 0 : i32
    %dma_wait3A_432 = arith.constant 0 : i32
    %dma_wait3A_433 = tpu.memref_slice %arg5[%dma_wait3A_419, %dma_wait3A_431, %dma_wait3A_432] : memref<3x208x128xf32, #tpu.memory_space<vmem>> -> memref<1x208x128xf32, #tpu.memory_space<vmem>>
    %dma_wait3A_434 = tpu.memref_squeeze %dma_wait3A_433 : memref<1x208x128xf32, #tpu.memory_space<vmem>> -> memref<208x128xf32, #tpu.memory_space<vmem>>
    tpu.wait_dma2 semaphore(%arg11 : memref<!tpu.dma_semaphore, #tpu.memory_space<semaphore_mem>>) src(%dma_wait3A_434 : memref<208x128xf32, #tpu.memory_space<vmem>>) dst(%dma_wait3A_430 : memref<208x128xf32, #tpu.memory_space<hbm>>)
    %dma_start3A_435 = arith.constant 2 : i32
    %dma_start3A_436 = arith.constant 0 : i32
    %dma_start3A_437 = arith.constant 0 : i32
    %dma_start3A_438 = tpu.memref_slice %arg5[%dma_start3A_435, %dma_start3A_436, %dma_start3A_437] : memref<3x208x128xf32, #tpu.memory_space<vmem>> -> memref<1x208x128xf32, #tpu.memory_space<vmem>>
    %dma_start3A_439 = tpu.memref_squeeze %dma_start3A_438 : memref<1x208x128xf32, #tpu.memory_space<vmem>> -> memref<208x128xf32, #tpu.memory_space<vmem>>
    %dma_start3A_440 = arith.constant 0 : i32
    %dma_start3A_441 = tpu.memref_slice %arg2[%add3A_20, %dma_start3A_440] : memref<100000x128xf32, #tpu.memory_space<hbm>> -> memref<208x128xf32, #tpu.memory_space<hbm>>
    %dma_start3A_442 = arith.constant 0 : i32
    %dma_start3A_443 = arith.constant 0 : i32
    %dma_start3A_444 = tpu.memref_slice %arg5[%dma_start3A_435, %dma_start3A_442, %dma_start3A_443] : memref<3x208x128xf32, #tpu.memory_space<vmem>> -> memref<1x208x128xf32, #tpu.memory_space<vmem>>
    %dma_start3A_445 = tpu.memref_squeeze %dma_start3A_444 : memref<1x208x128xf32, #tpu.memory_space<vmem>> -> memref<208x128xf32, #tpu.memory_space<vmem>>
    %dma_start3A_446 = arith.constant 0 : i32
    %dma_start3A_447 = tpu.memref_slice %arg2[%add3A_20, %dma_start3A_446] : memref<100000x128xf32, #tpu.memory_space<hbm>> -> memref<208x128xf32, #tpu.memory_space<hbm>>
    tpu.enqueue_dma source(%dma_start3A_447 : memref<208x128xf32, #tpu.memory_space<hbm>>) target(%dma_start3A_445 : memref<208x128xf32, #tpu.memory_space<vmem>>) target_semaphore(%arg8 : memref<!tpu.dma_semaphore, #tpu.memory_space<semaphore_mem>>)
    %dma_wait3A_448 = arith.constant 0 : i32
    %dma_wait3A_449 = arith.constant 0 : i32
    %dma_wait3A_450 = arith.constant 0 : i32
    %dma_wait3A_451 = tpu.memref_slice %arg5[%dma_wait3A_448, %dma_wait3A_449, %dma_wait3A_450] : memref<3x208x128xf32, #tpu.memory_space<vmem>> -> memref<1x208x128xf32, #tpu.memory_space<vmem>>
    %dma_wait3A_452 = tpu.memref_squeeze %dma_wait3A_451 : memref<1x208x128xf32, #tpu.memory_space<vmem>> -> memref<208x128xf32, #tpu.memory_space<vmem>>
    %dma_wait3A_453 = arith.constant 0 : i32
    %dma_wait3A_454 = tpu.memref_slice %arg2[%add3A_16, %dma_wait3A_453] : memref<100000x128xf32, #tpu.memory_space<hbm>> -> memref<208x128xf32, #tpu.memory_space<hbm>>
    %dma_wait3A_455 = arith.constant 0 : i32
    %dma_wait3A_456 = arith.constant 0 : i32
    %dma_wait3A_457 = tpu.memref_slice %arg5[%dma_wait3A_448, %dma_wait3A_455, %dma_wait3A_456] : memref<3x208x128xf32, #tpu.memory_space<vmem>> -> memref<1x208x128xf32, #tpu.memory_space<vmem>>
    %dma_wait3A_458 = tpu.memref_squeeze %dma_wait3A_457 : memref<1x208x128xf32, #tpu.memory_space<vmem>> -> memref<208x128xf32, #tpu.memory_space<vmem>>
    %dma_wait3A_459 = arith.constant 0 : i32
    %dma_wait3A_460 = tpu.memref_slice %arg2[%add3A_16, %dma_wait3A_459] : memref<100000x128xf32, #tpu.memory_space<hbm>> -> memref<208x128xf32, #tpu.memory_space<hbm>>
    tpu.wait_dma2 semaphore(%arg6 : memref<!tpu.dma_semaphore, #tpu.memory_space<semaphore_mem>>) src(%dma_wait3A_460 : memref<208x128xf32, #tpu.memory_space<hbm>>) dst(%dma_wait3A_458 : memref<208x128xf32, #tpu.memory_space<vmem>>)
    %dma_start3A_461 = arith.constant 0 : i32
    %dma_start3A_462 = arith.constant 0 : i32
    %dma_start3A_463 = arith.constant 0 : i32
    %dma_start3A_464 = arith.constant 0 : i32
    %dma_start3A_465 = tpu.memref_slice %arg5[%dma_start3A_461, %dma_start3A_463, %dma_start3A_464] : memref<3x208x128xf32, #tpu.memory_space<vmem>> -> memref<1x208x128xf32, #tpu.memory_space<vmem>>
    %dma_start3A_466 = tpu.memref_squeeze %dma_start3A_465 : memref<1x208x128xf32, #tpu.memory_space<vmem>> -> memref<208x128xf32, #tpu.memory_space<vmem>>
    %dma_start3A_467 = arith.constant 0 : i32
    %dma_start3A_468 = tpu.memref_slice %arg4[%dma_start3A_462, %add3A_16, %dma_start3A_467] : memref<2x100000x128xf32, #tpu.memory_space<hbm>> -> memref<1x208x128xf32, #tpu.memory_space<hbm>>
    %dma_start3A_469 = tpu.memref_squeeze %dma_start3A_468 : memref<1x208x128xf32, #tpu.memory_space<hbm>> -> memref<208x128xf32, #tpu.memory_space<hbm>>
    %dma_start3A_470 = arith.constant 0 : i32
    %dma_start3A_471 = tpu.memref_slice %arg4[%dma_start3A_462, %add3A_16, %dma_start3A_470] : memref<2x100000x128xf32, #tpu.memory_space<hbm>> -> memref<1x208x128xf32, #tpu.memory_space<hbm>>
    %dma_start3A_472 = tpu.memref_squeeze %dma_start3A_471 : memref<1x208x128xf32, #tpu.memory_space<hbm>> -> memref<208x128xf32, #tpu.memory_space<hbm>>
    %dma_start3A_473 = arith.constant 0 : i32
    %dma_start3A_474 = arith.constant 0 : i32
    %dma_start3A_475 = tpu.memref_slice %arg5[%dma_start3A_461, %dma_start3A_473, %dma_start3A_474] : memref<3x208x128xf32, #tpu.memory_space<vmem>> -> memref<1x208x128xf32, #tpu.memory_space<vmem>>
    %dma_start3A_476 = tpu.memref_squeeze %dma_start3A_475 : memref<1x208x128xf32, #tpu.memory_space<vmem>> -> memref<208x128xf32, #tpu.memory_space<vmem>>
    tpu.enqueue_dma source(%dma_start3A_476 : memref<208x128xf32, #tpu.memory_space<vmem>>) target(%dma_start3A_472 : memref<208x128xf32, #tpu.memory_space<hbm>>) target_semaphore(%arg9 : memref<!tpu.dma_semaphore, #tpu.memory_space<semaphore_mem>>)
    %dma_wait3A_477 = arith.constant 0 : i32
    %dma_wait3A_478 = arith.constant 0 : i32
    %dma_wait3A_479 = arith.constant 0 : i32
    %dma_wait3A_480 = arith.constant 0 : i32
    %dma_wait3A_481 = tpu.memref_slice %arg5[%dma_wait3A_477, %dma_wait3A_479, %dma_wait3A_480] : memref<3x208x128xf32, #tpu.memory_space<vmem>> -> memref<1x208x128xf32, #tpu.memory_space<vmem>>
    %dma_wait3A_482 = tpu.memref_squeeze %dma_wait3A_481 : memref<1x208x128xf32, #tpu.memory_space<vmem>> -> memref<208x128xf32, #tpu.memory_space<vmem>>
    %dma_wait3A_483 = arith.constant 0 : i32
    %dma_wait3A_484 = tpu.memref_slice %arg4[%dma_wait3A_478, %add3A_16, %dma_wait3A_483] : memref<2x100000x128xf32, #tpu.memory_space<hbm>> -> memref<1x208x128xf32, #tpu.memory_space<hbm>>
    %dma_wait3A_485 = tpu.memref_squeeze %dma_wait3A_484 : memref<1x208x128xf32, #tpu.memory_space<hbm>> -> memref<208x128xf32, #tpu.memory_space<hbm>>
    %dma_wait3A_486 = arith.constant 0 : i32
    %dma_wait3A_487 = tpu.memref_slice %arg4[%dma_wait3A_478, %add3A_16, %dma_wait3A_486] : memref<2x100000x128xf32, #tpu.memory_space<hbm>> -> memref<1x208x128xf32, #tpu.memory_space<hbm>>
    %dma_wait3A_488 = tpu.memref_squeeze %dma_wait3A_487 : memref<1x208x128xf32, #tpu.memory_space<hbm>> -> memref<208x128xf32, #tpu.memory_space<hbm>>
    %dma_wait3A_489 = arith.constant 0 : i32
    %dma_wait3A_490 = arith.constant 0 : i32
    %dma_wait3A_491 = tpu.memref_slice %arg5[%dma_wait3A_477, %dma_wait3A_489, %dma_wait3A_490] : memref<3x208x128xf32, #tpu.memory_space<vmem>> -> memref<1x208x128xf32, #tpu.memory_space<vmem>>
    %dma_wait3A_492 = tpu.memref_squeeze %dma_wait3A_491 : memref<1x208x128xf32, #tpu.memory_space<vmem>> -> memref<208x128xf32, #tpu.memory_space<vmem>>
    tpu.wait_dma2 semaphore(%arg9 : memref<!tpu.dma_semaphore, #tpu.memory_space<semaphore_mem>>) src(%dma_wait3A_492 : memref<208x128xf32, #tpu.memory_space<vmem>>) dst(%dma_wait3A_488 : memref<208x128xf32, #tpu.memory_space<hbm>>)
    %dma_start3A_493 = arith.constant 0 : i32
    %dma_start3A_494 = arith.constant 0 : i32
    %dma_start3A_495 = arith.constant 0 : i32
    %dma_start3A_496 = tpu.memref_slice %arg5[%dma_start3A_493, %dma_start3A_494, %dma_start3A_495] : memref<3x208x128xf32, #tpu.memory_space<vmem>> -> memref<1x208x128xf32, #tpu.memory_space<vmem>>
    %dma_start3A_497 = tpu.memref_squeeze %dma_start3A_496 : memref<1x208x128xf32, #tpu.memory_space<vmem>> -> memref<208x128xf32, #tpu.memory_space<vmem>>
    %dma_start3A_498 = arith.constant 0 : i32
    %dma_start3A_499 = tpu.memref_slice %arg2[%add3A_22, %dma_start3A_498] : memref<100000x128xf32, #tpu.memory_space<hbm>> -> memref<208x128xf32, #tpu.memory_space<hbm>>
    %dma_start3A_500 = arith.constant 0 : i32
    %dma_start3A_501 = arith.constant 0 : i32
    %dma_start3A_502 = tpu.memref_slice %arg5[%dma_start3A_493, %dma_start3A_500, %dma_start3A_501] : memref<3x208x128xf32, #tpu.memory_space<vmem>> -> memref<1x208x128xf32, #tpu.memory_space<vmem>>
    %dma_start3A_503 = tpu.memref_squeeze %dma_start3A_502 : memref<1x208x128xf32, #tpu.memory_space<vmem>> -> memref<208x128xf32, #tpu.memory_space<vmem>>
    %dma_start3A_504 = arith.constant 0 : i32
    %dma_start3A_505 = tpu.memref_slice %arg2[%add3A_22, %dma_start3A_504] : memref<100000x128xf32, #tpu.memory_space<hbm>> -> memref<208x128xf32, #tpu.memory_space<hbm>>
    tpu.enqueue_dma source(%dma_start3A_505 : memref<208x128xf32, #tpu.memory_space<hbm>>) target(%dma_start3A_503 : memref<208x128xf32, #tpu.memory_space<vmem>>) target_semaphore(%arg6 : memref<!tpu.dma_semaphore, #tpu.memory_space<semaphore_mem>>)
    %dma_wait3A_506 = arith.constant 1 : i32
    %dma_wait3A_507 = arith.constant 0 : i32
    %dma_wait3A_508 = arith.constant 0 : i32
    %dma_wait3A_509 = tpu.memref_slice %arg5[%dma_wait3A_506, %dma_wait3A_507, %dma_wait3A_508] : memref<3x208x128xf32, #tpu.memory_space<vmem>> -> memref<1x208x128xf32, #tpu.memory_space<vmem>>
    %dma_wait3A_510 = tpu.memref_squeeze %dma_wait3A_509 : memref<1x208x128xf32, #tpu.memory_space<vmem>> -> memref<208x128xf32, #tpu.memory_space<vmem>>
    %dma_wait3A_511 = arith.constant 0 : i32
    %dma_wait3A_512 = tpu.memref_slice %arg2[%add3A_18, %dma_wait3A_511] : memref<100000x128xf32, #tpu.memory_space<hbm>> -> memref<208x128xf32, #tpu.memory_space<hbm>>
    %dma_wait3A_513 = arith.constant 0 : i32
    %dma_wait3A_514 = arith.constant 0 : i32
    %dma_wait3A_515 = tpu.memref_slice %arg5[%dma_wait3A_506, %dma_wait3A_513, %dma_wait3A_514] : memref<3x208x128xf32, #tpu.memory_space<vmem>> -> memref<1x208x128xf32, #tpu.memory_space<vmem>>
    %dma_wait3A_516 = tpu.memref_squeeze %dma_wait3A_515 : memref<1x208x128xf32, #tpu.memory_space<vmem>> -> memref<208x128xf32, #tpu.memory_space<vmem>>
    %dma_wait3A_517 = arith.constant 0 : i32
    %dma_wait3A_518 = tpu.memref_slice %arg2[%add3A_18, %dma_wait3A_517] : memref<100000x128xf32, #tpu.memory_space<hbm>> -> memref<208x128xf32, #tpu.memory_space<hbm>>
    tpu.wait_dma2 semaphore(%arg7 : memref<!tpu.dma_semaphore, #tpu.memory_space<semaphore_mem>>) src(%dma_wait3A_518 : memref<208x128xf32, #tpu.memory_space<hbm>>) dst(%dma_wait3A_516 : memref<208x128xf32, #tpu.memory_space<vmem>>)
    %dma_start3A_519 = arith.constant 1 : i32
    %dma_start3A_520 = arith.constant 0 : i32
    %dma_start3A_521 = arith.constant 0 : i32
    %dma_start3A_522 = arith.constant 0 : i32
    %dma_start3A_523 = tpu.memref_slice %arg5[%dma_start3A_519, %dma_start3A_521, %dma_start3A_522] : memref<3x208x128xf32, #tpu.memory_space<vmem>> -> memref<1x208x128xf32, #tpu.memory_space<vmem>>
    %dma_start3A_524 = tpu.memref_squeeze %dma_start3A_523 : memref<1x208x128xf32, #tpu.memory_space<vmem>> -> memref<208x128xf32, #tpu.memory_space<vmem>>
    %dma_start3A_525 = arith.constant 0 : i32
    %dma_start3A_526 = tpu.memref_slice %arg4[%dma_start3A_520, %add3A_18, %dma_start3A_525] : memref<2x100000x128xf32, #tpu.memory_space<hbm>> -> memref<1x208x128xf32, #tpu.memory_space<hbm>>
    %dma_start3A_527 = tpu.memref_squeeze %dma_start3A_526 : memref<1x208x128xf32, #tpu.memory_space<hbm>> -> memref<208x128xf32, #tpu.memory_space<hbm>>
    %dma_start3A_528 = arith.constant 0 : i32
    %dma_start3A_529 = tpu.memref_slice %arg4[%dma_start3A_520, %add3A_18, %dma_start3A_528] : memref<2x100000x128xf32, #tpu.memory_space<hbm>> -> memref<1x208x128xf32, #tpu.memory_space<hbm>>
    %dma_start3A_530 = tpu.memref_squeeze %dma_start3A_529 : memref<1x208x128xf32, #tpu.memory_space<hbm>> -> memref<208x128xf32, #tpu.memory_space<hbm>>
    %dma_start3A_531 = arith.constant 0 : i32
    %dma_start3A_532 = arith.constant 0 : i32
    %dma_start3A_533 = tpu.memref_slice %arg5[%dma_start3A_519, %dma_start3A_531, %dma_start3A_532] : memref<3x208x128xf32, #tpu.memory_space<vmem>> -> memref<1x208x128xf32, #tpu.memory_space<vmem>>
    %dma_start3A_534 = tpu.memref_squeeze %dma_start3A_533 : memref<1x208x128xf32, #tpu.memory_space<vmem>> -> memref<208x128xf32, #tpu.memory_space<vmem>>
    tpu.enqueue_dma source(%dma_start3A_534 : memref<208x128xf32, #tpu.memory_space<vmem>>) target(%dma_start3A_530 : memref<208x128xf32, #tpu.memory_space<hbm>>) target_semaphore(%arg10 : memref<!tpu.dma_semaphore, #tpu.memory_space<semaphore_mem>>)
    %dma_wait3A_535 = arith.constant 1 : i32
    %dma_wait3A_536 = arith.constant 0 : i32
    %dma_wait3A_537 = arith.constant 0 : i32
    %dma_wait3A_538 = arith.constant 0 : i32
    %dma_wait3A_539 = tpu.memref_slice %arg5[%dma_wait3A_535, %dma_wait3A_537, %dma_wait3A_538] : memref<3x208x128xf32, #tpu.memory_space<vmem>> -> memref<1x208x128xf32, #tpu.memory_space<vmem>>
    %dma_wait3A_540 = tpu.memref_squeeze %dma_wait3A_539 : memref<1x208x128xf32, #tpu.memory_space<vmem>> -> memref<208x128xf32, #tpu.memory_space<vmem>>
    %dma_wait3A_541 = arith.constant 0 : i32
    %dma_wait3A_542 = tpu.memref_slice %arg4[%dma_wait3A_536, %add3A_18, %dma_wait3A_541] : memref<2x100000x128xf32, #tpu.memory_space<hbm>> -> memref<1x208x128xf32, #tpu.memory_space<hbm>>
    %dma_wait3A_543 = tpu.memref_squeeze %dma_wait3A_542 : memref<1x208x128xf32, #tpu.memory_space<hbm>> -> memref<208x128xf32, #tpu.memory_space<hbm>>
    %dma_wait3A_544 = arith.constant 0 : i32
    %dma_wait3A_545 = tpu.memref_slice %arg4[%dma_wait3A_536, %add3A_18, %dma_wait3A_544] : memref<2x100000x128xf32, #tpu.memory_space<hbm>> -> memref<1x208x128xf32, #tpu.memory_space<hbm>>
    %dma_wait3A_546 = tpu.memref_squeeze %dma_wait3A_545 : memref<1x208x128xf32, #tpu.memory_space<hbm>> -> memref<208x128xf32, #tpu.memory_space<hbm>>
    %dma_wait3A_547 = arith.constant 0 : i32
    %dma_wait3A_548 = arith.constant 0 : i32
    %dma_wait3A_549 = tpu.memref_slice %arg5[%dma_wait3A_535, %dma_wait3A_547, %dma_wait3A_548] : memref<3x208x128xf32, #tpu.memory_space<vmem>> -> memref<1x208x128xf32, #tpu.memory_space<vmem>>
    %dma_wait3A_550 = tpu.memref_squeeze %dma_wait3A_549 : memref<1x208x128xf32, #tpu.memory_space<vmem>> -> memref<208x128xf32, #tpu.memory_space<vmem>>
    tpu.wait_dma2 semaphore(%arg10 : memref<!tpu.dma_semaphore, #tpu.memory_space<semaphore_mem>>) src(%dma_wait3A_550 : memref<208x128xf32, #tpu.memory_space<vmem>>) dst(%dma_wait3A_546 : memref<208x128xf32, #tpu.memory_space<hbm>>)
    %dma_start3A_551 = arith.constant 1 : i32
    %dma_start3A_552 = arith.constant 0 : i32
    %dma_start3A_553 = arith.constant 0 : i32
    %dma_start3A_554 = tpu.memref_slice %arg5[%dma_start3A_551, %dma_start3A_552, %dma_start3A_553] : memref<3x208x128xf32, #tpu.memory_space<vmem>> -> memref<1x208x128xf32, #tpu.memory_space<vmem>>
    %dma_start3A_555 = tpu.memref_squeeze %dma_start3A_554 : memref<1x208x128xf32, #tpu.memory_space<vmem>> -> memref<208x128xf32, #tpu.memory_space<vmem>>
    %dma_start3A_556 = arith.constant 0 : i32
    %dma_start3A_557 = tpu.memref_slice %arg2[%add3A_24, %dma_start3A_556] : memref<100000x128xf32, #tpu.memory_space<hbm>> -> memref<208x128xf32, #tpu.memory_space<hbm>>
    %dma_start3A_558 = arith.constant 0 : i32
    %dma_start3A_559 = arith.constant 0 : i32
    %dma_start3A_560 = tpu.memref_slice %arg5[%dma_start3A_551, %dma_start3A_558, %dma_start3A_559] : memref<3x208x128xf32, #tpu.memory_space<vmem>> -> memref<1x208x128xf32, #tpu.memory_space<vmem>>
    %dma_start3A_561 = tpu.memref_squeeze %dma_start3A_560 : memref<1x208x128xf32, #tpu.memory_space<vmem>> -> memref<208x128xf32, #tpu.memory_space<vmem>>
    %dma_start3A_562 = arith.constant 0 : i32
    %dma_start3A_563 = tpu.memref_slice %arg2[%add3A_24, %dma_start3A_562] : memref<100000x128xf32, #tpu.memory_space<hbm>> -> memref<208x128xf32, #tpu.memory_space<hbm>>
    tpu.enqueue_dma source(%dma_start3A_563 : memref<208x128xf32, #tpu.memory_space<hbm>>) target(%dma_start3A_561 : memref<208x128xf32, #tpu.memory_space<vmem>>) target_semaphore(%arg7 : memref<!tpu.dma_semaphore, #tpu.memory_space<semaphore_mem>>)
    %dma_wait3A_564 = arith.constant 2 : i32
    %dma_wait3A_565 = arith.constant 0 : i32
    %dma_wait3A_566 = arith.constant 0 : i32
    %dma_wait3A_567 = tpu.memref_slice %arg5[%dma_wait3A_564, %dma_wait3A_565, %dma_wait3A_566] : memref<3x208x128xf32, #tpu.memory_space<vmem>> -> memref<1x208x128xf32, #tpu.memory_space<vmem>>
    %dma_wait3A_568 = tpu.memref_squeeze %dma_wait3A_567 : memref<1x208x128xf32, #tpu.memory_space<vmem>> -> memref<208x128xf32, #tpu.memory_space<vmem>>
    %dma_wait3A_569 = arith.constant 0 : i32
    %dma_wait3A_570 = tpu.memref_slice %arg2[%add3A_20, %dma_wait3A_569] : memref<100000x128xf32, #tpu.memory_space<hbm>> -> memref<208x128xf32, #tpu.memory_space<hbm>>
    %dma_wait3A_571 = arith.constant 0 : i32
    %dma_wait3A_572 = arith.constant 0 : i32
    %dma_wait3A_573 = tpu.memref_slice %arg5[%dma_wait3A_564, %dma_wait3A_571, %dma_wait3A_572] : memref<3x208x128xf32, #tpu.memory_space<vmem>> -> memref<1x208x128xf32, #tpu.memory_space<vmem>>
    %dma_wait3A_574 = tpu.memref_squeeze %dma_wait3A_573 : memref<1x208x128xf32, #tpu.memory_space<vmem>> -> memref<208x128xf32, #tpu.memory_space<vmem>>
    %dma_wait3A_575 = arith.constant 0 : i32
    %dma_wait3A_576 = tpu.memref_slice %arg2[%add3A_20, %dma_wait3A_575] : memref<100000x128xf32, #tpu.memory_space<hbm>> -> memref<208x128xf32, #tpu.memory_space<hbm>>
    tpu.wait_dma2 semaphore(%arg8 : memref<!tpu.dma_semaphore, #tpu.memory_space<semaphore_mem>>) src(%dma_wait3A_576 : memref<208x128xf32, #tpu.memory_space<hbm>>) dst(%dma_wait3A_574 : memref<208x128xf32, #tpu.memory_space<vmem>>)
    %dma_start3A_577 = arith.constant 2 : i32
    %dma_start3A_578 = arith.constant 0 : i32
    %dma_start3A_579 = arith.constant 0 : i32
    %dma_start3A_580 = arith.constant 0 : i32
    %dma_start3A_581 = tpu.memref_slice %arg5[%dma_start3A_577, %dma_start3A_579, %dma_start3A_580] : memref<3x208x128xf32, #tpu.memory_space<vmem>> -> memref<1x208x128xf32, #tpu.memory_space<vmem>>
    %dma_start3A_582 = tpu.memref_squeeze %dma_start3A_581 : memref<1x208x128xf32, #tpu.memory_space<vmem>> -> memref<208x128xf32, #tpu.memory_space<vmem>>
    %dma_start3A_583 = arith.constant 0 : i32
    %dma_start3A_584 = tpu.memref_slice %arg4[%dma_start3A_578, %add3A_20, %dma_start3A_583] : memref<2x100000x128xf32, #tpu.memory_space<hbm>> -> memref<1x208x128xf32, #tpu.memory_space<hbm>>
    %dma_start3A_585 = tpu.memref_squeeze %dma_start3A_584 : memref<1x208x128xf32, #tpu.memory_space<hbm>> -> memref<208x128xf32, #tpu.memory_space<hbm>>
    %dma_start3A_586 = arith.constant 0 : i32
    %dma_start3A_587 = tpu.memref_slice %arg4[%dma_start3A_578, %add3A_20, %dma_start3A_586] : memref<2x100000x128xf32, #tpu.memory_space<hbm>> -> memref<1x208x128xf32, #tpu.memory_space<hbm>>
    %dma_start3A_588 = tpu.memref_squeeze %dma_start3A_587 : memref<1x208x128xf32, #tpu.memory_space<hbm>> -> memref<208x128xf32, #tpu.memory_space<hbm>>
    %dma_start3A_589 = arith.constant 0 : i32
    %dma_start3A_590 = arith.constant 0 : i32
    %dma_start3A_591 = tpu.memref_slice %arg5[%dma_start3A_577, %dma_start3A_589, %dma_start3A_590] : memref<3x208x128xf32, #tpu.memory_space<vmem>> -> memref<1x208x128xf32, #tpu.memory_space<vmem>>
    %dma_start3A_592 = tpu.memref_squeeze %dma_start3A_591 : memref<1x208x128xf32, #tpu.memory_space<vmem>> -> memref<208x128xf32, #tpu.memory_space<vmem>>
    tpu.enqueue_dma source(%dma_start3A_592 : memref<208x128xf32, #tpu.memory_space<vmem>>) target(%dma_start3A_588 : memref<208x128xf32, #tpu.memory_space<hbm>>) target_semaphore(%arg11 : memref<!tpu.dma_semaphore, #tpu.memory_space<semaphore_mem>>)
    %dma_wait3A_593 = arith.constant 2 : i32
    %dma_wait3A_594 = arith.constant 0 : i32
    %dma_wait3A_595 = arith.constant 0 : i32
    %dma_wait3A_596 = arith.constant 0 : i32
    %dma_wait3A_597 = tpu.memref_slice %arg5[%dma_wait3A_593, %dma_wait3A_595, %dma_wait3A_596] : memref<3x208x128xf32, #tpu.memory_space<vmem>> -> memref<1x208x128xf32, #tpu.memory_space<vmem>>
    %dma_wait3A_598 = tpu.memref_squeeze %dma_wait3A_597 : memref<1x208x128xf32, #tpu.memory_space<vmem>> -> memref<208x128xf32, #tpu.memory_space<vmem>>
    %dma_wait3A_599 = arith.constant 0 : i32
    %dma_wait3A_600 = tpu.memref_slice %arg4[%dma_wait3A_594, %add3A_20, %dma_wait3A_599] : memref<2x100000x128xf32, #tpu.memory_space<hbm>> -> memref<1x208x128xf32, #tpu.memory_space<hbm>>
    %dma_wait3A_601 = tpu.memref_squeeze %dma_wait3A_600 : memref<1x208x128xf32, #tpu.memory_space<hbm>> -> memref<208x128xf32, #tpu.memory_space<hbm>>
    %dma_wait3A_602 = arith.constant 0 : i32
    %dma_wait3A_603 = tpu.memref_slice %arg4[%dma_wait3A_594, %add3A_20, %dma_wait3A_602] : memref<2x100000x128xf32, #tpu.memory_space<hbm>> -> memref<1x208x128xf32, #tpu.memory_space<hbm>>
    %dma_wait3A_604 = tpu.memref_squeeze %dma_wait3A_603 : memref<1x208x128xf32, #tpu.memory_space<hbm>> -> memref<208x128xf32, #tpu.memory_space<hbm>>
    %dma_wait3A_605 = arith.constant 0 : i32
    %dma_wait3A_606 = arith.constant 0 : i32
    %dma_wait3A_607 = tpu.memref_slice %arg5[%dma_wait3A_593, %dma_wait3A_605, %dma_wait3A_606] : memref<3x208x128xf32, #tpu.memory_space<vmem>> -> memref<1x208x128xf32, #tpu.memory_space<vmem>>
    %dma_wait3A_608 = tpu.memref_squeeze %dma_wait3A_607 : memref<1x208x128xf32, #tpu.memory_space<vmem>> -> memref<208x128xf32, #tpu.memory_space<vmem>>
    tpu.wait_dma2 semaphore(%arg11 : memref<!tpu.dma_semaphore, #tpu.memory_space<semaphore_mem>>) src(%dma_wait3A_608 : memref<208x128xf32, #tpu.memory_space<vmem>>) dst(%dma_wait3A_604 : memref<208x128xf32, #tpu.memory_space<hbm>>)
    %dma_start3A_609 = arith.constant 2 : i32
    %dma_start3A_610 = arith.constant 0 : i32
    %dma_start3A_611 = arith.constant 0 : i32
    %dma_start3A_612 = tpu.memref_slice %arg5[%dma_start3A_609, %dma_start3A_610, %dma_start3A_611] : memref<3x208x128xf32, #tpu.memory_space<vmem>> -> memref<1x208x128xf32, #tpu.memory_space<vmem>>
    %dma_start3A_613 = tpu.memref_squeeze %dma_start3A_612 : memref<1x208x128xf32, #tpu.memory_space<vmem>> -> memref<208x128xf32, #tpu.memory_space<vmem>>
    %dma_start3A_614 = arith.constant 0 : i32
    %dma_start3A_615 = tpu.memref_slice %arg2[%add3A_26, %dma_start3A_614] : memref<100000x128xf32, #tpu.memory_space<hbm>> -> memref<208x128xf32, #tpu.memory_space<hbm>>
    %dma_start3A_616 = arith.constant 0 : i32
    %dma_start3A_617 = arith.constant 0 : i32
    %dma_start3A_618 = tpu.memref_slice %arg5[%dma_start3A_609, %dma_start3A_616, %dma_start3A_617] : memref<3x208x128xf32, #tpu.memory_space<vmem>> -> memref<1x208x128xf32, #tpu.memory_space<vmem>>
    %dma_start3A_619 = tpu.memref_squeeze %dma_start3A_618 : memref<1x208x128xf32, #tpu.memory_space<vmem>> -> memref<208x128xf32, #tpu.memory_space<vmem>>
    %dma_start3A_620 = arith.constant 0 : i32
    %dma_start3A_621 = tpu.memref_slice %arg2[%add3A_26, %dma_start3A_620] : memref<100000x128xf32, #tpu.memory_space<hbm>> -> memref<208x128xf32, #tpu.memory_space<hbm>>
    tpu.enqueue_dma source(%dma_start3A_621 : memref<208x128xf32, #tpu.memory_space<hbm>>) target(%dma_start3A_619 : memref<208x128xf32, #tpu.memory_space<vmem>>) target_semaphore(%arg8 : memref<!tpu.dma_semaphore, #tpu.memory_space<semaphore_mem>>)
    %dma_wait3A_622 = arith.constant 0 : i32
    %dma_wait3A_623 = arith.constant 0 : i32
    %dma_wait3A_624 = arith.constant 0 : i32
    %dma_wait3A_625 = tpu.memref_slice %arg5[%dma_wait3A_622, %dma_wait3A_623, %dma_wait3A_624] : memref<3x208x128xf32, #tpu.memory_space<vmem>> -> memref<1x208x128xf32, #tpu.memory_space<vmem>>
    %dma_wait3A_626 = tpu.memref_squeeze %dma_wait3A_625 : memref<1x208x128xf32, #tpu.memory_space<vmem>> -> memref<208x128xf32, #tpu.memory_space<vmem>>
    %dma_wait3A_627 = arith.constant 0 : i32
    %dma_wait3A_628 = tpu.memref_slice %arg2[%add3A_22, %dma_wait3A_627] : memref<100000x128xf32, #tpu.memory_space<hbm>> -> memref<208x128xf32, #tpu.memory_space<hbm>>
    %dma_wait3A_629 = arith.constant 0 : i32
    %dma_wait3A_630 = arith.constant 0 : i32
    %dma_wait3A_631 = tpu.memref_slice %arg5[%dma_wait3A_622, %dma_wait3A_629, %dma_wait3A_630] : memref<3x208x128xf32, #tpu.memory_space<vmem>> -> memref<1x208x128xf32, #tpu.memory_space<vmem>>
    %dma_wait3A_632 = tpu.memref_squeeze %dma_wait3A_631 : memref<1x208x128xf32, #tpu.memory_space<vmem>> -> memref<208x128xf32, #tpu.memory_space<vmem>>
    %dma_wait3A_633 = arith.constant 0 : i32
    %dma_wait3A_634 = tpu.memref_slice %arg2[%add3A_22, %dma_wait3A_633] : memref<100000x128xf32, #tpu.memory_space<hbm>> -> memref<208x128xf32, #tpu.memory_space<hbm>>
    tpu.wait_dma2 semaphore(%arg6 : memref<!tpu.dma_semaphore, #tpu.memory_space<semaphore_mem>>) src(%dma_wait3A_634 : memref<208x128xf32, #tpu.memory_space<hbm>>) dst(%dma_wait3A_632 : memref<208x128xf32, #tpu.memory_space<vmem>>)
    %dma_start3A_635 = arith.constant 0 : i32
    %dma_start3A_636 = arith.constant 0 : i32
    %dma_start3A_637 = arith.constant 0 : i32
    %dma_start3A_638 = arith.constant 0 : i32
    %dma_start3A_639 = tpu.memref_slice %arg5[%dma_start3A_635, %dma_start3A_637, %dma_start3A_638] : memref<3x208x128xf32, #tpu.memory_space<vmem>> -> memref<1x208x128xf32, #tpu.memory_space<vmem>>
    %dma_start3A_640 = tpu.memref_squeeze %dma_start3A_639 : memref<1x208x128xf32, #tpu.memory_space<vmem>> -> memref<208x128xf32, #tpu.memory_space<vmem>>
    %dma_start3A_641 = arith.constant 0 : i32
    %dma_start3A_642 = tpu.memref_slice %arg4[%dma_start3A_636, %add3A_22, %dma_start3A_641] : memref<2x100000x128xf32, #tpu.memory_space<hbm>> -> memref<1x208x128xf32, #tpu.memory_space<hbm>>
    %dma_start3A_643 = tpu.memref_squeeze %dma_start3A_642 : memref<1x208x128xf32, #tpu.memory_space<hbm>> -> memref<208x128xf32, #tpu.memory_space<hbm>>
    %dma_start3A_644 = arith.constant 0 : i32
    %dma_start3A_645 = tpu.memref_slice %arg4[%dma_start3A_636, %add3A_22, %dma_start3A_644] : memref<2x100000x128xf32, #tpu.memory_space<hbm>> -> memref<1x208x128xf32, #tpu.memory_space<hbm>>
    %dma_start3A_646 = tpu.memref_squeeze %dma_start3A_645 : memref<1x208x128xf32, #tpu.memory_space<hbm>> -> memref<208x128xf32, #tpu.memory_space<hbm>>
    %dma_start3A_647 = arith.constant 0 : i32
    %dma_start3A_648 = arith.constant 0 : i32
    %dma_start3A_649 = tpu.memref_slice %arg5[%dma_start3A_635, %dma_start3A_647, %dma_start3A_648] : memref<3x208x128xf32, #tpu.memory_space<vmem>> -> memref<1x208x128xf32, #tpu.memory_space<vmem>>
    %dma_start3A_650 = tpu.memref_squeeze %dma_start3A_649 : memref<1x208x128xf32, #tpu.memory_space<vmem>> -> memref<208x128xf32, #tpu.memory_space<vmem>>
    tpu.enqueue_dma source(%dma_start3A_650 : memref<208x128xf32, #tpu.memory_space<vmem>>) target(%dma_start3A_646 : memref<208x128xf32, #tpu.memory_space<hbm>>) target_semaphore(%arg9 : memref<!tpu.dma_semaphore, #tpu.memory_space<semaphore_mem>>)
    %dma_wait3A_651 = arith.constant 0 : i32
    %dma_wait3A_652 = arith.constant 0 : i32
    %dma_wait3A_653 = arith.constant 0 : i32
    %dma_wait3A_654 = arith.constant 0 : i32
    %dma_wait3A_655 = tpu.memref_slice %arg5[%dma_wait3A_651, %dma_wait3A_653, %dma_wait3A_654] : memref<3x208x128xf32, #tpu.memory_space<vmem>> -> memref<1x208x128xf32, #tpu.memory_space<vmem>>
    %dma_wait3A_656 = tpu.memref_squeeze %dma_wait3A_655 : memref<1x208x128xf32, #tpu.memory_space<vmem>> -> memref<208x128xf32, #tpu.memory_space<vmem>>
    %dma_wait3A_657 = arith.constant 0 : i32
    %dma_wait3A_658 = tpu.memref_slice %arg4[%dma_wait3A_652, %add3A_22, %dma_wait3A_657] : memref<2x100000x128xf32, #tpu.memory_space<hbm>> -> memref<1x208x128xf32, #tpu.memory_space<hbm>>
    %dma_wait3A_659 = tpu.memref_squeeze %dma_wait3A_658 : memref<1x208x128xf32, #tpu.memory_space<hbm>> -> memref<208x128xf32, #tpu.memory_space<hbm>>
    %dma_wait3A_660 = arith.constant 0 : i32
    %dma_wait3A_661 = tpu.memref_slice %arg4[%dma_wait3A_652, %add3A_22, %dma_wait3A_660] : memref<2x100000x128xf32, #tpu.memory_space<hbm>> -> memref<1x208x128xf32, #tpu.memory_space<hbm>>
    %dma_wait3A_662 = tpu.memref_squeeze %dma_wait3A_661 : memref<1x208x128xf32, #tpu.memory_space<hbm>> -> memref<208x128xf32, #tpu.memory_space<hbm>>
    %dma_wait3A_663 = arith.constant 0 : i32
    %dma_wait3A_664 = arith.constant 0 : i32
    %dma_wait3A_665 = tpu.memref_slice %arg5[%dma_wait3A_651, %dma_wait3A_663, %dma_wait3A_664] : memref<3x208x128xf32, #tpu.memory_space<vmem>> -> memref<1x208x128xf32, #tpu.memory_space<vmem>>
    %dma_wait3A_666 = tpu.memref_squeeze %dma_wait3A_665 : memref<1x208x128xf32, #tpu.memory_space<vmem>> -> memref<208x128xf32, #tpu.memory_space<vmem>>
    tpu.wait_dma2 semaphore(%arg9 : memref<!tpu.dma_semaphore, #tpu.memory_space<semaphore_mem>>) src(%dma_wait3A_666 : memref<208x128xf32, #tpu.memory_space<vmem>>) dst(%dma_wait3A_662 : memref<208x128xf32, #tpu.memory_space<hbm>>)
    %dma_start3A_667 = arith.constant 0 : i32
    %dma_start3A_668 = arith.constant 0 : i32
    %dma_start3A_669 = arith.constant 0 : i32
    %dma_start3A_670 = tpu.memref_slice %arg5[%dma_start3A_667, %dma_start3A_668, %dma_start3A_669] : memref<3x208x128xf32, #tpu.memory_space<vmem>> -> memref<1x208x128xf32, #tpu.memory_space<vmem>>
    %dma_start3A_671 = tpu.memref_squeeze %dma_start3A_670 : memref<1x208x128xf32, #tpu.memory_space<vmem>> -> memref<208x128xf32, #tpu.memory_space<vmem>>
    %dma_start3A_672 = arith.constant 0 : i32
    %dma_start3A_673 = tpu.memref_slice %arg2[%add3A_28, %dma_start3A_672] : memref<100000x128xf32, #tpu.memory_space<hbm>> -> memref<208x128xf32, #tpu.memory_space<hbm>>
    %dma_start3A_674 = arith.constant 0 : i32
    %dma_start3A_675 = arith.constant 0 : i32
    %dma_start3A_676 = tpu.memref_slice %arg5[%dma_start3A_667, %dma_start3A_674, %dma_start3A_675] : memref<3x208x128xf32, #tpu.memory_space<vmem>> -> memref<1x208x128xf32, #tpu.memory_space<vmem>>
    %dma_start3A_677 = tpu.memref_squeeze %dma_start3A_676 : memref<1x208x128xf32, #tpu.memory_space<vmem>> -> memref<208x128xf32, #tpu.memory_space<vmem>>
    %dma_start3A_678 = arith.constant 0 : i32
    %dma_start3A_679 = tpu.memref_slice %arg2[%add3A_28, %dma_start3A_678] : memref<100000x128xf32, #tpu.memory_space<hbm>> -> memref<208x128xf32, #tpu.memory_space<hbm>>
    tpu.enqueue_dma source(%dma_start3A_679 : memref<208x128xf32, #tpu.memory_space<hbm>>) target(%dma_start3A_677 : memref<208x128xf32, #tpu.memory_space<vmem>>) target_semaphore(%arg6 : memref<!tpu.dma_semaphore, #tpu.memory_space<semaphore_mem>>)
    %dma_wait3A_680 = arith.constant 1 : i32
    %dma_wait3A_681 = arith.constant 0 : i32
    %dma_wait3A_682 = arith.constant 0 : i32
    %dma_wait3A_683 = tpu.memref_slice %arg5[%dma_wait3A_680, %dma_wait3A_681, %dma_wait3A_682] : memref<3x208x128xf32, #tpu.memory_space<vmem>> -> memref<1x208x128xf32, #tpu.memory_space<vmem>>
    %dma_wait3A_684 = tpu.memref_squeeze %dma_wait3A_683 : memref<1x208x128xf32, #tpu.memory_space<vmem>> -> memref<208x128xf32, #tpu.memory_space<vmem>>
    %dma_wait3A_685 = arith.constant 0 : i32
    %dma_wait3A_686 = tpu.memref_slice %arg2[%add3A_24, %dma_wait3A_685] : memref<100000x128xf32, #tpu.memory_space<hbm>> -> memref<208x128xf32, #tpu.memory_space<hbm>>
    %dma_wait3A_687 = arith.constant 0 : i32
    %dma_wait3A_688 = arith.constant 0 : i32
    %dma_wait3A_689 = tpu.memref_slice %arg5[%dma_wait3A_680, %dma_wait3A_687, %dma_wait3A_688] : memref<3x208x128xf32, #tpu.memory_space<vmem>> -> memref<1x208x128xf32, #tpu.memory_space<vmem>>
    %dma_wait3A_690 = tpu.memref_squeeze %dma_wait3A_689 : memref<1x208x128xf32, #tpu.memory_space<vmem>> -> memref<208x128xf32, #tpu.memory_space<vmem>>
    %dma_wait3A_691 = arith.constant 0 : i32
    %dma_wait3A_692 = tpu.memref_slice %arg2[%add3A_24, %dma_wait3A_691] : memref<100000x128xf32, #tpu.memory_space<hbm>> -> memref<208x128xf32, #tpu.memory_space<hbm>>
    tpu.wait_dma2 semaphore(%arg7 : memref<!tpu.dma_semaphore, #tpu.memory_space<semaphore_mem>>) src(%dma_wait3A_692 : memref<208x128xf32, #tpu.memory_space<hbm>>) dst(%dma_wait3A_690 : memref<208x128xf32, #tpu.memory_space<vmem>>)
    %dma_start3A_693 = arith.constant 1 : i32
    %dma_start3A_694 = arith.constant 0 : i32
    %dma_start3A_695 = arith.constant 0 : i32
    %dma_start3A_696 = arith.constant 0 : i32
    %dma_start3A_697 = tpu.memref_slice %arg5[%dma_start3A_693, %dma_start3A_695, %dma_start3A_696] : memref<3x208x128xf32, #tpu.memory_space<vmem>> -> memref<1x208x128xf32, #tpu.memory_space<vmem>>
    %dma_start3A_698 = tpu.memref_squeeze %dma_start3A_697 : memref<1x208x128xf32, #tpu.memory_space<vmem>> -> memref<208x128xf32, #tpu.memory_space<vmem>>
    %dma_start3A_699 = arith.constant 0 : i32
    %dma_start3A_700 = tpu.memref_slice %arg4[%dma_start3A_694, %add3A_24, %dma_start3A_699] : memref<2x100000x128xf32, #tpu.memory_space<hbm>> -> memref<1x208x128xf32, #tpu.memory_space<hbm>>
    %dma_start3A_701 = tpu.memref_squeeze %dma_start3A_700 : memref<1x208x128xf32, #tpu.memory_space<hbm>> -> memref<208x128xf32, #tpu.memory_space<hbm>>
    %dma_start3A_702 = arith.constant 0 : i32
    %dma_start3A_703 = tpu.memref_slice %arg4[%dma_start3A_694, %add3A_24, %dma_start3A_702] : memref<2x100000x128xf32, #tpu.memory_space<hbm>> -> memref<1x208x128xf32, #tpu.memory_space<hbm>>
    %dma_start3A_704 = tpu.memref_squeeze %dma_start3A_703 : memref<1x208x128xf32, #tpu.memory_space<hbm>> -> memref<208x128xf32, #tpu.memory_space<hbm>>
    %dma_start3A_705 = arith.constant 0 : i32
    %dma_start3A_706 = arith.constant 0 : i32
    %dma_start3A_707 = tpu.memref_slice %arg5[%dma_start3A_693, %dma_start3A_705, %dma_start3A_706] : memref<3x208x128xf32, #tpu.memory_space<vmem>> -> memref<1x208x128xf32, #tpu.memory_space<vmem>>
    %dma_start3A_708 = tpu.memref_squeeze %dma_start3A_707 : memref<1x208x128xf32, #tpu.memory_space<vmem>> -> memref<208x128xf32, #tpu.memory_space<vmem>>
    tpu.enqueue_dma source(%dma_start3A_708 : memref<208x128xf32, #tpu.memory_space<vmem>>) target(%dma_start3A_704 : memref<208x128xf32, #tpu.memory_space<hbm>>) target_semaphore(%arg10 : memref<!tpu.dma_semaphore, #tpu.memory_space<semaphore_mem>>)
    %dma_wait3A_709 = arith.constant 1 : i32
    %dma_wait3A_710 = arith.constant 0 : i32
    %dma_wait3A_711 = arith.constant 0 : i32
    %dma_wait3A_712 = arith.constant 0 : i32
    %dma_wait3A_713 = tpu.memref_slice %arg5[%dma_wait3A_709, %dma_wait3A_711, %dma_wait3A_712] : memref<3x208x128xf32, #tpu.memory_space<vmem>> -> memref<1x208x128xf32, #tpu.memory_space<vmem>>
    %dma_wait3A_714 = tpu.memref_squeeze %dma_wait3A_713 : memref<1x208x128xf32, #tpu.memory_space<vmem>> -> memref<208x128xf32, #tpu.memory_space<vmem>>
    %dma_wait3A_715 = arith.constant 0 : i32
    %dma_wait3A_716 = tpu.memref_slice %arg4[%dma_wait3A_710, %add3A_24, %dma_wait3A_715] : memref<2x100000x128xf32, #tpu.memory_space<hbm>> -> memref<1x208x128xf32, #tpu.memory_space<hbm>>
    %dma_wait3A_717 = tpu.memref_squeeze %dma_wait3A_716 : memref<1x208x128xf32, #tpu.memory_space<hbm>> -> memref<208x128xf32, #tpu.memory_space<hbm>>
    %dma_wait3A_718 = arith.constant 0 : i32
    %dma_wait3A_719 = tpu.memref_slice %arg4[%dma_wait3A_710, %add3A_24, %dma_wait3A_718] : memref<2x100000x128xf32, #tpu.memory_space<hbm>> -> memref<1x208x128xf32, #tpu.memory_space<hbm>>
    %dma_wait3A_720 = tpu.memref_squeeze %dma_wait3A_719 : memref<1x208x128xf32, #tpu.memory_space<hbm>> -> memref<208x128xf32, #tpu.memory_space<hbm>>
    %dma_wait3A_721 = arith.constant 0 : i32
    %dma_wait3A_722 = arith.constant 0 : i32
    %dma_wait3A_723 = tpu.memref_slice %arg5[%dma_wait3A_709, %dma_wait3A_721, %dma_wait3A_722] : memref<3x208x128xf32, #tpu.memory_space<vmem>> -> memref<1x208x128xf32, #tpu.memory_space<vmem>>
    %dma_wait3A_724 = tpu.memref_squeeze %dma_wait3A_723 : memref<1x208x128xf32, #tpu.memory_space<vmem>> -> memref<208x128xf32, #tpu.memory_space<vmem>>
    tpu.wait_dma2 semaphore(%arg10 : memref<!tpu.dma_semaphore, #tpu.memory_space<semaphore_mem>>) src(%dma_wait3A_724 : memref<208x128xf32, #tpu.memory_space<vmem>>) dst(%dma_wait3A_720 : memref<208x128xf32, #tpu.memory_space<hbm>>)
    %dma_start3A_725 = arith.constant 1 : i32
    %dma_start3A_726 = arith.constant 0 : i32
    %dma_start3A_727 = arith.constant 0 : i32
    %dma_start3A_728 = tpu.memref_slice %arg5[%dma_start3A_725, %dma_start3A_726, %dma_start3A_727] : memref<3x208x128xf32, #tpu.memory_space<vmem>> -> memref<1x208x128xf32, #tpu.memory_space<vmem>>
    %dma_start3A_729 = tpu.memref_squeeze %dma_start3A_728 : memref<1x208x128xf32, #tpu.memory_space<vmem>> -> memref<208x128xf32, #tpu.memory_space<vmem>>
    %dma_start3A_730 = arith.constant 0 : i32
    %dma_start3A_731 = tpu.memref_slice %arg2[%add3A_30, %dma_start3A_730] : memref<100000x128xf32, #tpu.memory_space<hbm>> -> memref<208x128xf32, #tpu.memory_space<hbm>>
    %dma_start3A_732 = arith.constant 0 : i32
    %dma_start3A_733 = arith.constant 0 : i32
    %dma_start3A_734 = tpu.memref_slice %arg5[%dma_start3A_725, %dma_start3A_732, %dma_start3A_733] : memref<3x208x128xf32, #tpu.memory_space<vmem>> -> memref<1x208x128xf32, #tpu.memory_space<vmem>>
    %dma_start3A_735 = tpu.memref_squeeze %dma_start3A_734 : memref<1x208x128xf32, #tpu.memory_space<vmem>> -> memref<208x128xf32, #tpu.memory_space<vmem>>
    %dma_start3A_736 = arith.constant 0 : i32
    %dma_start3A_737 = tpu.memref_slice %arg2[%add3A_30, %dma_start3A_736] : memref<100000x128xf32, #tpu.memory_space<hbm>> -> memref<208x128xf32, #tpu.memory_space<hbm>>
    tpu.enqueue_dma source(%dma_start3A_737 : memref<208x128xf32, #tpu.memory_space<hbm>>) target(%dma_start3A_735 : memref<208x128xf32, #tpu.memory_space<vmem>>) target_semaphore(%arg7 : memref<!tpu.dma_semaphore, #tpu.memory_space<semaphore_mem>>)
    %dma_wait3A_738 = arith.constant 2 : i32
    %dma_wait3A_739 = arith.constant 0 : i32
    %dma_wait3A_740 = arith.constant 0 : i32
    %dma_wait3A_741 = tpu.memref_slice %arg5[%dma_wait3A_738, %dma_wait3A_739, %dma_wait3A_740] : memref<3x208x128xf32, #tpu.memory_space<vmem>> -> memref<1x208x128xf32, #tpu.memory_space<vmem>>
    %dma_wait3A_742 = tpu.memref_squeeze %dma_wait3A_741 : memref<1x208x128xf32, #tpu.memory_space<vmem>> -> memref<208x128xf32, #tpu.memory_space<vmem>>
    %dma_wait3A_743 = arith.constant 0 : i32
    %dma_wait3A_744 = tpu.memref_slice %arg2[%add3A_26, %dma_wait3A_743] : memref<100000x128xf32, #tpu.memory_space<hbm>> -> memref<208x128xf32, #tpu.memory_space<hbm>>
    %dma_wait3A_745 = arith.constant 0 : i32
    %dma_wait3A_746 = arith.constant 0 : i32
    %dma_wait3A_747 = tpu.memref_slice %arg5[%dma_wait3A_738, %dma_wait3A_745, %dma_wait3A_746] : memref<3x208x128xf32, #tpu.memory_space<vmem>> -> memref<1x208x128xf32, #tpu.memory_space<vmem>>
    %dma_wait3A_748 = tpu.memref_squeeze %dma_wait3A_747 : memref<1x208x128xf32, #tpu.memory_space<vmem>> -> memref<208x128xf32, #tpu.memory_space<vmem>>
    %dma_wait3A_749 = arith.constant 0 : i32
    %dma_wait3A_750 = tpu.memref_slice %arg2[%add3A_26, %dma_wait3A_749] : memref<100000x128xf32, #tpu.memory_space<hbm>> -> memref<208x128xf32, #tpu.memory_space<hbm>>
    tpu.wait_dma2 semaphore(%arg8 : memref<!tpu.dma_semaphore, #tpu.memory_space<semaphore_mem>>) src(%dma_wait3A_750 : memref<208x128xf32, #tpu.memory_space<hbm>>) dst(%dma_wait3A_748 : memref<208x128xf32, #tpu.memory_space<vmem>>)
    %dma_start3A_751 = arith.constant 2 : i32
    %dma_start3A_752 = arith.constant 0 : i32
    %dma_start3A_753 = arith.constant 0 : i32
    %dma_start3A_754 = arith.constant 0 : i32
    %dma_start3A_755 = tpu.memref_slice %arg5[%dma_start3A_751, %dma_start3A_753, %dma_start3A_754] : memref<3x208x128xf32, #tpu.memory_space<vmem>> -> memref<1x208x128xf32, #tpu.memory_space<vmem>>
    %dma_start3A_756 = tpu.memref_squeeze %dma_start3A_755 : memref<1x208x128xf32, #tpu.memory_space<vmem>> -> memref<208x128xf32, #tpu.memory_space<vmem>>
    %dma_start3A_757 = arith.constant 0 : i32
    %dma_start3A_758 = tpu.memref_slice %arg4[%dma_start3A_752, %add3A_26, %dma_start3A_757] : memref<2x100000x128xf32, #tpu.memory_space<hbm>> -> memref<1x208x128xf32, #tpu.memory_space<hbm>>
    %dma_start3A_759 = tpu.memref_squeeze %dma_start3A_758 : memref<1x208x128xf32, #tpu.memory_space<hbm>> -> memref<208x128xf32, #tpu.memory_space<hbm>>
    %dma_start3A_760 = arith.constant 0 : i32
    %dma_start3A_761 = tpu.memref_slice %arg4[%dma_start3A_752, %add3A_26, %dma_start3A_760] : memref<2x100000x128xf32, #tpu.memory_space<hbm>> -> memref<1x208x128xf32, #tpu.memory_space<hbm>>
    %dma_start3A_762 = tpu.memref_squeeze %dma_start3A_761 : memref<1x208x128xf32, #tpu.memory_space<hbm>> -> memref<208x128xf32, #tpu.memory_space<hbm>>
    %dma_start3A_763 = arith.constant 0 : i32
    %dma_start3A_764 = arith.constant 0 : i32
    %dma_start3A_765 = tpu.memref_slice %arg5[%dma_start3A_751, %dma_start3A_763, %dma_start3A_764] : memref<3x208x128xf32, #tpu.memory_space<vmem>> -> memref<1x208x128xf32, #tpu.memory_space<vmem>>
    %dma_start3A_766 = tpu.memref_squeeze %dma_start3A_765 : memref<1x208x128xf32, #tpu.memory_space<vmem>> -> memref<208x128xf32, #tpu.memory_space<vmem>>
    tpu.enqueue_dma source(%dma_start3A_766 : memref<208x128xf32, #tpu.memory_space<vmem>>) target(%dma_start3A_762 : memref<208x128xf32, #tpu.memory_space<hbm>>) target_semaphore(%arg11 : memref<!tpu.dma_semaphore, #tpu.memory_space<semaphore_mem>>)
    %dma_wait3A_767 = arith.constant 2 : i32
    %dma_wait3A_768 = arith.constant 0 : i32
    %dma_wait3A_769 = arith.constant 0 : i32
    %dma_wait3A_770 = arith.constant 0 : i32
    %dma_wait3A_771 = tpu.memref_slice %arg5[%dma_wait3A_767, %dma_wait3A_769, %dma_wait3A_770] : memref<3x208x128xf32, #tpu.memory_space<vmem>> -> memref<1x208x128xf32, #tpu.memory_space<vmem>>
    %dma_wait3A_772 = tpu.memref_squeeze %dma_wait3A_771 : memref<1x208x128xf32, #tpu.memory_space<vmem>> -> memref<208x128xf32, #tpu.memory_space<vmem>>
    %dma_wait3A_773 = arith.constant 0 : i32
    %dma_wait3A_774 = tpu.memref_slice %arg4[%dma_wait3A_768, %add3A_26, %dma_wait3A_773] : memref<2x100000x128xf32, #tpu.memory_space<hbm>> -> memref<1x208x128xf32, #tpu.memory_space<hbm>>
    %dma_wait3A_775 = tpu.memref_squeeze %dma_wait3A_774 : memref<1x208x128xf32, #tpu.memory_space<hbm>> -> memref<208x128xf32, #tpu.memory_space<hbm>>
    %dma_wait3A_776 = arith.constant 0 : i32
    %dma_wait3A_777 = tpu.memref_slice %arg4[%dma_wait3A_768, %add3A_26, %dma_wait3A_776] : memref<2x100000x128xf32, #tpu.memory_space<hbm>> -> memref<1x208x128xf32, #tpu.memory_space<hbm>>
    %dma_wait3A_778 = tpu.memref_squeeze %dma_wait3A_777 : memref<1x208x128xf32, #tpu.memory_space<hbm>> -> memref<208x128xf32, #tpu.memory_space<hbm>>
    %dma_wait3A_779 = arith.constant 0 : i32
    %dma_wait3A_780 = arith.constant 0 : i32
    %dma_wait3A_781 = tpu.memref_slice %arg5[%dma_wait3A_767, %dma_wait3A_779, %dma_wait3A_780] : memref<3x208x128xf32, #tpu.memory_space<vmem>> -> memref<1x208x128xf32, #tpu.memory_space<vmem>>
    %dma_wait3A_782 = tpu.memref_squeeze %dma_wait3A_781 : memref<1x208x128xf32, #tpu.memory_space<vmem>> -> memref<208x128xf32, #tpu.memory_space<vmem>>
    tpu.wait_dma2 semaphore(%arg11 : memref<!tpu.dma_semaphore, #tpu.memory_space<semaphore_mem>>) src(%dma_wait3A_782 : memref<208x128xf32, #tpu.memory_space<vmem>>) dst(%dma_wait3A_778 : memref<208x128xf32, #tpu.memory_space<hbm>>)
    %dma_start3A_783 = arith.constant 2 : i32
    %dma_start3A_784 = arith.constant 0 : i32
    %dma_start3A_785 = arith.constant 0 : i32
    %dma_start3A_786 = tpu.memref_slice %arg5[%dma_start3A_783, %dma_start3A_784, %dma_start3A_785] : memref<3x208x128xf32, #tpu.memory_space<vmem>> -> memref<1x208x128xf32, #tpu.memory_space<vmem>>
    %dma_start3A_787 = tpu.memref_squeeze %dma_start3A_786 : memref<1x208x128xf32, #tpu.memory_space<vmem>> -> memref<208x128xf32, #tpu.memory_space<vmem>>
    %dma_start3A_788 = arith.constant 0 : i32
    %dma_start3A_789 = tpu.memref_slice %arg2[%add3A_32, %dma_start3A_788] : memref<100000x128xf32, #tpu.memory_space<hbm>> -> memref<208x128xf32, #tpu.memory_space<hbm>>
    %dma_start3A_790 = arith.constant 0 : i32
    %dma_start3A_791 = arith.constant 0 : i32
    %dma_start3A_792 = tpu.memref_slice %arg5[%dma_start3A_783, %dma_start3A_790, %dma_start3A_791] : memref<3x208x128xf32, #tpu.memory_space<vmem>> -> memref<1x208x128xf32, #tpu.memory_space<vmem>>
    %dma_start3A_793 = tpu.memref_squeeze %dma_start3A_792 : memref<1x208x128xf32, #tpu.memory_space<vmem>> -> memref<208x128xf32, #tpu.memory_space<vmem>>
    %dma_start3A_794 = arith.constant 0 : i32
    %dma_start3A_795 = tpu.memref_slice %arg2[%add3A_32, %dma_start3A_794] : memref<100000x128xf32, #tpu.memory_space<hbm>> -> memref<208x128xf32, #tpu.memory_space<hbm>>
    tpu.enqueue_dma source(%dma_start3A_795 : memref<208x128xf32, #tpu.memory_space<hbm>>) target(%dma_start3A_793 : memref<208x128xf32, #tpu.memory_space<vmem>>) target_semaphore(%arg8 : memref<!tpu.dma_semaphore, #tpu.memory_space<semaphore_mem>>)
    %dma_wait3A_796 = arith.constant 0 : i32
    %dma_wait3A_797 = arith.constant 0 : i32
    %dma_wait3A_798 = arith.constant 0 : i32
    %dma_wait3A_799 = tpu.memref_slice %arg5[%dma_wait3A_796, %dma_wait3A_797, %dma_wait3A_798] : memref<3x208x128xf32, #tpu.memory_space<vmem>> -> memref<1x208x128xf32, #tpu.memory_space<vmem>>
    %dma_wait3A_800 = tpu.memref_squeeze %dma_wait3A_799 : memref<1x208x128xf32, #tpu.memory_space<vmem>> -> memref<208x128xf32, #tpu.memory_space<vmem>>
    %dma_wait3A_801 = arith.constant 0 : i32
    %dma_wait3A_802 = tpu.memref_slice %arg2[%add3A_28, %dma_wait3A_801] : memref<100000x128xf32, #tpu.memory_space<hbm>> -> memref<208x128xf32, #tpu.memory_space<hbm>>
    %dma_wait3A_803 = arith.constant 0 : i32
    %dma_wait3A_804 = arith.constant 0 : i32
    %dma_wait3A_805 = tpu.memref_slice %arg5[%dma_wait3A_796, %dma_wait3A_803, %dma_wait3A_804] : memref<3x208x128xf32, #tpu.memory_space<vmem>> -> memref<1x208x128xf32, #tpu.memory_space<vmem>>
    %dma_wait3A_806 = tpu.memref_squeeze %dma_wait3A_805 : memref<1x208x128xf32, #tpu.memory_space<vmem>> -> memref<208x128xf32, #tpu.memory_space<vmem>>
    %dma_wait3A_807 = arith.constant 0 : i32
    %dma_wait3A_808 = tpu.memref_slice %arg2[%add3A_28, %dma_wait3A_807] : memref<100000x128xf32, #tpu.memory_space<hbm>> -> memref<208x128xf32, #tpu.memory_space<hbm>>
    tpu.wait_dma2 semaphore(%arg6 : memref<!tpu.dma_semaphore, #tpu.memory_space<semaphore_mem>>) src(%dma_wait3A_808 : memref<208x128xf32, #tpu.memory_space<hbm>>) dst(%dma_wait3A_806 : memref<208x128xf32, #tpu.memory_space<vmem>>)
    %dma_start3A_809 = arith.constant 0 : i32
    %dma_start3A_810 = arith.constant 0 : i32
    %dma_start3A_811 = arith.constant 0 : i32
    %dma_start3A_812 = arith.constant 0 : i32
    %dma_start3A_813 = tpu.memref_slice %arg5[%dma_start3A_809, %dma_start3A_811, %dma_start3A_812] : memref<3x208x128xf32, #tpu.memory_space<vmem>> -> memref<1x208x128xf32, #tpu.memory_space<vmem>>
    %dma_start3A_814 = tpu.memref_squeeze %dma_start3A_813 : memref<1x208x128xf32, #tpu.memory_space<vmem>> -> memref<208x128xf32, #tpu.memory_space<vmem>>
    %dma_start3A_815 = arith.constant 0 : i32
    %dma_start3A_816 = tpu.memref_slice %arg4[%dma_start3A_810, %add3A_28, %dma_start3A_815] : memref<2x100000x128xf32, #tpu.memory_space<hbm>> -> memref<1x208x128xf32, #tpu.memory_space<hbm>>
    %dma_start3A_817 = tpu.memref_squeeze %dma_start3A_816 : memref<1x208x128xf32, #tpu.memory_space<hbm>> -> memref<208x128xf32, #tpu.memory_space<hbm>>
    %dma_start3A_818 = arith.constant 0 : i32
    %dma_start3A_819 = tpu.memref_slice %arg4[%dma_start3A_810, %add3A_28, %dma_start3A_818] : memref<2x100000x128xf32, #tpu.memory_space<hbm>> -> memref<1x208x128xf32, #tpu.memory_space<hbm>>
    %dma_start3A_820 = tpu.memref_squeeze %dma_start3A_819 : memref<1x208x128xf32, #tpu.memory_space<hbm>> -> memref<208x128xf32, #tpu.memory_space<hbm>>
    %dma_start3A_821 = arith.constant 0 : i32
    %dma_start3A_822 = arith.constant 0 : i32
    %dma_start3A_823 = tpu.memref_slice %arg5[%dma_start3A_809, %dma_start3A_821, %dma_start3A_822] : memref<3x208x128xf32, #tpu.memory_space<vmem>> -> memref<1x208x128xf32, #tpu.memory_space<vmem>>
    %dma_start3A_824 = tpu.memref_squeeze %dma_start3A_823 : memref<1x208x128xf32, #tpu.memory_space<vmem>> -> memref<208x128xf32, #tpu.memory_space<vmem>>
    tpu.enqueue_dma source(%dma_start3A_824 : memref<208x128xf32, #tpu.memory_space<vmem>>) target(%dma_start3A_820 : memref<208x128xf32, #tpu.memory_space<hbm>>) target_semaphore(%arg9 : memref<!tpu.dma_semaphore, #tpu.memory_space<semaphore_mem>>)
    %dma_wait3A_825 = arith.constant 0 : i32
    %dma_wait3A_826 = arith.constant 0 : i32
    %dma_wait3A_827 = arith.constant 0 : i32
    %dma_wait3A_828 = arith.constant 0 : i32
    %dma_wait3A_829 = tpu.memref_slice %arg5[%dma_wait3A_825, %dma_wait3A_827, %dma_wait3A_828] : memref<3x208x128xf32, #tpu.memory_space<vmem>> -> memref<1x208x128xf32, #tpu.memory_space<vmem>>
    %dma_wait3A_830 = tpu.memref_squeeze %dma_wait3A_829 : memref<1x208x128xf32, #tpu.memory_space<vmem>> -> memref<208x128xf32, #tpu.memory_space<vmem>>
    %dma_wait3A_831 = arith.constant 0 : i32
    %dma_wait3A_832 = tpu.memref_slice %arg4[%dma_wait3A_826, %add3A_28, %dma_wait3A_831] : memref<2x100000x128xf32, #tpu.memory_space<hbm>> -> memref<1x208x128xf32, #tpu.memory_space<hbm>>
    %dma_wait3A_833 = tpu.memref_squeeze %dma_wait3A_832 : memref<1x208x128xf32, #tpu.memory_space<hbm>> -> memref<208x128xf32, #tpu.memory_space<hbm>>
    %dma_wait3A_834 = arith.constant 0 : i32
    %dma_wait3A_835 = tpu.memref_slice %arg4[%dma_wait3A_826, %add3A_28, %dma_wait3A_834] : memref<2x100000x128xf32, #tpu.memory_space<hbm>> -> memref<1x208x128xf32, #tpu.memory_space<hbm>>
    %dma_wait3A_836 = tpu.memref_squeeze %dma_wait3A_835 : memref<1x208x128xf32, #tpu.memory_space<hbm>> -> memref<208x128xf32, #tpu.memory_space<hbm>>
    %dma_wait3A_837 = arith.constant 0 : i32
    %dma_wait3A_838 = arith.constant 0 : i32
    %dma_wait3A_839 = tpu.memref_slice %arg5[%dma_wait3A_825, %dma_wait3A_837, %dma_wait3A_838] : memref<3x208x128xf32, #tpu.memory_space<vmem>> -> memref<1x208x128xf32, #tpu.memory_space<vmem>>
    %dma_wait3A_840 = tpu.memref_squeeze %dma_wait3A_839 : memref<1x208x128xf32, #tpu.memory_space<vmem>> -> memref<208x128xf32, #tpu.memory_space<vmem>>
    tpu.wait_dma2 semaphore(%arg9 : memref<!tpu.dma_semaphore, #tpu.memory_space<semaphore_mem>>) src(%dma_wait3A_840 : memref<208x128xf32, #tpu.memory_space<vmem>>) dst(%dma_wait3A_836 : memref<208x128xf32, #tpu.memory_space<hbm>>)
    %dma_start3A_841 = arith.constant 0 : i32
    %dma_start3A_842 = arith.constant 0 : i32
    %dma_start3A_843 = arith.constant 0 : i32
    %dma_start3A_844 = tpu.memref_slice %arg5[%dma_start3A_841, %dma_start3A_842, %dma_start3A_843] : memref<3x208x128xf32, #tpu.memory_space<vmem>> -> memref<1x208x128xf32, #tpu.memory_space<vmem>>
    %dma_start3A_845 = tpu.memref_squeeze %dma_start3A_844 : memref<1x208x128xf32, #tpu.memory_space<vmem>> -> memref<208x128xf32, #tpu.memory_space<vmem>>
    %dma_start3A_846 = arith.constant 0 : i32
    %dma_start3A_847 = tpu.memref_slice %arg3[%add3A_34, %dma_start3A_846] : memref<100000x128xf32, #tpu.memory_space<hbm>> -> memref<208x128xf32, #tpu.memory_space<hbm>>
    %dma_start3A_848 = arith.constant 0 : i32
    %dma_start3A_849 = arith.constant 0 : i32
    %dma_start3A_850 = tpu.memref_slice %arg5[%dma_start3A_841, %dma_start3A_848, %dma_start3A_849] : memref<3x208x128xf32, #tpu.memory_space<vmem>> -> memref<1x208x128xf32, #tpu.memory_space<vmem>>
    %dma_start3A_851 = tpu.memref_squeeze %dma_start3A_850 : memref<1x208x128xf32, #tpu.memory_space<vmem>> -> memref<208x128xf32, #tpu.memory_space<vmem>>
    %dma_start3A_852 = arith.constant 0 : i32
    %dma_start3A_853 = tpu.memref_slice %arg3[%add3A_34, %dma_start3A_852] : memref<100000x128xf32, #tpu.memory_space<hbm>> -> memref<208x128xf32, #tpu.memory_space<hbm>>
    tpu.enqueue_dma source(%dma_start3A_853 : memref<208x128xf32, #tpu.memory_space<hbm>>) target(%dma_start3A_851 : memref<208x128xf32, #tpu.memory_space<vmem>>) target_semaphore(%arg6 : memref<!tpu.dma_semaphore, #tpu.memory_space<semaphore_mem>>)
    %dma_wait3A_854 = arith.constant 1 : i32
    %dma_wait3A_855 = arith.constant 0 : i32
    %dma_wait3A_856 = arith.constant 0 : i32
    %dma_wait3A_857 = tpu.memref_slice %arg5[%dma_wait3A_854, %dma_wait3A_855, %dma_wait3A_856] : memref<3x208x128xf32, #tpu.memory_space<vmem>> -> memref<1x208x128xf32, #tpu.memory_space<vmem>>
    %dma_wait3A_858 = tpu.memref_squeeze %dma_wait3A_857 : memref<1x208x128xf32, #tpu.memory_space<vmem>> -> memref<208x128xf32, #tpu.memory_space<vmem>>
    %dma_wait3A_859 = arith.constant 0 : i32
    %dma_wait3A_860 = tpu.memref_slice %arg2[%add3A_30, %dma_wait3A_859] : memref<100000x128xf32, #tpu.memory_space<hbm>> -> memref<208x128xf32, #tpu.memory_space<hbm>>
    %dma_wait3A_861 = arith.constant 0 : i32
    %dma_wait3A_862 = arith.constant 0 : i32
    %dma_wait3A_863 = tpu.memref_slice %arg5[%dma_wait3A_854, %dma_wait3A_861, %dma_wait3A_862] : memref<3x208x128xf32, #tpu.memory_space<vmem>> -> memref<1x208x128xf32, #tpu.memory_space<vmem>>
    %dma_wait3A_864 = tpu.memref_squeeze %dma_wait3A_863 : memref<1x208x128xf32, #tpu.memory_space<vmem>> -> memref<208x128xf32, #tpu.memory_space<vmem>>
    %dma_wait3A_865 = arith.constant 0 : i32
    %dma_wait3A_866 = tpu.memref_slice %arg2[%add3A_30, %dma_wait3A_865] : memref<100000x128xf32, #tpu.memory_space<hbm>> -> memref<208x128xf32, #tpu.memory_space<hbm>>
    tpu.wait_dma2 semaphore(%arg7 : memref<!tpu.dma_semaphore, #tpu.memory_space<semaphore_mem>>) src(%dma_wait3A_866 : memref<208x128xf32, #tpu.memory_space<hbm>>) dst(%dma_wait3A_864 : memref<208x128xf32, #tpu.memory_space<vmem>>)
    %dma_start3A_867 = arith.constant 1 : i32
    %dma_start3A_868 = arith.constant 0 : i32
    %dma_start3A_869 = arith.constant 0 : i32
    %dma_start3A_870 = arith.constant 0 : i32
    %dma_start3A_871 = tpu.memref_slice %arg5[%dma_start3A_867, %dma_start3A_869, %dma_start3A_870] : memref<3x208x128xf32, #tpu.memory_space<vmem>> -> memref<1x208x128xf32, #tpu.memory_space<vmem>>
    %dma_start3A_872 = tpu.memref_squeeze %dma_start3A_871 : memref<1x208x128xf32, #tpu.memory_space<vmem>> -> memref<208x128xf32, #tpu.memory_space<vmem>>
    %dma_start3A_873 = arith.constant 0 : i32
    %dma_start3A_874 = tpu.memref_slice %arg4[%dma_start3A_868, %add3A_30, %dma_start3A_873] : memref<2x100000x128xf32, #tpu.memory_space<hbm>> -> memref<1x208x128xf32, #tpu.memory_space<hbm>>
    %dma_start3A_875 = tpu.memref_squeeze %dma_start3A_874 : memref<1x208x128xf32, #tpu.memory_space<hbm>> -> memref<208x128xf32, #tpu.memory_space<hbm>>
    %dma_start3A_876 = arith.constant 0 : i32
    %dma_start3A_877 = tpu.memref_slice %arg4[%dma_start3A_868, %add3A_30, %dma_start3A_876] : memref<2x100000x128xf32, #tpu.memory_space<hbm>> -> memref<1x208x128xf32, #tpu.memory_space<hbm>>
    %dma_start3A_878 = tpu.memref_squeeze %dma_start3A_877 : memref<1x208x128xf32, #tpu.memory_space<hbm>> -> memref<208x128xf32, #tpu.memory_space<hbm>>
    %dma_start3A_879 = arith.constant 0 : i32
    %dma_start3A_880 = arith.constant 0 : i32
    %dma_start3A_881 = tpu.memref_slice %arg5[%dma_start3A_867, %dma_start3A_879, %dma_start3A_880] : memref<3x208x128xf32, #tpu.memory_space<vmem>> -> memref<1x208x128xf32, #tpu.memory_space<vmem>>
    %dma_start3A_882 = tpu.memref_squeeze %dma_start3A_881 : memref<1x208x128xf32, #tpu.memory_space<vmem>> -> memref<208x128xf32, #tpu.memory_space<vmem>>
    tpu.enqueue_dma source(%dma_start3A_882 : memref<208x128xf32, #tpu.memory_space<vmem>>) target(%dma_start3A_878 : memref<208x128xf32, #tpu.memory_space<hbm>>) target_semaphore(%arg10 : memref<!tpu.dma_semaphore, #tpu.memory_space<semaphore_mem>>)
    %dma_wait3A_883 = arith.constant 1 : i32
    %dma_wait3A_884 = arith.constant 0 : i32
    %dma_wait3A_885 = arith.constant 0 : i32
    %dma_wait3A_886 = arith.constant 0 : i32
    %dma_wait3A_887 = tpu.memref_slice %arg5[%dma_wait3A_883, %dma_wait3A_885, %dma_wait3A_886] : memref<3x208x128xf32, #tpu.memory_space<vmem>> -> memref<1x208x128xf32, #tpu.memory_space<vmem>>
    %dma_wait3A_888 = tpu.memref_squeeze %dma_wait3A_887 : memref<1x208x128xf32, #tpu.memory_space<vmem>> -> memref<208x128xf32, #tpu.memory_space<vmem>>
    %dma_wait3A_889 = arith.constant 0 : i32
    %dma_wait3A_890 = tpu.memref_slice %arg4[%dma_wait3A_884, %add3A_30, %dma_wait3A_889] : memref<2x100000x128xf32, #tpu.memory_space<hbm>> -> memref<1x208x128xf32, #tpu.memory_space<hbm>>
    %dma_wait3A_891 = tpu.memref_squeeze %dma_wait3A_890 : memref<1x208x128xf32, #tpu.memory_space<hbm>> -> memref<208x128xf32, #tpu.memory_space<hbm>>
    %dma_wait3A_892 = arith.constant 0 : i32
    %dma_wait3A_893 = tpu.memref_slice %arg4[%dma_wait3A_884, %add3A_30, %dma_wait3A_892] : memref<2x100000x128xf32, #tpu.memory_space<hbm>> -> memref<1x208x128xf32, #tpu.memory_space<hbm>>
    %dma_wait3A_894 = tpu.memref_squeeze %dma_wait3A_893 : memref<1x208x128xf32, #tpu.memory_space<hbm>> -> memref<208x128xf32, #tpu.memory_space<hbm>>
    %dma_wait3A_895 = arith.constant 0 : i32
    %dma_wait3A_896 = arith.constant 0 : i32
    %dma_wait3A_897 = tpu.memref_slice %arg5[%dma_wait3A_883, %dma_wait3A_895, %dma_wait3A_896] : memref<3x208x128xf32, #tpu.memory_space<vmem>> -> memref<1x208x128xf32, #tpu.memory_space<vmem>>
    %dma_wait3A_898 = tpu.memref_squeeze %dma_wait3A_897 : memref<1x208x128xf32, #tpu.memory_space<vmem>> -> memref<208x128xf32, #tpu.memory_space<vmem>>
    tpu.wait_dma2 semaphore(%arg10 : memref<!tpu.dma_semaphore, #tpu.memory_space<semaphore_mem>>) src(%dma_wait3A_898 : memref<208x128xf32, #tpu.memory_space<vmem>>) dst(%dma_wait3A_894 : memref<208x128xf32, #tpu.memory_space<hbm>>)
    %dma_start3A_899 = arith.constant 1 : i32
    %dma_start3A_900 = arith.constant 0 : i32
    %dma_start3A_901 = arith.constant 0 : i32
    %dma_start3A_902 = tpu.memref_slice %arg5[%dma_start3A_899, %dma_start3A_900, %dma_start3A_901] : memref<3x208x128xf32, #tpu.memory_space<vmem>> -> memref<1x208x128xf32, #tpu.memory_space<vmem>>
    %dma_start3A_903 = tpu.memref_squeeze %dma_start3A_902 : memref<1x208x128xf32, #tpu.memory_space<vmem>> -> memref<208x128xf32, #tpu.memory_space<vmem>>
    %dma_start3A_904 = arith.constant 0 : i32
    %dma_start3A_905 = tpu.memref_slice %arg3[%add3A_36, %dma_start3A_904] : memref<100000x128xf32, #tpu.memory_space<hbm>> -> memref<208x128xf32, #tpu.memory_space<hbm>>
    %dma_start3A_906 = arith.constant 0 : i32
    %dma_start3A_907 = arith.constant 0 : i32
    %dma_start3A_908 = tpu.memref_slice %arg5[%dma_start3A_899, %dma_start3A_906, %dma_start3A_907] : memref<3x208x128xf32, #tpu.memory_space<vmem>> -> memref<1x208x128xf32, #tpu.memory_space<vmem>>
    %dma_start3A_909 = tpu.memref_squeeze %dma_start3A_908 : memref<1x208x128xf32, #tpu.memory_space<vmem>> -> memref<208x128xf32, #tpu.memory_space<vmem>>
    %dma_start3A_910 = arith.constant 0 : i32
    %dma_start3A_911 = tpu.memref_slice %arg3[%add3A_36, %dma_start3A_910] : memref<100000x128xf32, #tpu.memory_space<hbm>> -> memref<208x128xf32, #tpu.memory_space<hbm>>
    tpu.enqueue_dma source(%dma_start3A_911 : memref<208x128xf32, #tpu.memory_space<hbm>>) target(%dma_start3A_909 : memref<208x128xf32, #tpu.memory_space<vmem>>) target_semaphore(%arg7 : memref<!tpu.dma_semaphore, #tpu.memory_space<semaphore_mem>>)
    %dma_wait3A_912 = arith.constant 2 : i32
    %dma_wait3A_913 = arith.constant 0 : i32
    %dma_wait3A_914 = arith.constant 0 : i32
    %dma_wait3A_915 = tpu.memref_slice %arg5[%dma_wait3A_912, %dma_wait3A_913, %dma_wait3A_914] : memref<3x208x128xf32, #tpu.memory_space<vmem>> -> memref<1x208x128xf32, #tpu.memory_space<vmem>>
    %dma_wait3A_916 = tpu.memref_squeeze %dma_wait3A_915 : memref<1x208x128xf32, #tpu.memory_space<vmem>> -> memref<208x128xf32, #tpu.memory_space<vmem>>
    %dma_wait3A_917 = arith.constant 0 : i32
    %dma_wait3A_918 = tpu.memref_slice %arg2[%add3A_32, %dma_wait3A_917] : memref<100000x128xf32, #tpu.memory_space<hbm>> -> memref<208x128xf32, #tpu.memory_space<hbm>>
    %dma_wait3A_919 = arith.constant 0 : i32
    %dma_wait3A_920 = arith.constant 0 : i32
    %dma_wait3A_921 = tpu.memref_slice %arg5[%dma_wait3A_912, %dma_wait3A_919, %dma_wait3A_920] : memref<3x208x128xf32, #tpu.memory_space<vmem>> -> memref<1x208x128xf32, #tpu.memory_space<vmem>>
    %dma_wait3A_922 = tpu.memref_squeeze %dma_wait3A_921 : memref<1x208x128xf32, #tpu.memory_space<vmem>> -> memref<208x128xf32, #tpu.memory_space<vmem>>
    %dma_wait3A_923 = arith.constant 0 : i32
    %dma_wait3A_924 = tpu.memref_slice %arg2[%add3A_32, %dma_wait3A_923] : memref<100000x128xf32, #tpu.memory_space<hbm>> -> memref<208x128xf32, #tpu.memory_space<hbm>>
    tpu.wait_dma2 semaphore(%arg8 : memref<!tpu.dma_semaphore, #tpu.memory_space<semaphore_mem>>) src(%dma_wait3A_924 : memref<208x128xf32, #tpu.memory_space<hbm>>) dst(%dma_wait3A_922 : memref<208x128xf32, #tpu.memory_space<vmem>>)
    %dma_start3A_925 = arith.constant 2 : i32
    %dma_start3A_926 = arith.constant 0 : i32
    %dma_start3A_927 = arith.constant 0 : i32
    %dma_start3A_928 = arith.constant 0 : i32
    %dma_start3A_929 = tpu.memref_slice %arg5[%dma_start3A_925, %dma_start3A_927, %dma_start3A_928] : memref<3x208x128xf32, #tpu.memory_space<vmem>> -> memref<1x208x128xf32, #tpu.memory_space<vmem>>
    %dma_start3A_930 = tpu.memref_squeeze %dma_start3A_929 : memref<1x208x128xf32, #tpu.memory_space<vmem>> -> memref<208x128xf32, #tpu.memory_space<vmem>>
    %dma_start3A_931 = arith.constant 0 : i32
    %dma_start3A_932 = tpu.memref_slice %arg4[%dma_start3A_926, %add3A_32, %dma_start3A_931] : memref<2x100000x128xf32, #tpu.memory_space<hbm>> -> memref<1x208x128xf32, #tpu.memory_space<hbm>>
    %dma_start3A_933 = tpu.memref_squeeze %dma_start3A_932 : memref<1x208x128xf32, #tpu.memory_space<hbm>> -> memref<208x128xf32, #tpu.memory_space<hbm>>
    %dma_start3A_934 = arith.constant 0 : i32
    %dma_start3A_935 = tpu.memref_slice %arg4[%dma_start3A_926, %add3A_32, %dma_start3A_934] : memref<2x100000x128xf32, #tpu.memory_space<hbm>> -> memref<1x208x128xf32, #tpu.memory_space<hbm>>
    %dma_start3A_936 = tpu.memref_squeeze %dma_start3A_935 : memref<1x208x128xf32, #tpu.memory_space<hbm>> -> memref<208x128xf32, #tpu.memory_space<hbm>>
    %dma_start3A_937 = arith.constant 0 : i32
    %dma_start3A_938 = arith.constant 0 : i32
    %dma_start3A_939 = tpu.memref_slice %arg5[%dma_start3A_925, %dma_start3A_937, %dma_start3A_938] : memref<3x208x128xf32, #tpu.memory_space<vmem>> -> memref<1x208x128xf32, #tpu.memory_space<vmem>>
    %dma_start3A_940 = tpu.memref_squeeze %dma_start3A_939 : memref<1x208x128xf32, #tpu.memory_space<vmem>> -> memref<208x128xf32, #tpu.memory_space<vmem>>
    tpu.enqueue_dma source(%dma_start3A_940 : memref<208x128xf32, #tpu.memory_space<vmem>>) target(%dma_start3A_936 : memref<208x128xf32, #tpu.memory_space<hbm>>) target_semaphore(%arg11 : memref<!tpu.dma_semaphore, #tpu.memory_space<semaphore_mem>>)
    %dma_wait3A_941 = arith.constant 2 : i32
    %dma_wait3A_942 = arith.constant 0 : i32
    %dma_wait3A_943 = arith.constant 0 : i32
    %dma_wait3A_944 = arith.constant 0 : i32
    %dma_wait3A_945 = tpu.memref_slice %arg5[%dma_wait3A_941, %dma_wait3A_943, %dma_wait3A_944] : memref<3x208x128xf32, #tpu.memory_space<vmem>> -> memref<1x208x128xf32, #tpu.memory_space<vmem>>
    %dma_wait3A_946 = tpu.memref_squeeze %dma_wait3A_945 : memref<1x208x128xf32, #tpu.memory_space<vmem>> -> memref<208x128xf32, #tpu.memory_space<vmem>>
    %dma_wait3A_947 = arith.constant 0 : i32
    %dma_wait3A_948 = tpu.memref_slice %arg4[%dma_wait3A_942, %add3A_32, %dma_wait3A_947] : memref<2x100000x128xf32, #tpu.memory_space<hbm>> -> memref<1x208x128xf32, #tpu.memory_space<hbm>>
    %dma_wait3A_949 = tpu.memref_squeeze %dma_wait3A_948 : memref<1x208x128xf32, #tpu.memory_space<hbm>> -> memref<208x128xf32, #tpu.memory_space<hbm>>
    %dma_wait3A_950 = arith.constant 0 : i32
    %dma_wait3A_951 = tpu.memref_slice %arg4[%dma_wait3A_942, %add3A_32, %dma_wait3A_950] : memref<2x100000x128xf32, #tpu.memory_space<hbm>> -> memref<1x208x128xf32, #tpu.memory_space<hbm>>
    %dma_wait3A_952 = tpu.memref_squeeze %dma_wait3A_951 : memref<1x208x128xf32, #tpu.memory_space<hbm>> -> memref<208x128xf32, #tpu.memory_space<hbm>>
    %dma_wait3A_953 = arith.constant 0 : i32
    %dma_wait3A_954 = arith.constant 0 : i32
    %dma_wait3A_955 = tpu.memref_slice %arg5[%dma_wait3A_941, %dma_wait3A_953, %dma_wait3A_954] : memref<3x208x128xf32, #tpu.memory_space<vmem>> -> memref<1x208x128xf32, #tpu.memory_space<vmem>>
    %dma_wait3A_956 = tpu.memref_squeeze %dma_wait3A_955 : memref<1x208x128xf32, #tpu.memory_space<vmem>> -> memref<208x128xf32, #tpu.memory_space<vmem>>
    tpu.wait_dma2 semaphore(%arg11 : memref<!tpu.dma_semaphore, #tpu.memory_space<semaphore_mem>>) src(%dma_wait3A_956 : memref<208x128xf32, #tpu.memory_space<vmem>>) dst(%dma_wait3A_952 : memref<208x128xf32, #tpu.memory_space<hbm>>)
    %dma_start3A_957 = arith.constant 2 : i32
    %dma_start3A_958 = arith.constant 0 : i32
    %dma_start3A_959 = arith.constant 0 : i32
    %dma_start3A_960 = tpu.memref_slice %arg5[%dma_start3A_957, %dma_start3A_958, %dma_start3A_959] : memref<3x208x128xf32, #tpu.memory_space<vmem>> -> memref<1x208x128xf32, #tpu.memory_space<vmem>>
    %dma_start3A_961 = tpu.memref_squeeze %dma_start3A_960 : memref<1x208x128xf32, #tpu.memory_space<vmem>> -> memref<208x128xf32, #tpu.memory_space<vmem>>
    %dma_start3A_962 = arith.constant 0 : i32
    %dma_start3A_963 = tpu.memref_slice %arg3[%add3A_38, %dma_start3A_962] : memref<100000x128xf32, #tpu.memory_space<hbm>> -> memref<208x128xf32, #tpu.memory_space<hbm>>
    %dma_start3A_964 = arith.constant 0 : i32
    %dma_start3A_965 = arith.constant 0 : i32
    %dma_start3A_966 = tpu.memref_slice %arg5[%dma_start3A_957, %dma_start3A_964, %dma_start3A_965] : memref<3x208x128xf32, #tpu.memory_space<vmem>> -> memref<1x208x128xf32, #tpu.memory_space<vmem>>
    %dma_start3A_967 = tpu.memref_squeeze %dma_start3A_966 : memref<1x208x128xf32, #tpu.memory_space<vmem>> -> memref<208x128xf32, #tpu.memory_space<vmem>>
    %dma_start3A_968 = arith.constant 0 : i32
    %dma_start3A_969 = tpu.memref_slice %arg3[%add3A_38, %dma_start3A_968] : memref<100000x128xf32, #tpu.memory_space<hbm>> -> memref<208x128xf32, #tpu.memory_space<hbm>>
    tpu.enqueue_dma source(%dma_start3A_969 : memref<208x128xf32, #tpu.memory_space<hbm>>) target(%dma_start3A_967 : memref<208x128xf32, #tpu.memory_space<vmem>>) target_semaphore(%arg8 : memref<!tpu.dma_semaphore, #tpu.memory_space<semaphore_mem>>)
    %dma_wait3A_970 = arith.constant 0 : i32
    %dma_wait3A_971 = arith.constant 0 : i32
    %dma_wait3A_972 = arith.constant 0 : i32
    %dma_wait3A_973 = tpu.memref_slice %arg5[%dma_wait3A_970, %dma_wait3A_971, %dma_wait3A_972] : memref<3x208x128xf32, #tpu.memory_space<vmem>> -> memref<1x208x128xf32, #tpu.memory_space<vmem>>
    %dma_wait3A_974 = tpu.memref_squeeze %dma_wait3A_973 : memref<1x208x128xf32, #tpu.memory_space<vmem>> -> memref<208x128xf32, #tpu.memory_space<vmem>>
    %dma_wait3A_975 = arith.constant 0 : i32
    %dma_wait3A_976 = tpu.memref_slice %arg3[%add3A_34, %dma_wait3A_975] : memref<100000x128xf32, #tpu.memory_space<hbm>> -> memref<208x128xf32, #tpu.memory_space<hbm>>
    %dma_wait3A_977 = arith.constant 0 : i32
    %dma_wait3A_978 = arith.constant 0 : i32
    %dma_wait3A_979 = tpu.memref_slice %arg5[%dma_wait3A_970, %dma_wait3A_977, %dma_wait3A_978] : memref<3x208x128xf32, #tpu.memory_space<vmem>> -> memref<1x208x128xf32, #tpu.memory_space<vmem>>
    %dma_wait3A_980 = tpu.memref_squeeze %dma_wait3A_979 : memref<1x208x128xf32, #tpu.memory_space<vmem>> -> memref<208x128xf32, #tpu.memory_space<vmem>>
    %dma_wait3A_981 = arith.constant 0 : i32
    %dma_wait3A_982 = tpu.memref_slice %arg3[%add3A_34, %dma_wait3A_981] : memref<100000x128xf32, #tpu.memory_space<hbm>> -> memref<208x128xf32, #tpu.memory_space<hbm>>
    tpu.wait_dma2 semaphore(%arg6 : memref<!tpu.dma_semaphore, #tpu.memory_space<semaphore_mem>>) src(%dma_wait3A_982 : memref<208x128xf32, #tpu.memory_space<hbm>>) dst(%dma_wait3A_980 : memref<208x128xf32, #tpu.memory_space<vmem>>)
    %dma_start3A_983 = arith.constant 0 : i32
    %dma_start3A_984 = arith.constant 1 : i32
    %dma_start3A_985 = arith.constant 0 : i32
    %dma_start3A_986 = arith.constant 0 : i32
    %dma_start3A_987 = tpu.memref_slice %arg5[%dma_start3A_983, %dma_start3A_985, %dma_start3A_986] : memref<3x208x128xf32, #tpu.memory_space<vmem>> -> memref<1x208x128xf32, #tpu.memory_space<vmem>>
    %dma_start3A_988 = tpu.memref_squeeze %dma_start3A_987 : memref<1x208x128xf32, #tpu.memory_space<vmem>> -> memref<208x128xf32, #tpu.memory_space<vmem>>
    %dma_start3A_989 = arith.constant 0 : i32
    %dma_start3A_990 = tpu.memref_slice %arg4[%dma_start3A_984, %add3A_34, %dma_start3A_989] : memref<2x100000x128xf32, #tpu.memory_space<hbm>> -> memref<1x208x128xf32, #tpu.memory_space<hbm>>
    %dma_start3A_991 = tpu.memref_squeeze %dma_start3A_990 : memref<1x208x128xf32, #tpu.memory_space<hbm>> -> memref<208x128xf32, #tpu.memory_space<hbm>>
    %dma_start3A_992 = arith.constant 0 : i32
    %dma_start3A_993 = tpu.memref_slice %arg4[%dma_start3A_984, %add3A_34, %dma_start3A_992] : memref<2x100000x128xf32, #tpu.memory_space<hbm>> -> memref<1x208x128xf32, #tpu.memory_space<hbm>>
    %dma_start3A_994 = tpu.memref_squeeze %dma_start3A_993 : memref<1x208x128xf32, #tpu.memory_space<hbm>> -> memref<208x128xf32, #tpu.memory_space<hbm>>
    %dma_start3A_995 = arith.constant 0 : i32
    %dma_start3A_996 = arith.constant 0 : i32
    %dma_start3A_997 = tpu.memref_slice %arg5[%dma_start3A_983, %dma_start3A_995, %dma_start3A_996] : memref<3x208x128xf32, #tpu.memory_space<vmem>> -> memref<1x208x128xf32, #tpu.memory_space<vmem>>
    %dma_start3A_998 = tpu.memref_squeeze %dma_start3A_997 : memref<1x208x128xf32, #tpu.memory_space<vmem>> -> memref<208x128xf32, #tpu.memory_space<vmem>>
    tpu.enqueue_dma source(%dma_start3A_998 : memref<208x128xf32, #tpu.memory_space<vmem>>) target(%dma_start3A_994 : memref<208x128xf32, #tpu.memory_space<hbm>>) target_semaphore(%arg9 : memref<!tpu.dma_semaphore, #tpu.memory_space<semaphore_mem>>)
    %dma_wait3A_999 = arith.constant 0 : i32
    %dma_wait3A_1000 = arith.constant 1 : i32
    %dma_wait3A_1001 = arith.constant 0 : i32
    %dma_wait3A_1002 = arith.constant 0 : i32
    %dma_wait3A_1003 = tpu.memref_slice %arg5[%dma_wait3A_999, %dma_wait3A_1001, %dma_wait3A_1002] : memref<3x208x128xf32, #tpu.memory_space<vmem>> -> memref<1x208x128xf32, #tpu.memory_space<vmem>>
    %dma_wait3A_1004 = tpu.memref_squeeze %dma_wait3A_1003 : memref<1x208x128xf32, #tpu.memory_space<vmem>> -> memref<208x128xf32, #tpu.memory_space<vmem>>
    %dma_wait3A_1005 = arith.constant 0 : i32
    %dma_wait3A_1006 = tpu.memref_slice %arg4[%dma_wait3A_1000, %add3A_34, %dma_wait3A_1005] : memref<2x100000x128xf32, #tpu.memory_space<hbm>> -> memref<1x208x128xf32, #tpu.memory_space<hbm>>
    %dma_wait3A_1007 = tpu.memref_squeeze %dma_wait3A_1006 : memref<1x208x128xf32, #tpu.memory_space<hbm>> -> memref<208x128xf32, #tpu.memory_space<hbm>>
    %dma_wait3A_1008 = arith.constant 0 : i32
    %dma_wait3A_1009 = tpu.memref_slice %arg4[%dma_wait3A_1000, %add3A_34, %dma_wait3A_1008] : memref<2x100000x128xf32, #tpu.memory_space<hbm>> -> memref<1x208x128xf32, #tpu.memory_space<hbm>>
    %dma_wait3A_1010 = tpu.memref_squeeze %dma_wait3A_1009 : memref<1x208x128xf32, #tpu.memory_space<hbm>> -> memref<208x128xf32, #tpu.memory_space<hbm>>
    %dma_wait3A_1011 = arith.constant 0 : i32
    %dma_wait3A_1012 = arith.constant 0 : i32
    %dma_wait3A_1013 = tpu.memref_slice %arg5[%dma_wait3A_999, %dma_wait3A_1011, %dma_wait3A_1012] : memref<3x208x128xf32, #tpu.memory_space<vmem>> -> memref<1x208x128xf32, #tpu.memory_space<vmem>>
    %dma_wait3A_1014 = tpu.memref_squeeze %dma_wait3A_1013 : memref<1x208x128xf32, #tpu.memory_space<vmem>> -> memref<208x128xf32, #tpu.memory_space<vmem>>
    tpu.wait_dma2 semaphore(%arg9 : memref<!tpu.dma_semaphore, #tpu.memory_space<semaphore_mem>>) src(%dma_wait3A_1014 : memref<208x128xf32, #tpu.memory_space<vmem>>) dst(%dma_wait3A_1010 : memref<208x128xf32, #tpu.memory_space<hbm>>)
    %dma_start3A_1015 = arith.constant 0 : i32
    %dma_start3A_1016 = arith.constant 0 : i32
    %dma_start3A_1017 = arith.constant 0 : i32
    %dma_start3A_1018 = tpu.memref_slice %arg5[%dma_start3A_1015, %dma_start3A_1016, %dma_start3A_1017] : memref<3x208x128xf32, #tpu.memory_space<vmem>> -> memref<1x208x128xf32, #tpu.memory_space<vmem>>
    %dma_start3A_1019 = tpu.memref_squeeze %dma_start3A_1018 : memref<1x208x128xf32, #tpu.memory_space<vmem>> -> memref<208x128xf32, #tpu.memory_space<vmem>>
    %dma_start3A_1020 = arith.constant 0 : i32
    %dma_start3A_1021 = tpu.memref_slice %arg3[%add3A_40, %dma_start3A_1020] : memref<100000x128xf32, #tpu.memory_space<hbm>> -> memref<208x128xf32, #tpu.memory_space<hbm>>
    %dma_start3A_1022 = arith.constant 0 : i32
    %dma_start3A_1023 = arith.constant 0 : i32
    %dma_start3A_1024 = tpu.memref_slice %arg5[%dma_start3A_1015, %dma_start3A_1022, %dma_start3A_1023] : memref<3x208x128xf32, #tpu.memory_space<vmem>> -> memref<1x208x128xf32, #tpu.memory_space<vmem>>
    %dma_start3A_1025 = tpu.memref_squeeze %dma_start3A_1024 : memref<1x208x128xf32, #tpu.memory_space<vmem>> -> memref<208x128xf32, #tpu.memory_space<vmem>>
    %dma_start3A_1026 = arith.constant 0 : i32
    %dma_start3A_1027 = tpu.memref_slice %arg3[%add3A_40, %dma_start3A_1026] : memref<100000x128xf32, #tpu.memory_space<hbm>> -> memref<208x128xf32, #tpu.memory_space<hbm>>
    tpu.enqueue_dma source(%dma_start3A_1027 : memref<208x128xf32, #tpu.memory_space<hbm>>) target(%dma_start3A_1025 : memref<208x128xf32, #tpu.memory_space<vmem>>) target_semaphore(%arg6 : memref<!tpu.dma_semaphore, #tpu.memory_space<semaphore_mem>>)
    %dma_wait3A_1028 = arith.constant 1 : i32
    %dma_wait3A_1029 = arith.constant 0 : i32
    %dma_wait3A_1030 = arith.constant 0 : i32
    %dma_wait3A_1031 = tpu.memref_slice %arg5[%dma_wait3A_1028, %dma_wait3A_1029, %dma_wait3A_1030] : memref<3x208x128xf32, #tpu.memory_space<vmem>> -> memref<1x208x128xf32, #tpu.memory_space<vmem>>
    %dma_wait3A_1032 = tpu.memref_squeeze %dma_wait3A_1031 : memref<1x208x128xf32, #tpu.memory_space<vmem>> -> memref<208x128xf32, #tpu.memory_space<vmem>>
    %dma_wait3A_1033 = arith.constant 0 : i32
    %dma_wait3A_1034 = tpu.memref_slice %arg3[%add3A_36, %dma_wait3A_1033] : memref<100000x128xf32, #tpu.memory_space<hbm>> -> memref<208x128xf32, #tpu.memory_space<hbm>>
    %dma_wait3A_1035 = arith.constant 0 : i32
    %dma_wait3A_1036 = arith.constant 0 : i32
    %dma_wait3A_1037 = tpu.memref_slice %arg5[%dma_wait3A_1028, %dma_wait3A_1035, %dma_wait3A_1036] : memref<3x208x128xf32, #tpu.memory_space<vmem>> -> memref<1x208x128xf32, #tpu.memory_space<vmem>>
    %dma_wait3A_1038 = tpu.memref_squeeze %dma_wait3A_1037 : memref<1x208x128xf32, #tpu.memory_space<vmem>> -> memref<208x128xf32, #tpu.memory_space<vmem>>
    %dma_wait3A_1039 = arith.constant 0 : i32
    %dma_wait3A_1040 = tpu.memref_slice %arg3[%add3A_36, %dma_wait3A_1039] : memref<100000x128xf32, #tpu.memory_space<hbm>> -> memref<208x128xf32, #tpu.memory_space<hbm>>
    tpu.wait_dma2 semaphore(%arg7 : memref<!tpu.dma_semaphore, #tpu.memory_space<semaphore_mem>>) src(%dma_wait3A_1040 : memref<208x128xf32, #tpu.memory_space<hbm>>) dst(%dma_wait3A_1038 : memref<208x128xf32, #tpu.memory_space<vmem>>)
    %dma_start3A_1041 = arith.constant 1 : i32
    %dma_start3A_1042 = arith.constant 1 : i32
    %dma_start3A_1043 = arith.constant 0 : i32
    %dma_start3A_1044 = arith.constant 0 : i32
    %dma_start3A_1045 = tpu.memref_slice %arg5[%dma_start3A_1041, %dma_start3A_1043, %dma_start3A_1044] : memref<3x208x128xf32, #tpu.memory_space<vmem>> -> memref<1x208x128xf32, #tpu.memory_space<vmem>>
    %dma_start3A_1046 = tpu.memref_squeeze %dma_start3A_1045 : memref<1x208x128xf32, #tpu.memory_space<vmem>> -> memref<208x128xf32, #tpu.memory_space<vmem>>
    %dma_start3A_1047 = arith.constant 0 : i32
    %dma_start3A_1048 = tpu.memref_slice %arg4[%dma_start3A_1042, %add3A_36, %dma_start3A_1047] : memref<2x100000x128xf32, #tpu.memory_space<hbm>> -> memref<1x208x128xf32, #tpu.memory_space<hbm>>
    %dma_start3A_1049 = tpu.memref_squeeze %dma_start3A_1048 : memref<1x208x128xf32, #tpu.memory_space<hbm>> -> memref<208x128xf32, #tpu.memory_space<hbm>>
    %dma_start3A_1050 = arith.constant 0 : i32
    %dma_start3A_1051 = tpu.memref_slice %arg4[%dma_start3A_1042, %add3A_36, %dma_start3A_1050] : memref<2x100000x128xf32, #tpu.memory_space<hbm>> -> memref<1x208x128xf32, #tpu.memory_space<hbm>>
    %dma_start3A_1052 = tpu.memref_squeeze %dma_start3A_1051 : memref<1x208x128xf32, #tpu.memory_space<hbm>> -> memref<208x128xf32, #tpu.memory_space<hbm>>
    %dma_start3A_1053 = arith.constant 0 : i32
    %dma_start3A_1054 = arith.constant 0 : i32
    %dma_start3A_1055 = tpu.memref_slice %arg5[%dma_start3A_1041, %dma_start3A_1053, %dma_start3A_1054] : memref<3x208x128xf32, #tpu.memory_space<vmem>> -> memref<1x208x128xf32, #tpu.memory_space<vmem>>
    %dma_start3A_1056 = tpu.memref_squeeze %dma_start3A_1055 : memref<1x208x128xf32, #tpu.memory_space<vmem>> -> memref<208x128xf32, #tpu.memory_space<vmem>>
    tpu.enqueue_dma source(%dma_start3A_1056 : memref<208x128xf32, #tpu.memory_space<vmem>>) target(%dma_start3A_1052 : memref<208x128xf32, #tpu.memory_space<hbm>>) target_semaphore(%arg10 : memref<!tpu.dma_semaphore, #tpu.memory_space<semaphore_mem>>)
    %dma_wait3A_1057 = arith.constant 1 : i32
    %dma_wait3A_1058 = arith.constant 1 : i32
    %dma_wait3A_1059 = arith.constant 0 : i32
    %dma_wait3A_1060 = arith.constant 0 : i32
    %dma_wait3A_1061 = tpu.memref_slice %arg5[%dma_wait3A_1057, %dma_wait3A_1059, %dma_wait3A_1060] : memref<3x208x128xf32, #tpu.memory_space<vmem>> -> memref<1x208x128xf32, #tpu.memory_space<vmem>>
    %dma_wait3A_1062 = tpu.memref_squeeze %dma_wait3A_1061 : memref<1x208x128xf32, #tpu.memory_space<vmem>> -> memref<208x128xf32, #tpu.memory_space<vmem>>
    %dma_wait3A_1063 = arith.constant 0 : i32
    %dma_wait3A_1064 = tpu.memref_slice %arg4[%dma_wait3A_1058, %add3A_36, %dma_wait3A_1063] : memref<2x100000x128xf32, #tpu.memory_space<hbm>> -> memref<1x208x128xf32, #tpu.memory_space<hbm>>
    %dma_wait3A_1065 = tpu.memref_squeeze %dma_wait3A_1064 : memref<1x208x128xf32, #tpu.memory_space<hbm>> -> memref<208x128xf32, #tpu.memory_space<hbm>>
    %dma_wait3A_1066 = arith.constant 0 : i32
    %dma_wait3A_1067 = tpu.memref_slice %arg4[%dma_wait3A_1058, %add3A_36, %dma_wait3A_1066] : memref<2x100000x128xf32, #tpu.memory_space<hbm>> -> memref<1x208x128xf32, #tpu.memory_space<hbm>>
    %dma_wait3A_1068 = tpu.memref_squeeze %dma_wait3A_1067 : memref<1x208x128xf32, #tpu.memory_space<hbm>> -> memref<208x128xf32, #tpu.memory_space<hbm>>
    %dma_wait3A_1069 = arith.constant 0 : i32
    %dma_wait3A_1070 = arith.constant 0 : i32
    %dma_wait3A_1071 = tpu.memref_slice %arg5[%dma_wait3A_1057, %dma_wait3A_1069, %dma_wait3A_1070] : memref<3x208x128xf32, #tpu.memory_space<vmem>> -> memref<1x208x128xf32, #tpu.memory_space<vmem>>
    %dma_wait3A_1072 = tpu.memref_squeeze %dma_wait3A_1071 : memref<1x208x128xf32, #tpu.memory_space<vmem>> -> memref<208x128xf32, #tpu.memory_space<vmem>>
    tpu.wait_dma2 semaphore(%arg10 : memref<!tpu.dma_semaphore, #tpu.memory_space<semaphore_mem>>) src(%dma_wait3A_1072 : memref<208x128xf32, #tpu.memory_space<vmem>>) dst(%dma_wait3A_1068 : memref<208x128xf32, #tpu.memory_space<hbm>>)
    %dma_start3A_1073 = arith.constant 1 : i32
    %dma_start3A_1074 = arith.constant 0 : i32
    %dma_start3A_1075 = arith.constant 0 : i32
    %dma_start3A_1076 = tpu.memref_slice %arg5[%dma_start3A_1073, %dma_start3A_1074, %dma_start3A_1075] : memref<3x208x128xf32, #tpu.memory_space<vmem>> -> memref<1x208x128xf32, #tpu.memory_space<vmem>>
    %dma_start3A_1077 = tpu.memref_squeeze %dma_start3A_1076 : memref<1x208x128xf32, #tpu.memory_space<vmem>> -> memref<208x128xf32, #tpu.memory_space<vmem>>
    %dma_start3A_1078 = arith.constant 0 : i32
    %dma_start3A_1079 = tpu.memref_slice %arg3[%add3A_42, %dma_start3A_1078] : memref<100000x128xf32, #tpu.memory_space<hbm>> -> memref<208x128xf32, #tpu.memory_space<hbm>>
    %dma_start3A_1080 = arith.constant 0 : i32
    %dma_start3A_1081 = arith.constant 0 : i32
    %dma_start3A_1082 = tpu.memref_slice %arg5[%dma_start3A_1073, %dma_start3A_1080, %dma_start3A_1081] : memref<3x208x128xf32, #tpu.memory_space<vmem>> -> memref<1x208x128xf32, #tpu.memory_space<vmem>>
    %dma_start3A_1083 = tpu.memref_squeeze %dma_start3A_1082 : memref<1x208x128xf32, #tpu.memory_space<vmem>> -> memref<208x128xf32, #tpu.memory_space<vmem>>
    %dma_start3A_1084 = arith.constant 0 : i32
    %dma_start3A_1085 = tpu.memref_slice %arg3[%add3A_42, %dma_start3A_1084] : memref<100000x128xf32, #tpu.memory_space<hbm>> -> memref<208x128xf32, #tpu.memory_space<hbm>>
    tpu.enqueue_dma source(%dma_start3A_1085 : memref<208x128xf32, #tpu.memory_space<hbm>>) target(%dma_start3A_1083 : memref<208x128xf32, #tpu.memory_space<vmem>>) target_semaphore(%arg7 : memref<!tpu.dma_semaphore, #tpu.memory_space<semaphore_mem>>)
    %dma_wait3A_1086 = arith.constant 2 : i32
    %dma_wait3A_1087 = arith.constant 0 : i32
    %dma_wait3A_1088 = arith.constant 0 : i32
    %dma_wait3A_1089 = tpu.memref_slice %arg5[%dma_wait3A_1086, %dma_wait3A_1087, %dma_wait3A_1088] : memref<3x208x128xf32, #tpu.memory_space<vmem>> -> memref<1x208x128xf32, #tpu.memory_space<vmem>>
    %dma_wait3A_1090 = tpu.memref_squeeze %dma_wait3A_1089 : memref<1x208x128xf32, #tpu.memory_space<vmem>> -> memref<208x128xf32, #tpu.memory_space<vmem>>
    %dma_wait3A_1091 = arith.constant 0 : i32
    %dma_wait3A_1092 = tpu.memref_slice %arg3[%add3A_38, %dma_wait3A_1091] : memref<100000x128xf32, #tpu.memory_space<hbm>> -> memref<208x128xf32, #tpu.memory_space<hbm>>
    %dma_wait3A_1093 = arith.constant 0 : i32
    %dma_wait3A_1094 = arith.constant 0 : i32
    %dma_wait3A_1095 = tpu.memref_slice %arg5[%dma_wait3A_1086, %dma_wait3A_1093, %dma_wait3A_1094] : memref<3x208x128xf32, #tpu.memory_space<vmem>> -> memref<1x208x128xf32, #tpu.memory_space<vmem>>
    %dma_wait3A_1096 = tpu.memref_squeeze %dma_wait3A_1095 : memref<1x208x128xf32, #tpu.memory_space<vmem>> -> memref<208x128xf32, #tpu.memory_space<vmem>>
    %dma_wait3A_1097 = arith.constant 0 : i32
    %dma_wait3A_1098 = tpu.memref_slice %arg3[%add3A_38, %dma_wait3A_1097] : memref<100000x128xf32, #tpu.memory_space<hbm>> -> memref<208x128xf32, #tpu.memory_space<hbm>>
    tpu.wait_dma2 semaphore(%arg8 : memref<!tpu.dma_semaphore, #tpu.memory_space<semaphore_mem>>) src(%dma_wait3A_1098 : memref<208x128xf32, #tpu.memory_space<hbm>>) dst(%dma_wait3A_1096 : memref<208x128xf32, #tpu.memory_space<vmem>>)
    %dma_start3A_1099 = arith.constant 2 : i32
    %dma_start3A_1100 = arith.constant 1 : i32
    %dma_start3A_1101 = arith.constant 0 : i32
    %dma_start3A_1102 = arith.constant 0 : i32
    %dma_start3A_1103 = tpu.memref_slice %arg5[%dma_start3A_1099, %dma_start3A_1101, %dma_start3A_1102] : memref<3x208x128xf32, #tpu.memory_space<vmem>> -> memref<1x208x128xf32, #tpu.memory_space<vmem>>
    %dma_start3A_1104 = tpu.memref_squeeze %dma_start3A_1103 : memref<1x208x128xf32, #tpu.memory_space<vmem>> -> memref<208x128xf32, #tpu.memory_space<vmem>>
    %dma_start3A_1105 = arith.constant 0 : i32
    %dma_start3A_1106 = tpu.memref_slice %arg4[%dma_start3A_1100, %add3A_38, %dma_start3A_1105] : memref<2x100000x128xf32, #tpu.memory_space<hbm>> -> memref<1x208x128xf32, #tpu.memory_space<hbm>>
    %dma_start3A_1107 = tpu.memref_squeeze %dma_start3A_1106 : memref<1x208x128xf32, #tpu.memory_space<hbm>> -> memref<208x128xf32, #tpu.memory_space<hbm>>
    %dma_start3A_1108 = arith.constant 0 : i32
    %dma_start3A_1109 = tpu.memref_slice %arg4[%dma_start3A_1100, %add3A_38, %dma_start3A_1108] : memref<2x100000x128xf32, #tpu.memory_space<hbm>> -> memref<1x208x128xf32, #tpu.memory_space<hbm>>
    %dma_start3A_1110 = tpu.memref_squeeze %dma_start3A_1109 : memref<1x208x128xf32, #tpu.memory_space<hbm>> -> memref<208x128xf32, #tpu.memory_space<hbm>>
    %dma_start3A_1111 = arith.constant 0 : i32
    %dma_start3A_1112 = arith.constant 0 : i32
    %dma_start3A_1113 = tpu.memref_slice %arg5[%dma_start3A_1099, %dma_start3A_1111, %dma_start3A_1112] : memref<3x208x128xf32, #tpu.memory_space<vmem>> -> memref<1x208x128xf32, #tpu.memory_space<vmem>>
    %dma_start3A_1114 = tpu.memref_squeeze %dma_start3A_1113 : memref<1x208x128xf32, #tpu.memory_space<vmem>> -> memref<208x128xf32, #tpu.memory_space<vmem>>
    tpu.enqueue_dma source(%dma_start3A_1114 : memref<208x128xf32, #tpu.memory_space<vmem>>) target(%dma_start3A_1110 : memref<208x128xf32, #tpu.memory_space<hbm>>) target_semaphore(%arg11 : memref<!tpu.dma_semaphore, #tpu.memory_space<semaphore_mem>>)
    %dma_wait3A_1115 = arith.constant 2 : i32
    %dma_wait3A_1116 = arith.constant 1 : i32
    %dma_wait3A_1117 = arith.constant 0 : i32
    %dma_wait3A_1118 = arith.constant 0 : i32
    %dma_wait3A_1119 = tpu.memref_slice %arg5[%dma_wait3A_1115, %dma_wait3A_1117, %dma_wait3A_1118] : memref<3x208x128xf32, #tpu.memory_space<vmem>> -> memref<1x208x128xf32, #tpu.memory_space<vmem>>
    %dma_wait3A_1120 = tpu.memref_squeeze %dma_wait3A_1119 : memref<1x208x128xf32, #tpu.memory_space<vmem>> -> memref<208x128xf32, #tpu.memory_space<vmem>>
    %dma_wait3A_1121 = arith.constant 0 : i32
    %dma_wait3A_1122 = tpu.memref_slice %arg4[%dma_wait3A_1116, %add3A_38, %dma_wait3A_1121] : memref<2x100000x128xf32, #tpu.memory_space<hbm>> -> memref<1x208x128xf32, #tpu.memory_space<hbm>>
    %dma_wait3A_1123 = tpu.memref_squeeze %dma_wait3A_1122 : memref<1x208x128xf32, #tpu.memory_space<hbm>> -> memref<208x128xf32, #tpu.memory_space<hbm>>
    %dma_wait3A_1124 = arith.constant 0 : i32
    %dma_wait3A_1125 = tpu.memref_slice %arg4[%dma_wait3A_1116, %add3A_38, %dma_wait3A_1124] : memref<2x100000x128xf32, #tpu.memory_space<hbm>> -> memref<1x208x128xf32, #tpu.memory_space<hbm>>
    %dma_wait3A_1126 = tpu.memref_squeeze %dma_wait3A_1125 : memref<1x208x128xf32, #tpu.memory_space<hbm>> -> memref<208x128xf32, #tpu.memory_space<hbm>>
    %dma_wait3A_1127 = arith.constant 0 : i32
    %dma_wait3A_1128 = arith.constant 0 : i32
    %dma_wait3A_1129 = tpu.memref_slice %arg5[%dma_wait3A_1115, %dma_wait3A_1127, %dma_wait3A_1128] : memref<3x208x128xf32, #tpu.memory_space<vmem>> -> memref<1x208x128xf32, #tpu.memory_space<vmem>>
    %dma_wait3A_1130 = tpu.memref_squeeze %dma_wait3A_1129 : memref<1x208x128xf32, #tpu.memory_space<vmem>> -> memref<208x128xf32, #tpu.memory_space<vmem>>
    tpu.wait_dma2 semaphore(%arg11 : memref<!tpu.dma_semaphore, #tpu.memory_space<semaphore_mem>>) src(%dma_wait3A_1130 : memref<208x128xf32, #tpu.memory_space<vmem>>) dst(%dma_wait3A_1126 : memref<208x128xf32, #tpu.memory_space<hbm>>)
    %dma_start3A_1131 = arith.constant 2 : i32
    %dma_start3A_1132 = arith.constant 0 : i32
    %dma_start3A_1133 = arith.constant 0 : i32
    %dma_start3A_1134 = tpu.memref_slice %arg5[%dma_start3A_1131, %dma_start3A_1132, %dma_start3A_1133] : memref<3x208x128xf32, #tpu.memory_space<vmem>> -> memref<1x208x128xf32, #tpu.memory_space<vmem>>
    %dma_start3A_1135 = tpu.memref_squeeze %dma_start3A_1134 : memref<1x208x128xf32, #tpu.memory_space<vmem>> -> memref<208x128xf32, #tpu.memory_space<vmem>>
    %dma_start3A_1136 = arith.constant 0 : i32
    %dma_start3A_1137 = tpu.memref_slice %arg3[%add3A_44, %dma_start3A_1136] : memref<100000x128xf32, #tpu.memory_space<hbm>> -> memref<208x128xf32, #tpu.memory_space<hbm>>
    %dma_start3A_1138 = arith.constant 0 : i32
    %dma_start3A_1139 = arith.constant 0 : i32
    %dma_start3A_1140 = tpu.memref_slice %arg5[%dma_start3A_1131, %dma_start3A_1138, %dma_start3A_1139] : memref<3x208x128xf32, #tpu.memory_space<vmem>> -> memref<1x208x128xf32, #tpu.memory_space<vmem>>
    %dma_start3A_1141 = tpu.memref_squeeze %dma_start3A_1140 : memref<1x208x128xf32, #tpu.memory_space<vmem>> -> memref<208x128xf32, #tpu.memory_space<vmem>>
    %dma_start3A_1142 = arith.constant 0 : i32
    %dma_start3A_1143 = tpu.memref_slice %arg3[%add3A_44, %dma_start3A_1142] : memref<100000x128xf32, #tpu.memory_space<hbm>> -> memref<208x128xf32, #tpu.memory_space<hbm>>
    tpu.enqueue_dma source(%dma_start3A_1143 : memref<208x128xf32, #tpu.memory_space<hbm>>) target(%dma_start3A_1141 : memref<208x128xf32, #tpu.memory_space<vmem>>) target_semaphore(%arg8 : memref<!tpu.dma_semaphore, #tpu.memory_space<semaphore_mem>>)
    %dma_wait3A_1144 = arith.constant 0 : i32
    %dma_wait3A_1145 = arith.constant 0 : i32
    %dma_wait3A_1146 = arith.constant 0 : i32
    %dma_wait3A_1147 = tpu.memref_slice %arg5[%dma_wait3A_1144, %dma_wait3A_1145, %dma_wait3A_1146] : memref<3x208x128xf32, #tpu.memory_space<vmem>> -> memref<1x208x128xf32, #tpu.memory_space<vmem>>
    %dma_wait3A_1148 = tpu.memref_squeeze %dma_wait3A_1147 : memref<1x208x128xf32, #tpu.memory_space<vmem>> -> memref<208x128xf32, #tpu.memory_space<vmem>>
    %dma_wait3A_1149 = arith.constant 0 : i32
    %dma_wait3A_1150 = tpu.memref_slice %arg3[%add3A_40, %dma_wait3A_1149] : memref<100000x128xf32, #tpu.memory_space<hbm>> -> memref<208x128xf32, #tpu.memory_space<hbm>>
    %dma_wait3A_1151 = arith.constant 0 : i32
    %dma_wait3A_1152 = arith.constant 0 : i32
    %dma_wait3A_1153 = tpu.memref_slice %arg5[%dma_wait3A_1144, %dma_wait3A_1151, %dma_wait3A_1152] : memref<3x208x128xf32, #tpu.memory_space<vmem>> -> memref<1x208x128xf32, #tpu.memory_space<vmem>>
    %dma_wait3A_1154 = tpu.memref_squeeze %dma_wait3A_1153 : memref<1x208x128xf32, #tpu.memory_space<vmem>> -> memref<208x128xf32, #tpu.memory_space<vmem>>
    %dma_wait3A_1155 = arith.constant 0 : i32
    %dma_wait3A_1156 = tpu.memref_slice %arg3[%add3A_40, %dma_wait3A_1155] : memref<100000x128xf32, #tpu.memory_space<hbm>> -> memref<208x128xf32, #tpu.memory_space<hbm>>
    tpu.wait_dma2 semaphore(%arg6 : memref<!tpu.dma_semaphore, #tpu.memory_space<semaphore_mem>>) src(%dma_wait3A_1156 : memref<208x128xf32, #tpu.memory_space<hbm>>) dst(%dma_wait3A_1154 : memref<208x128xf32, #tpu.memory_space<vmem>>)
    %dma_start3A_1157 = arith.constant 0 : i32
    %dma_start3A_1158 = arith.constant 1 : i32
    %dma_start3A_1159 = arith.constant 0 : i32
    %dma_start3A_1160 = arith.constant 0 : i32
    %dma_start3A_1161 = tpu.memref_slice %arg5[%dma_start3A_1157, %dma_start3A_1159, %dma_start3A_1160] : memref<3x208x128xf32, #tpu.memory_space<vmem>> -> memref<1x208x128xf32, #tpu.memory_space<vmem>>
    %dma_start3A_1162 = tpu.memref_squeeze %dma_start3A_1161 : memref<1x208x128xf32, #tpu.memory_space<vmem>> -> memref<208x128xf32, #tpu.memory_space<vmem>>
    %dma_start3A_1163 = arith.constant 0 : i32
    %dma_start3A_1164 = tpu.memref_slice %arg4[%dma_start3A_1158, %add3A_40, %dma_start3A_1163] : memref<2x100000x128xf32, #tpu.memory_space<hbm>> -> memref<1x208x128xf32, #tpu.memory_space<hbm>>
    %dma_start3A_1165 = tpu.memref_squeeze %dma_start3A_1164 : memref<1x208x128xf32, #tpu.memory_space<hbm>> -> memref<208x128xf32, #tpu.memory_space<hbm>>
    %dma_start3A_1166 = arith.constant 0 : i32
    %dma_start3A_1167 = tpu.memref_slice %arg4[%dma_start3A_1158, %add3A_40, %dma_start3A_1166] : memref<2x100000x128xf32, #tpu.memory_space<hbm>> -> memref<1x208x128xf32, #tpu.memory_space<hbm>>
    %dma_start3A_1168 = tpu.memref_squeeze %dma_start3A_1167 : memref<1x208x128xf32, #tpu.memory_space<hbm>> -> memref<208x128xf32, #tpu.memory_space<hbm>>
    %dma_start3A_1169 = arith.constant 0 : i32
    %dma_start3A_1170 = arith.constant 0 : i32
    %dma_start3A_1171 = tpu.memref_slice %arg5[%dma_start3A_1157, %dma_start3A_1169, %dma_start3A_1170] : memref<3x208x128xf32, #tpu.memory_space<vmem>> -> memref<1x208x128xf32, #tpu.memory_space<vmem>>
    %dma_start3A_1172 = tpu.memref_squeeze %dma_start3A_1171 : memref<1x208x128xf32, #tpu.memory_space<vmem>> -> memref<208x128xf32, #tpu.memory_space<vmem>>
    tpu.enqueue_dma source(%dma_start3A_1172 : memref<208x128xf32, #tpu.memory_space<vmem>>) target(%dma_start3A_1168 : memref<208x128xf32, #tpu.memory_space<hbm>>) target_semaphore(%arg9 : memref<!tpu.dma_semaphore, #tpu.memory_space<semaphore_mem>>)
    %dma_wait3A_1173 = arith.constant 0 : i32
    %dma_wait3A_1174 = arith.constant 1 : i32
    %dma_wait3A_1175 = arith.constant 0 : i32
    %dma_wait3A_1176 = arith.constant 0 : i32
    %dma_wait3A_1177 = tpu.memref_slice %arg5[%dma_wait3A_1173, %dma_wait3A_1175, %dma_wait3A_1176] : memref<3x208x128xf32, #tpu.memory_space<vmem>> -> memref<1x208x128xf32, #tpu.memory_space<vmem>>
    %dma_wait3A_1178 = tpu.memref_squeeze %dma_wait3A_1177 : memref<1x208x128xf32, #tpu.memory_space<vmem>> -> memref<208x128xf32, #tpu.memory_space<vmem>>
    %dma_wait3A_1179 = arith.constant 0 : i32
    %dma_wait3A_1180 = tpu.memref_slice %arg4[%dma_wait3A_1174, %add3A_40, %dma_wait3A_1179] : memref<2x100000x128xf32, #tpu.memory_space<hbm>> -> memref<1x208x128xf32, #tpu.memory_space<hbm>>
    %dma_wait3A_1181 = tpu.memref_squeeze %dma_wait3A_1180 : memref<1x208x128xf32, #tpu.memory_space<hbm>> -> memref<208x128xf32, #tpu.memory_space<hbm>>
    %dma_wait3A_1182 = arith.constant 0 : i32
    %dma_wait3A_1183 = tpu.memref_slice %arg4[%dma_wait3A_1174, %add3A_40, %dma_wait3A_1182] : memref<2x100000x128xf32, #tpu.memory_space<hbm>> -> memref<1x208x128xf32, #tpu.memory_space<hbm>>
    %dma_wait3A_1184 = tpu.memref_squeeze %dma_wait3A_1183 : memref<1x208x128xf32, #tpu.memory_space<hbm>> -> memref<208x128xf32, #tpu.memory_space<hbm>>
    %dma_wait3A_1185 = arith.constant 0 : i32
    %dma_wait3A_1186 = arith.constant 0 : i32
    %dma_wait3A_1187 = tpu.memref_slice %arg5[%dma_wait3A_1173, %dma_wait3A_1185, %dma_wait3A_1186] : memref<3x208x128xf32, #tpu.memory_space<vmem>> -> memref<1x208x128xf32, #tpu.memory_space<vmem>>
    %dma_wait3A_1188 = tpu.memref_squeeze %dma_wait3A_1187 : memref<1x208x128xf32, #tpu.memory_space<vmem>> -> memref<208x128xf32, #tpu.memory_space<vmem>>
    tpu.wait_dma2 semaphore(%arg9 : memref<!tpu.dma_semaphore, #tpu.memory_space<semaphore_mem>>) src(%dma_wait3A_1188 : memref<208x128xf32, #tpu.memory_space<vmem>>) dst(%dma_wait3A_1184 : memref<208x128xf32, #tpu.memory_space<hbm>>)
    %dma_start3A_1189 = arith.constant 0 : i32
    %dma_start3A_1190 = arith.constant 0 : i32
    %dma_start3A_1191 = arith.constant 0 : i32
    %dma_start3A_1192 = tpu.memref_slice %arg5[%dma_start3A_1189, %dma_start3A_1190, %dma_start3A_1191] : memref<3x208x128xf32, #tpu.memory_space<vmem>> -> memref<1x208x128xf32, #tpu.memory_space<vmem>>
    %dma_start3A_1193 = tpu.memref_squeeze %dma_start3A_1192 : memref<1x208x128xf32, #tpu.memory_space<vmem>> -> memref<208x128xf32, #tpu.memory_space<vmem>>
    %dma_start3A_1194 = arith.constant 0 : i32
    %dma_start3A_1195 = tpu.memref_slice %arg3[%add3A_46, %dma_start3A_1194] : memref<100000x128xf32, #tpu.memory_space<hbm>> -> memref<208x128xf32, #tpu.memory_space<hbm>>
    %dma_start3A_1196 = arith.constant 0 : i32
    %dma_start3A_1197 = arith.constant 0 : i32
    %dma_start3A_1198 = tpu.memref_slice %arg5[%dma_start3A_1189, %dma_start3A_1196, %dma_start3A_1197] : memref<3x208x128xf32, #tpu.memory_space<vmem>> -> memref<1x208x128xf32, #tpu.memory_space<vmem>>
    %dma_start3A_1199 = tpu.memref_squeeze %dma_start3A_1198 : memref<1x208x128xf32, #tpu.memory_space<vmem>> -> memref<208x128xf32, #tpu.memory_space<vmem>>
    %dma_start3A_1200 = arith.constant 0 : i32
    %dma_start3A_1201 = tpu.memref_slice %arg3[%add3A_46, %dma_start3A_1200] : memref<100000x128xf32, #tpu.memory_space<hbm>> -> memref<208x128xf32, #tpu.memory_space<hbm>>
    tpu.enqueue_dma source(%dma_start3A_1201 : memref<208x128xf32, #tpu.memory_space<hbm>>) target(%dma_start3A_1199 : memref<208x128xf32, #tpu.memory_space<vmem>>) target_semaphore(%arg6 : memref<!tpu.dma_semaphore, #tpu.memory_space<semaphore_mem>>)
    %dma_wait3A_1202 = arith.constant 1 : i32
    %dma_wait3A_1203 = arith.constant 0 : i32
    %dma_wait3A_1204 = arith.constant 0 : i32
    %dma_wait3A_1205 = tpu.memref_slice %arg5[%dma_wait3A_1202, %dma_wait3A_1203, %dma_wait3A_1204] : memref<3x208x128xf32, #tpu.memory_space<vmem>> -> memref<1x208x128xf32, #tpu.memory_space<vmem>>
    %dma_wait3A_1206 = tpu.memref_squeeze %dma_wait3A_1205 : memref<1x208x128xf32, #tpu.memory_space<vmem>> -> memref<208x128xf32, #tpu.memory_space<vmem>>
    %dma_wait3A_1207 = arith.constant 0 : i32
    %dma_wait3A_1208 = tpu.memref_slice %arg3[%add3A_42, %dma_wait3A_1207] : memref<100000x128xf32, #tpu.memory_space<hbm>> -> memref<208x128xf32, #tpu.memory_space<hbm>>
    %dma_wait3A_1209 = arith.constant 0 : i32
    %dma_wait3A_1210 = arith.constant 0 : i32
    %dma_wait3A_1211 = tpu.memref_slice %arg5[%dma_wait3A_1202, %dma_wait3A_1209, %dma_wait3A_1210] : memref<3x208x128xf32, #tpu.memory_space<vmem>> -> memref<1x208x128xf32, #tpu.memory_space<vmem>>
    %dma_wait3A_1212 = tpu.memref_squeeze %dma_wait3A_1211 : memref<1x208x128xf32, #tpu.memory_space<vmem>> -> memref<208x128xf32, #tpu.memory_space<vmem>>
    %dma_wait3A_1213 = arith.constant 0 : i32
    %dma_wait3A_1214 = tpu.memref_slice %arg3[%add3A_42, %dma_wait3A_1213] : memref<100000x128xf32, #tpu.memory_space<hbm>> -> memref<208x128xf32, #tpu.memory_space<hbm>>
    tpu.wait_dma2 semaphore(%arg7 : memref<!tpu.dma_semaphore, #tpu.memory_space<semaphore_mem>>) src(%dma_wait3A_1214 : memref<208x128xf32, #tpu.memory_space<hbm>>) dst(%dma_wait3A_1212 : memref<208x128xf32, #tpu.memory_space<vmem>>)
    %dma_start3A_1215 = arith.constant 1 : i32
    %dma_start3A_1216 = arith.constant 1 : i32
    %dma_start3A_1217 = arith.constant 0 : i32
    %dma_start3A_1218 = arith.constant 0 : i32
    %dma_start3A_1219 = tpu.memref_slice %arg5[%dma_start3A_1215, %dma_start3A_1217, %dma_start3A_1218] : memref<3x208x128xf32, #tpu.memory_space<vmem>> -> memref<1x208x128xf32, #tpu.memory_space<vmem>>
    %dma_start3A_1220 = tpu.memref_squeeze %dma_start3A_1219 : memref<1x208x128xf32, #tpu.memory_space<vmem>> -> memref<208x128xf32, #tpu.memory_space<vmem>>
    %dma_start3A_1221 = arith.constant 0 : i32
    %dma_start3A_1222 = tpu.memref_slice %arg4[%dma_start3A_1216, %add3A_42, %dma_start3A_1221] : memref<2x100000x128xf32, #tpu.memory_space<hbm>> -> memref<1x208x128xf32, #tpu.memory_space<hbm>>
    %dma_start3A_1223 = tpu.memref_squeeze %dma_start3A_1222 : memref<1x208x128xf32, #tpu.memory_space<hbm>> -> memref<208x128xf32, #tpu.memory_space<hbm>>
    %dma_start3A_1224 = arith.constant 0 : i32
    %dma_start3A_1225 = tpu.memref_slice %arg4[%dma_start3A_1216, %add3A_42, %dma_start3A_1224] : memref<2x100000x128xf32, #tpu.memory_space<hbm>> -> memref<1x208x128xf32, #tpu.memory_space<hbm>>
    %dma_start3A_1226 = tpu.memref_squeeze %dma_start3A_1225 : memref<1x208x128xf32, #tpu.memory_space<hbm>> -> memref<208x128xf32, #tpu.memory_space<hbm>>
    %dma_start3A_1227 = arith.constant 0 : i32
    %dma_start3A_1228 = arith.constant 0 : i32
    %dma_start3A_1229 = tpu.memref_slice %arg5[%dma_start3A_1215, %dma_start3A_1227, %dma_start3A_1228] : memref<3x208x128xf32, #tpu.memory_space<vmem>> -> memref<1x208x128xf32, #tpu.memory_space<vmem>>
    %dma_start3A_1230 = tpu.memref_squeeze %dma_start3A_1229 : memref<1x208x128xf32, #tpu.memory_space<vmem>> -> memref<208x128xf32, #tpu.memory_space<vmem>>
    tpu.enqueue_dma source(%dma_start3A_1230 : memref<208x128xf32, #tpu.memory_space<vmem>>) target(%dma_start3A_1226 : memref<208x128xf32, #tpu.memory_space<hbm>>) target_semaphore(%arg10 : memref<!tpu.dma_semaphore, #tpu.memory_space<semaphore_mem>>)
    %dma_wait3A_1231 = arith.constant 1 : i32
    %dma_wait3A_1232 = arith.constant 1 : i32
    %dma_wait3A_1233 = arith.constant 0 : i32
    %dma_wait3A_1234 = arith.constant 0 : i32
    %dma_wait3A_1235 = tpu.memref_slice %arg5[%dma_wait3A_1231, %dma_wait3A_1233, %dma_wait3A_1234] : memref<3x208x128xf32, #tpu.memory_space<vmem>> -> memref<1x208x128xf32, #tpu.memory_space<vmem>>
    %dma_wait3A_1236 = tpu.memref_squeeze %dma_wait3A_1235 : memref<1x208x128xf32, #tpu.memory_space<vmem>> -> memref<208x128xf32, #tpu.memory_space<vmem>>
    %dma_wait3A_1237 = arith.constant 0 : i32
    %dma_wait3A_1238 = tpu.memref_slice %arg4[%dma_wait3A_1232, %add3A_42, %dma_wait3A_1237] : memref<2x100000x128xf32, #tpu.memory_space<hbm>> -> memref<1x208x128xf32, #tpu.memory_space<hbm>>
    %dma_wait3A_1239 = tpu.memref_squeeze %dma_wait3A_1238 : memref<1x208x128xf32, #tpu.memory_space<hbm>> -> memref<208x128xf32, #tpu.memory_space<hbm>>
    %dma_wait3A_1240 = arith.constant 0 : i32
    %dma_wait3A_1241 = tpu.memref_slice %arg4[%dma_wait3A_1232, %add3A_42, %dma_wait3A_1240] : memref<2x100000x128xf32, #tpu.memory_space<hbm>> -> memref<1x208x128xf32, #tpu.memory_space<hbm>>
    %dma_wait3A_1242 = tpu.memref_squeeze %dma_wait3A_1241 : memref<1x208x128xf32, #tpu.memory_space<hbm>> -> memref<208x128xf32, #tpu.memory_space<hbm>>
    %dma_wait3A_1243 = arith.constant 0 : i32
    %dma_wait3A_1244 = arith.constant 0 : i32
    %dma_wait3A_1245 = tpu.memref_slice %arg5[%dma_wait3A_1231, %dma_wait3A_1243, %dma_wait3A_1244] : memref<3x208x128xf32, #tpu.memory_space<vmem>> -> memref<1x208x128xf32, #tpu.memory_space<vmem>>
    %dma_wait3A_1246 = tpu.memref_squeeze %dma_wait3A_1245 : memref<1x208x128xf32, #tpu.memory_space<vmem>> -> memref<208x128xf32, #tpu.memory_space<vmem>>
    tpu.wait_dma2 semaphore(%arg10 : memref<!tpu.dma_semaphore, #tpu.memory_space<semaphore_mem>>) src(%dma_wait3A_1246 : memref<208x128xf32, #tpu.memory_space<vmem>>) dst(%dma_wait3A_1242 : memref<208x128xf32, #tpu.memory_space<hbm>>)
    %dma_start3A_1247 = arith.constant 1 : i32
    %dma_start3A_1248 = arith.constant 0 : i32
    %dma_start3A_1249 = arith.constant 0 : i32
    %dma_start3A_1250 = tpu.memref_slice %arg5[%dma_start3A_1247, %dma_start3A_1248, %dma_start3A_1249] : memref<3x208x128xf32, #tpu.memory_space<vmem>> -> memref<1x208x128xf32, #tpu.memory_space<vmem>>
    %dma_start3A_1251 = tpu.memref_squeeze %dma_start3A_1250 : memref<1x208x128xf32, #tpu.memory_space<vmem>> -> memref<208x128xf32, #tpu.memory_space<vmem>>
    %dma_start3A_1252 = arith.constant 0 : i32
    %dma_start3A_1253 = tpu.memref_slice %arg3[%add3A_48, %dma_start3A_1252] : memref<100000x128xf32, #tpu.memory_space<hbm>> -> memref<208x128xf32, #tpu.memory_space<hbm>>
    %dma_start3A_1254 = arith.constant 0 : i32
    %dma_start3A_1255 = arith.constant 0 : i32
    %dma_start3A_1256 = tpu.memref_slice %arg5[%dma_start3A_1247, %dma_start3A_1254, %dma_start3A_1255] : memref<3x208x128xf32, #tpu.memory_space<vmem>> -> memref<1x208x128xf32, #tpu.memory_space<vmem>>
    %dma_start3A_1257 = tpu.memref_squeeze %dma_start3A_1256 : memref<1x208x128xf32, #tpu.memory_space<vmem>> -> memref<208x128xf32, #tpu.memory_space<vmem>>
    %dma_start3A_1258 = arith.constant 0 : i32
    %dma_start3A_1259 = tpu.memref_slice %arg3[%add3A_48, %dma_start3A_1258] : memref<100000x128xf32, #tpu.memory_space<hbm>> -> memref<208x128xf32, #tpu.memory_space<hbm>>
    tpu.enqueue_dma source(%dma_start3A_1259 : memref<208x128xf32, #tpu.memory_space<hbm>>) target(%dma_start3A_1257 : memref<208x128xf32, #tpu.memory_space<vmem>>) target_semaphore(%arg7 : memref<!tpu.dma_semaphore, #tpu.memory_space<semaphore_mem>>)
    %dma_wait3A_1260 = arith.constant 2 : i32
    %dma_wait3A_1261 = arith.constant 0 : i32
    %dma_wait3A_1262 = arith.constant 0 : i32
    %dma_wait3A_1263 = tpu.memref_slice %arg5[%dma_wait3A_1260, %dma_wait3A_1261, %dma_wait3A_1262] : memref<3x208x128xf32, #tpu.memory_space<vmem>> -> memref<1x208x128xf32, #tpu.memory_space<vmem>>
    %dma_wait3A_1264 = tpu.memref_squeeze %dma_wait3A_1263 : memref<1x208x128xf32, #tpu.memory_space<vmem>> -> memref<208x128xf32, #tpu.memory_space<vmem>>
    %dma_wait3A_1265 = arith.constant 0 : i32
    %dma_wait3A_1266 = tpu.memref_slice %arg3[%add3A_44, %dma_wait3A_1265] : memref<100000x128xf32, #tpu.memory_space<hbm>> -> memref<208x128xf32, #tpu.memory_space<hbm>>
    %dma_wait3A_1267 = arith.constant 0 : i32
    %dma_wait3A_1268 = arith.constant 0 : i32
    %dma_wait3A_1269 = tpu.memref_slice %arg5[%dma_wait3A_1260, %dma_wait3A_1267, %dma_wait3A_1268] : memref<3x208x128xf32, #tpu.memory_space<vmem>> -> memref<1x208x128xf32, #tpu.memory_space<vmem>>
    %dma_wait3A_1270 = tpu.memref_squeeze %dma_wait3A_1269 : memref<1x208x128xf32, #tpu.memory_space<vmem>> -> memref<208x128xf32, #tpu.memory_space<vmem>>
    %dma_wait3A_1271 = arith.constant 0 : i32
    %dma_wait3A_1272 = tpu.memref_slice %arg3[%add3A_44, %dma_wait3A_1271] : memref<100000x128xf32, #tpu.memory_space<hbm>> -> memref<208x128xf32, #tpu.memory_space<hbm>>
    tpu.wait_dma2 semaphore(%arg8 : memref<!tpu.dma_semaphore, #tpu.memory_space<semaphore_mem>>) src(%dma_wait3A_1272 : memref<208x128xf32, #tpu.memory_space<hbm>>) dst(%dma_wait3A_1270 : memref<208x128xf32, #tpu.memory_space<vmem>>)
    %dma_start3A_1273 = arith.constant 2 : i32
    %dma_start3A_1274 = arith.constant 1 : i32
    %dma_start3A_1275 = arith.constant 0 : i32
    %dma_start3A_1276 = arith.constant 0 : i32
    %dma_start3A_1277 = tpu.memref_slice %arg5[%dma_start3A_1273, %dma_start3A_1275, %dma_start3A_1276] : memref<3x208x128xf32, #tpu.memory_space<vmem>> -> memref<1x208x128xf32, #tpu.memory_space<vmem>>
    %dma_start3A_1278 = tpu.memref_squeeze %dma_start3A_1277 : memref<1x208x128xf32, #tpu.memory_space<vmem>> -> memref<208x128xf32, #tpu.memory_space<vmem>>
    %dma_start3A_1279 = arith.constant 0 : i32
    %dma_start3A_1280 = tpu.memref_slice %arg4[%dma_start3A_1274, %add3A_44, %dma_start3A_1279] : memref<2x100000x128xf32, #tpu.memory_space<hbm>> -> memref<1x208x128xf32, #tpu.memory_space<hbm>>
    %dma_start3A_1281 = tpu.memref_squeeze %dma_start3A_1280 : memref<1x208x128xf32, #tpu.memory_space<hbm>> -> memref<208x128xf32, #tpu.memory_space<hbm>>
    %dma_start3A_1282 = arith.constant 0 : i32
    %dma_start3A_1283 = tpu.memref_slice %arg4[%dma_start3A_1274, %add3A_44, %dma_start3A_1282] : memref<2x100000x128xf32, #tpu.memory_space<hbm>> -> memref<1x208x128xf32, #tpu.memory_space<hbm>>
    %dma_start3A_1284 = tpu.memref_squeeze %dma_start3A_1283 : memref<1x208x128xf32, #tpu.memory_space<hbm>> -> memref<208x128xf32, #tpu.memory_space<hbm>>
    %dma_start3A_1285 = arith.constant 0 : i32
    %dma_start3A_1286 = arith.constant 0 : i32
    %dma_start3A_1287 = tpu.memref_slice %arg5[%dma_start3A_1273, %dma_start3A_1285, %dma_start3A_1286] : memref<3x208x128xf32, #tpu.memory_space<vmem>> -> memref<1x208x128xf32, #tpu.memory_space<vmem>>
    %dma_start3A_1288 = tpu.memref_squeeze %dma_start3A_1287 : memref<1x208x128xf32, #tpu.memory_space<vmem>> -> memref<208x128xf32, #tpu.memory_space<vmem>>
    tpu.enqueue_dma source(%dma_start3A_1288 : memref<208x128xf32, #tpu.memory_space<vmem>>) target(%dma_start3A_1284 : memref<208x128xf32, #tpu.memory_space<hbm>>) target_semaphore(%arg11 : memref<!tpu.dma_semaphore, #tpu.memory_space<semaphore_mem>>)
    %dma_wait3A_1289 = arith.constant 2 : i32
    %dma_wait3A_1290 = arith.constant 1 : i32
    %dma_wait3A_1291 = arith.constant 0 : i32
    %dma_wait3A_1292 = arith.constant 0 : i32
    %dma_wait3A_1293 = tpu.memref_slice %arg5[%dma_wait3A_1289, %dma_wait3A_1291, %dma_wait3A_1292] : memref<3x208x128xf32, #tpu.memory_space<vmem>> -> memref<1x208x128xf32, #tpu.memory_space<vmem>>
    %dma_wait3A_1294 = tpu.memref_squeeze %dma_wait3A_1293 : memref<1x208x128xf32, #tpu.memory_space<vmem>> -> memref<208x128xf32, #tpu.memory_space<vmem>>
    %dma_wait3A_1295 = arith.constant 0 : i32
    %dma_wait3A_1296 = tpu.memref_slice %arg4[%dma_wait3A_1290, %add3A_44, %dma_wait3A_1295] : memref<2x100000x128xf32, #tpu.memory_space<hbm>> -> memref<1x208x128xf32, #tpu.memory_space<hbm>>
    %dma_wait3A_1297 = tpu.memref_squeeze %dma_wait3A_1296 : memref<1x208x128xf32, #tpu.memory_space<hbm>> -> memref<208x128xf32, #tpu.memory_space<hbm>>
    %dma_wait3A_1298 = arith.constant 0 : i32
    %dma_wait3A_1299 = tpu.memref_slice %arg4[%dma_wait3A_1290, %add3A_44, %dma_wait3A_1298] : memref<2x100000x128xf32, #tpu.memory_space<hbm>> -> memref<1x208x128xf32, #tpu.memory_space<hbm>>
    %dma_wait3A_1300 = tpu.memref_squeeze %dma_wait3A_1299 : memref<1x208x128xf32, #tpu.memory_space<hbm>> -> memref<208x128xf32, #tpu.memory_space<hbm>>
    %dma_wait3A_1301 = arith.constant 0 : i32
    %dma_wait3A_1302 = arith.constant 0 : i32
    %dma_wait3A_1303 = tpu.memref_slice %arg5[%dma_wait3A_1289, %dma_wait3A_1301, %dma_wait3A_1302] : memref<3x208x128xf32, #tpu.memory_space<vmem>> -> memref<1x208x128xf32, #tpu.memory_space<vmem>>
    %dma_wait3A_1304 = tpu.memref_squeeze %dma_wait3A_1303 : memref<1x208x128xf32, #tpu.memory_space<vmem>> -> memref<208x128xf32, #tpu.memory_space<vmem>>
    tpu.wait_dma2 semaphore(%arg11 : memref<!tpu.dma_semaphore, #tpu.memory_space<semaphore_mem>>) src(%dma_wait3A_1304 : memref<208x128xf32, #tpu.memory_space<vmem>>) dst(%dma_wait3A_1300 : memref<208x128xf32, #tpu.memory_space<hbm>>)
    %dma_start3A_1305 = arith.constant 2 : i32
    %dma_start3A_1306 = arith.constant 0 : i32
    %dma_start3A_1307 = arith.constant 0 : i32
    %dma_start3A_1308 = tpu.memref_slice %arg5[%dma_start3A_1305, %dma_start3A_1306, %dma_start3A_1307] : memref<3x208x128xf32, #tpu.memory_space<vmem>> -> memref<1x208x128xf32, #tpu.memory_space<vmem>>
    %dma_start3A_1309 = tpu.memref_squeeze %dma_start3A_1308 : memref<1x208x128xf32, #tpu.memory_space<vmem>> -> memref<208x128xf32, #tpu.memory_space<vmem>>
    %dma_start3A_1310 = arith.constant 0 : i32
    %dma_start3A_1311 = tpu.memref_slice %arg3[%add3A_50, %dma_start3A_1310] : memref<100000x128xf32, #tpu.memory_space<hbm>> -> memref<208x128xf32, #tpu.memory_space<hbm>>
    %dma_start3A_1312 = arith.constant 0 : i32
    %dma_start3A_1313 = arith.constant 0 : i32
    %dma_start3A_1314 = tpu.memref_slice %arg5[%dma_start3A_1305, %dma_start3A_1312, %dma_start3A_1313] : memref<3x208x128xf32, #tpu.memory_space<vmem>> -> memref<1x208x128xf32, #tpu.memory_space<vmem>>
    %dma_start3A_1315 = tpu.memref_squeeze %dma_start3A_1314 : memref<1x208x128xf32, #tpu.memory_space<vmem>> -> memref<208x128xf32, #tpu.memory_space<vmem>>
    %dma_start3A_1316 = arith.constant 0 : i32
    %dma_start3A_1317 = tpu.memref_slice %arg3[%add3A_50, %dma_start3A_1316] : memref<100000x128xf32, #tpu.memory_space<hbm>> -> memref<208x128xf32, #tpu.memory_space<hbm>>
    tpu.enqueue_dma source(%dma_start3A_1317 : memref<208x128xf32, #tpu.memory_space<hbm>>) target(%dma_start3A_1315 : memref<208x128xf32, #tpu.memory_space<vmem>>) target_semaphore(%arg8 : memref<!tpu.dma_semaphore, #tpu.memory_space<semaphore_mem>>)
    %dma_wait3A_1318 = arith.constant 0 : i32
    %dma_wait3A_1319 = arith.constant 0 : i32
    %dma_wait3A_1320 = arith.constant 0 : i32
    %dma_wait3A_1321 = tpu.memref_slice %arg5[%dma_wait3A_1318, %dma_wait3A_1319, %dma_wait3A_1320] : memref<3x208x128xf32, #tpu.memory_space<vmem>> -> memref<1x208x128xf32, #tpu.memory_space<vmem>>
    %dma_wait3A_1322 = tpu.memref_squeeze %dma_wait3A_1321 : memref<1x208x128xf32, #tpu.memory_space<vmem>> -> memref<208x128xf32, #tpu.memory_space<vmem>>
    %dma_wait3A_1323 = arith.constant 0 : i32
    %dma_wait3A_1324 = tpu.memref_slice %arg3[%add3A_46, %dma_wait3A_1323] : memref<100000x128xf32, #tpu.memory_space<hbm>> -> memref<208x128xf32, #tpu.memory_space<hbm>>
    %dma_wait3A_1325 = arith.constant 0 : i32
    %dma_wait3A_1326 = arith.constant 0 : i32
    %dma_wait3A_1327 = tpu.memref_slice %arg5[%dma_wait3A_1318, %dma_wait3A_1325, %dma_wait3A_1326] : memref<3x208x128xf32, #tpu.memory_space<vmem>> -> memref<1x208x128xf32, #tpu.memory_space<vmem>>
    %dma_wait3A_1328 = tpu.memref_squeeze %dma_wait3A_1327 : memref<1x208x128xf32, #tpu.memory_space<vmem>> -> memref<208x128xf32, #tpu.memory_space<vmem>>
    %dma_wait3A_1329 = arith.constant 0 : i32
    %dma_wait3A_1330 = tpu.memref_slice %arg3[%add3A_46, %dma_wait3A_1329] : memref<100000x128xf32, #tpu.memory_space<hbm>> -> memref<208x128xf32, #tpu.memory_space<hbm>>
    tpu.wait_dma2 semaphore(%arg6 : memref<!tpu.dma_semaphore, #tpu.memory_space<semaphore_mem>>) src(%dma_wait3A_1330 : memref<208x128xf32, #tpu.memory_space<hbm>>) dst(%dma_wait3A_1328 : memref<208x128xf32, #tpu.memory_space<vmem>>)
    %dma_start3A_1331 = arith.constant 0 : i32
    %dma_start3A_1332 = arith.constant 1 : i32
    %dma_start3A_1333 = arith.constant 0 : i32
    %dma_start3A_1334 = arith.constant 0 : i32
    %dma_start3A_1335 = tpu.memref_slice %arg5[%dma_start3A_1331, %dma_start3A_1333, %dma_start3A_1334] : memref<3x208x128xf32, #tpu.memory_space<vmem>> -> memref<1x208x128xf32, #tpu.memory_space<vmem>>
    %dma_start3A_1336 = tpu.memref_squeeze %dma_start3A_1335 : memref<1x208x128xf32, #tpu.memory_space<vmem>> -> memref<208x128xf32, #tpu.memory_space<vmem>>
    %dma_start3A_1337 = arith.constant 0 : i32
    %dma_start3A_1338 = tpu.memref_slice %arg4[%dma_start3A_1332, %add3A_46, %dma_start3A_1337] : memref<2x100000x128xf32, #tpu.memory_space<hbm>> -> memref<1x208x128xf32, #tpu.memory_space<hbm>>
    %dma_start3A_1339 = tpu.memref_squeeze %dma_start3A_1338 : memref<1x208x128xf32, #tpu.memory_space<hbm>> -> memref<208x128xf32, #tpu.memory_space<hbm>>
    %dma_start3A_1340 = arith.constant 0 : i32
    %dma_start3A_1341 = tpu.memref_slice %arg4[%dma_start3A_1332, %add3A_46, %dma_start3A_1340] : memref<2x100000x128xf32, #tpu.memory_space<hbm>> -> memref<1x208x128xf32, #tpu.memory_space<hbm>>
    %dma_start3A_1342 = tpu.memref_squeeze %dma_start3A_1341 : memref<1x208x128xf32, #tpu.memory_space<hbm>> -> memref<208x128xf32, #tpu.memory_space<hbm>>
    %dma_start3A_1343 = arith.constant 0 : i32
    %dma_start3A_1344 = arith.constant 0 : i32
    %dma_start3A_1345 = tpu.memref_slice %arg5[%dma_start3A_1331, %dma_start3A_1343, %dma_start3A_1344] : memref<3x208x128xf32, #tpu.memory_space<vmem>> -> memref<1x208x128xf32, #tpu.memory_space<vmem>>
    %dma_start3A_1346 = tpu.memref_squeeze %dma_start3A_1345 : memref<1x208x128xf32, #tpu.memory_space<vmem>> -> memref<208x128xf32, #tpu.memory_space<vmem>>
    tpu.enqueue_dma source(%dma_start3A_1346 : memref<208x128xf32, #tpu.memory_space<vmem>>) target(%dma_start3A_1342 : memref<208x128xf32, #tpu.memory_space<hbm>>) target_semaphore(%arg9 : memref<!tpu.dma_semaphore, #tpu.memory_space<semaphore_mem>>)
    %dma_wait3A_1347 = arith.constant 0 : i32
    %dma_wait3A_1348 = arith.constant 1 : i32
    %dma_wait3A_1349 = arith.constant 0 : i32
    %dma_wait3A_1350 = arith.constant 0 : i32
    %dma_wait3A_1351 = tpu.memref_slice %arg5[%dma_wait3A_1347, %dma_wait3A_1349, %dma_wait3A_1350] : memref<3x208x128xf32, #tpu.memory_space<vmem>> -> memref<1x208x128xf32, #tpu.memory_space<vmem>>
    %dma_wait3A_1352 = tpu.memref_squeeze %dma_wait3A_1351 : memref<1x208x128xf32, #tpu.memory_space<vmem>> -> memref<208x128xf32, #tpu.memory_space<vmem>>
    %dma_wait3A_1353 = arith.constant 0 : i32
    %dma_wait3A_1354 = tpu.memref_slice %arg4[%dma_wait3A_1348, %add3A_46, %dma_wait3A_1353] : memref<2x100000x128xf32, #tpu.memory_space<hbm>> -> memref<1x208x128xf32, #tpu.memory_space<hbm>>
    %dma_wait3A_1355 = tpu.memref_squeeze %dma_wait3A_1354 : memref<1x208x128xf32, #tpu.memory_space<hbm>> -> memref<208x128xf32, #tpu.memory_space<hbm>>
    %dma_wait3A_1356 = arith.constant 0 : i32
    %dma_wait3A_1357 = tpu.memref_slice %arg4[%dma_wait3A_1348, %add3A_46, %dma_wait3A_1356] : memref<2x100000x128xf32, #tpu.memory_space<hbm>> -> memref<1x208x128xf32, #tpu.memory_space<hbm>>
    %dma_wait3A_1358 = tpu.memref_squeeze %dma_wait3A_1357 : memref<1x208x128xf32, #tpu.memory_space<hbm>> -> memref<208x128xf32, #tpu.memory_space<hbm>>
    %dma_wait3A_1359 = arith.constant 0 : i32
    %dma_wait3A_1360 = arith.constant 0 : i32
    %dma_wait3A_1361 = tpu.memref_slice %arg5[%dma_wait3A_1347, %dma_wait3A_1359, %dma_wait3A_1360] : memref<3x208x128xf32, #tpu.memory_space<vmem>> -> memref<1x208x128xf32, #tpu.memory_space<vmem>>
    %dma_wait3A_1362 = tpu.memref_squeeze %dma_wait3A_1361 : memref<1x208x128xf32, #tpu.memory_space<vmem>> -> memref<208x128xf32, #tpu.memory_space<vmem>>
    tpu.wait_dma2 semaphore(%arg9 : memref<!tpu.dma_semaphore, #tpu.memory_space<semaphore_mem>>) src(%dma_wait3A_1362 : memref<208x128xf32, #tpu.memory_space<vmem>>) dst(%dma_wait3A_1358 : memref<208x128xf32, #tpu.memory_space<hbm>>)
    %dma_start3A_1363 = arith.constant 0 : i32
    %dma_start3A_1364 = arith.constant 0 : i32
    %dma_start3A_1365 = arith.constant 0 : i32
    %dma_start3A_1366 = tpu.memref_slice %arg5[%dma_start3A_1363, %dma_start3A_1364, %dma_start3A_1365] : memref<3x208x128xf32, #tpu.memory_space<vmem>> -> memref<1x208x128xf32, #tpu.memory_space<vmem>>
    %dma_start3A_1367 = tpu.memref_squeeze %dma_start3A_1366 : memref<1x208x128xf32, #tpu.memory_space<vmem>> -> memref<208x128xf32, #tpu.memory_space<vmem>>
    %dma_start3A_1368 = arith.constant 0 : i32
    %dma_start3A_1369 = tpu.memref_slice %arg3[%add3A_52, %dma_start3A_1368] : memref<100000x128xf32, #tpu.memory_space<hbm>> -> memref<208x128xf32, #tpu.memory_space<hbm>>
    %dma_start3A_1370 = arith.constant 0 : i32
    %dma_start3A_1371 = arith.constant 0 : i32
    %dma_start3A_1372 = tpu.memref_slice %arg5[%dma_start3A_1363, %dma_start3A_1370, %dma_start3A_1371] : memref<3x208x128xf32, #tpu.memory_space<vmem>> -> memref<1x208x128xf32, #tpu.memory_space<vmem>>
    %dma_start3A_1373 = tpu.memref_squeeze %dma_start3A_1372 : memref<1x208x128xf32, #tpu.memory_space<vmem>> -> memref<208x128xf32, #tpu.memory_space<vmem>>
    %dma_start3A_1374 = arith.constant 0 : i32
    %dma_start3A_1375 = tpu.memref_slice %arg3[%add3A_52, %dma_start3A_1374] : memref<100000x128xf32, #tpu.memory_space<hbm>> -> memref<208x128xf32, #tpu.memory_space<hbm>>
    tpu.enqueue_dma source(%dma_start3A_1375 : memref<208x128xf32, #tpu.memory_space<hbm>>) target(%dma_start3A_1373 : memref<208x128xf32, #tpu.memory_space<vmem>>) target_semaphore(%arg6 : memref<!tpu.dma_semaphore, #tpu.memory_space<semaphore_mem>>)
    %dma_wait3A_1376 = arith.constant 1 : i32
    %dma_wait3A_1377 = arith.constant 0 : i32
    %dma_wait3A_1378 = arith.constant 0 : i32
    %dma_wait3A_1379 = tpu.memref_slice %arg5[%dma_wait3A_1376, %dma_wait3A_1377, %dma_wait3A_1378] : memref<3x208x128xf32, #tpu.memory_space<vmem>> -> memref<1x208x128xf32, #tpu.memory_space<vmem>>
    %dma_wait3A_1380 = tpu.memref_squeeze %dma_wait3A_1379 : memref<1x208x128xf32, #tpu.memory_space<vmem>> -> memref<208x128xf32, #tpu.memory_space<vmem>>
    %dma_wait3A_1381 = arith.constant 0 : i32
    %dma_wait3A_1382 = tpu.memref_slice %arg3[%add3A_48, %dma_wait3A_1381] : memref<100000x128xf32, #tpu.memory_space<hbm>> -> memref<208x128xf32, #tpu.memory_space<hbm>>
    %dma_wait3A_1383 = arith.constant 0 : i32
    %dma_wait3A_1384 = arith.constant 0 : i32
    %dma_wait3A_1385 = tpu.memref_slice %arg5[%dma_wait3A_1376, %dma_wait3A_1383, %dma_wait3A_1384] : memref<3x208x128xf32, #tpu.memory_space<vmem>> -> memref<1x208x128xf32, #tpu.memory_space<vmem>>
    %dma_wait3A_1386 = tpu.memref_squeeze %dma_wait3A_1385 : memref<1x208x128xf32, #tpu.memory_space<vmem>> -> memref<208x128xf32, #tpu.memory_space<vmem>>
    %dma_wait3A_1387 = arith.constant 0 : i32
    %dma_wait3A_1388 = tpu.memref_slice %arg3[%add3A_48, %dma_wait3A_1387] : memref<100000x128xf32, #tpu.memory_space<hbm>> -> memref<208x128xf32, #tpu.memory_space<hbm>>
    tpu.wait_dma2 semaphore(%arg7 : memref<!tpu.dma_semaphore, #tpu.memory_space<semaphore_mem>>) src(%dma_wait3A_1388 : memref<208x128xf32, #tpu.memory_space<hbm>>) dst(%dma_wait3A_1386 : memref<208x128xf32, #tpu.memory_space<vmem>>)
    %dma_start3A_1389 = arith.constant 1 : i32
    %dma_start3A_1390 = arith.constant 1 : i32
    %dma_start3A_1391 = arith.constant 0 : i32
    %dma_start3A_1392 = arith.constant 0 : i32
    %dma_start3A_1393 = tpu.memref_slice %arg5[%dma_start3A_1389, %dma_start3A_1391, %dma_start3A_1392] : memref<3x208x128xf32, #tpu.memory_space<vmem>> -> memref<1x208x128xf32, #tpu.memory_space<vmem>>
    %dma_start3A_1394 = tpu.memref_squeeze %dma_start3A_1393 : memref<1x208x128xf32, #tpu.memory_space<vmem>> -> memref<208x128xf32, #tpu.memory_space<vmem>>
    %dma_start3A_1395 = arith.constant 0 : i32
    %dma_start3A_1396 = tpu.memref_slice %arg4[%dma_start3A_1390, %add3A_48, %dma_start3A_1395] : memref<2x100000x128xf32, #tpu.memory_space<hbm>> -> memref<1x208x128xf32, #tpu.memory_space<hbm>>
    %dma_start3A_1397 = tpu.memref_squeeze %dma_start3A_1396 : memref<1x208x128xf32, #tpu.memory_space<hbm>> -> memref<208x128xf32, #tpu.memory_space<hbm>>
    %dma_start3A_1398 = arith.constant 0 : i32
    %dma_start3A_1399 = tpu.memref_slice %arg4[%dma_start3A_1390, %add3A_48, %dma_start3A_1398] : memref<2x100000x128xf32, #tpu.memory_space<hbm>> -> memref<1x208x128xf32, #tpu.memory_space<hbm>>
    %dma_start3A_1400 = tpu.memref_squeeze %dma_start3A_1399 : memref<1x208x128xf32, #tpu.memory_space<hbm>> -> memref<208x128xf32, #tpu.memory_space<hbm>>
    %dma_start3A_1401 = arith.constant 0 : i32
    %dma_start3A_1402 = arith.constant 0 : i32
    %dma_start3A_1403 = tpu.memref_slice %arg5[%dma_start3A_1389, %dma_start3A_1401, %dma_start3A_1402] : memref<3x208x128xf32, #tpu.memory_space<vmem>> -> memref<1x208x128xf32, #tpu.memory_space<vmem>>
    %dma_start3A_1404 = tpu.memref_squeeze %dma_start3A_1403 : memref<1x208x128xf32, #tpu.memory_space<vmem>> -> memref<208x128xf32, #tpu.memory_space<vmem>>
    tpu.enqueue_dma source(%dma_start3A_1404 : memref<208x128xf32, #tpu.memory_space<vmem>>) target(%dma_start3A_1400 : memref<208x128xf32, #tpu.memory_space<hbm>>) target_semaphore(%arg10 : memref<!tpu.dma_semaphore, #tpu.memory_space<semaphore_mem>>)
    %dma_wait3A_1405 = arith.constant 1 : i32
    %dma_wait3A_1406 = arith.constant 1 : i32
    %dma_wait3A_1407 = arith.constant 0 : i32
    %dma_wait3A_1408 = arith.constant 0 : i32
    %dma_wait3A_1409 = tpu.memref_slice %arg5[%dma_wait3A_1405, %dma_wait3A_1407, %dma_wait3A_1408] : memref<3x208x128xf32, #tpu.memory_space<vmem>> -> memref<1x208x128xf32, #tpu.memory_space<vmem>>
    %dma_wait3A_1410 = tpu.memref_squeeze %dma_wait3A_1409 : memref<1x208x128xf32, #tpu.memory_space<vmem>> -> memref<208x128xf32, #tpu.memory_space<vmem>>
    %dma_wait3A_1411 = arith.constant 0 : i32
    %dma_wait3A_1412 = tpu.memref_slice %arg4[%dma_wait3A_1406, %add3A_48, %dma_wait3A_1411] : memref<2x100000x128xf32, #tpu.memory_space<hbm>> -> memref<1x208x128xf32, #tpu.memory_space<hbm>>
    %dma_wait3A_1413 = tpu.memref_squeeze %dma_wait3A_1412 : memref<1x208x128xf32, #tpu.memory_space<hbm>> -> memref<208x128xf32, #tpu.memory_space<hbm>>
    %dma_wait3A_1414 = arith.constant 0 : i32
    %dma_wait3A_1415 = tpu.memref_slice %arg4[%dma_wait3A_1406, %add3A_48, %dma_wait3A_1414] : memref<2x100000x128xf32, #tpu.memory_space<hbm>> -> memref<1x208x128xf32, #tpu.memory_space<hbm>>
    %dma_wait3A_1416 = tpu.memref_squeeze %dma_wait3A_1415 : memref<1x208x128xf32, #tpu.memory_space<hbm>> -> memref<208x128xf32, #tpu.memory_space<hbm>>
    %dma_wait3A_1417 = arith.constant 0 : i32
    %dma_wait3A_1418 = arith.constant 0 : i32
    %dma_wait3A_1419 = tpu.memref_slice %arg5[%dma_wait3A_1405, %dma_wait3A_1417, %dma_wait3A_1418] : memref<3x208x128xf32, #tpu.memory_space<vmem>> -> memref<1x208x128xf32, #tpu.memory_space<vmem>>
    %dma_wait3A_1420 = tpu.memref_squeeze %dma_wait3A_1419 : memref<1x208x128xf32, #tpu.memory_space<vmem>> -> memref<208x128xf32, #tpu.memory_space<vmem>>
    tpu.wait_dma2 semaphore(%arg10 : memref<!tpu.dma_semaphore, #tpu.memory_space<semaphore_mem>>) src(%dma_wait3A_1420 : memref<208x128xf32, #tpu.memory_space<vmem>>) dst(%dma_wait3A_1416 : memref<208x128xf32, #tpu.memory_space<hbm>>)
    %dma_start3A_1421 = arith.constant 1 : i32
    %dma_start3A_1422 = arith.constant 0 : i32
    %dma_start3A_1423 = arith.constant 0 : i32
    %dma_start3A_1424 = tpu.memref_slice %arg5[%dma_start3A_1421, %dma_start3A_1422, %dma_start3A_1423] : memref<3x208x128xf32, #tpu.memory_space<vmem>> -> memref<1x208x128xf32, #tpu.memory_space<vmem>>
    %dma_start3A_1425 = tpu.memref_squeeze %dma_start3A_1424 : memref<1x208x128xf32, #tpu.memory_space<vmem>> -> memref<208x128xf32, #tpu.memory_space<vmem>>
    %dma_start3A_1426 = arith.constant 0 : i32
    %dma_start3A_1427 = tpu.memref_slice %arg3[%add3A_54, %dma_start3A_1426] : memref<100000x128xf32, #tpu.memory_space<hbm>> -> memref<208x128xf32, #tpu.memory_space<hbm>>
    %dma_start3A_1428 = arith.constant 0 : i32
    %dma_start3A_1429 = arith.constant 0 : i32
    %dma_start3A_1430 = tpu.memref_slice %arg5[%dma_start3A_1421, %dma_start3A_1428, %dma_start3A_1429] : memref<3x208x128xf32, #tpu.memory_space<vmem>> -> memref<1x208x128xf32, #tpu.memory_space<vmem>>
    %dma_start3A_1431 = tpu.memref_squeeze %dma_start3A_1430 : memref<1x208x128xf32, #tpu.memory_space<vmem>> -> memref<208x128xf32, #tpu.memory_space<vmem>>
    %dma_start3A_1432 = arith.constant 0 : i32
    %dma_start3A_1433 = tpu.memref_slice %arg3[%add3A_54, %dma_start3A_1432] : memref<100000x128xf32, #tpu.memory_space<hbm>> -> memref<208x128xf32, #tpu.memory_space<hbm>>
    tpu.enqueue_dma source(%dma_start3A_1433 : memref<208x128xf32, #tpu.memory_space<hbm>>) target(%dma_start3A_1431 : memref<208x128xf32, #tpu.memory_space<vmem>>) target_semaphore(%arg7 : memref<!tpu.dma_semaphore, #tpu.memory_space<semaphore_mem>>)
    %dma_wait3A_1434 = arith.constant 2 : i32
    %dma_wait3A_1435 = arith.constant 0 : i32
    %dma_wait3A_1436 = arith.constant 0 : i32
    %dma_wait3A_1437 = tpu.memref_slice %arg5[%dma_wait3A_1434, %dma_wait3A_1435, %dma_wait3A_1436] : memref<3x208x128xf32, #tpu.memory_space<vmem>> -> memref<1x208x128xf32, #tpu.memory_space<vmem>>
    %dma_wait3A_1438 = tpu.memref_squeeze %dma_wait3A_1437 : memref<1x208x128xf32, #tpu.memory_space<vmem>> -> memref<208x128xf32, #tpu.memory_space<vmem>>
    %dma_wait3A_1439 = arith.constant 0 : i32
    %dma_wait3A_1440 = tpu.memref_slice %arg3[%add3A_50, %dma_wait3A_1439] : memref<100000x128xf32, #tpu.memory_space<hbm>> -> memref<208x128xf32, #tpu.memory_space<hbm>>
    %dma_wait3A_1441 = arith.constant 0 : i32
    %dma_wait3A_1442 = arith.constant 0 : i32
    %dma_wait3A_1443 = tpu.memref_slice %arg5[%dma_wait3A_1434, %dma_wait3A_1441, %dma_wait3A_1442] : memref<3x208x128xf32, #tpu.memory_space<vmem>> -> memref<1x208x128xf32, #tpu.memory_space<vmem>>
    %dma_wait3A_1444 = tpu.memref_squeeze %dma_wait3A_1443 : memref<1x208x128xf32, #tpu.memory_space<vmem>> -> memref<208x128xf32, #tpu.memory_space<vmem>>
    %dma_wait3A_1445 = arith.constant 0 : i32
    %dma_wait3A_1446 = tpu.memref_slice %arg3[%add3A_50, %dma_wait3A_1445] : memref<100000x128xf32, #tpu.memory_space<hbm>> -> memref<208x128xf32, #tpu.memory_space<hbm>>
    tpu.wait_dma2 semaphore(%arg8 : memref<!tpu.dma_semaphore, #tpu.memory_space<semaphore_mem>>) src(%dma_wait3A_1446 : memref<208x128xf32, #tpu.memory_space<hbm>>) dst(%dma_wait3A_1444 : memref<208x128xf32, #tpu.memory_space<vmem>>)
    %dma_start3A_1447 = arith.constant 2 : i32
    %dma_start3A_1448 = arith.constant 1 : i32
    %dma_start3A_1449 = arith.constant 0 : i32
    %dma_start3A_1450 = arith.constant 0 : i32
    %dma_start3A_1451 = tpu.memref_slice %arg5[%dma_start3A_1447, %dma_start3A_1449, %dma_start3A_1450] : memref<3x208x128xf32, #tpu.memory_space<vmem>> -> memref<1x208x128xf32, #tpu.memory_space<vmem>>
    %dma_start3A_1452 = tpu.memref_squeeze %dma_start3A_1451 : memref<1x208x128xf32, #tpu.memory_space<vmem>> -> memref<208x128xf32, #tpu.memory_space<vmem>>
    %dma_start3A_1453 = arith.constant 0 : i32
    %dma_start3A_1454 = tpu.memref_slice %arg4[%dma_start3A_1448, %add3A_50, %dma_start3A_1453] : memref<2x100000x128xf32, #tpu.memory_space<hbm>> -> memref<1x208x128xf32, #tpu.memory_space<hbm>>
    %dma_start3A_1455 = tpu.memref_squeeze %dma_start3A_1454 : memref<1x208x128xf32, #tpu.memory_space<hbm>> -> memref<208x128xf32, #tpu.memory_space<hbm>>
    %dma_start3A_1456 = arith.constant 0 : i32
    %dma_start3A_1457 = tpu.memref_slice %arg4[%dma_start3A_1448, %add3A_50, %dma_start3A_1456] : memref<2x100000x128xf32, #tpu.memory_space<hbm>> -> memref<1x208x128xf32, #tpu.memory_space<hbm>>
    %dma_start3A_1458 = tpu.memref_squeeze %dma_start3A_1457 : memref<1x208x128xf32, #tpu.memory_space<hbm>> -> memref<208x128xf32, #tpu.memory_space<hbm>>
    %dma_start3A_1459 = arith.constant 0 : i32
    %dma_start3A_1460 = arith.constant 0 : i32
    %dma_start3A_1461 = tpu.memref_slice %arg5[%dma_start3A_1447, %dma_start3A_1459, %dma_start3A_1460] : memref<3x208x128xf32, #tpu.memory_space<vmem>> -> memref<1x208x128xf32, #tpu.memory_space<vmem>>
    %dma_start3A_1462 = tpu.memref_squeeze %dma_start3A_1461 : memref<1x208x128xf32, #tpu.memory_space<vmem>> -> memref<208x128xf32, #tpu.memory_space<vmem>>
    tpu.enqueue_dma source(%dma_start3A_1462 : memref<208x128xf32, #tpu.memory_space<vmem>>) target(%dma_start3A_1458 : memref<208x128xf32, #tpu.memory_space<hbm>>) target_semaphore(%arg11 : memref<!tpu.dma_semaphore, #tpu.memory_space<semaphore_mem>>)
    %dma_wait3A_1463 = arith.constant 2 : i32
    %dma_wait3A_1464 = arith.constant 1 : i32
    %dma_wait3A_1465 = arith.constant 0 : i32
    %dma_wait3A_1466 = arith.constant 0 : i32
    %dma_wait3A_1467 = tpu.memref_slice %arg5[%dma_wait3A_1463, %dma_wait3A_1465, %dma_wait3A_1466] : memref<3x208x128xf32, #tpu.memory_space<vmem>> -> memref<1x208x128xf32, #tpu.memory_space<vmem>>
    %dma_wait3A_1468 = tpu.memref_squeeze %dma_wait3A_1467 : memref<1x208x128xf32, #tpu.memory_space<vmem>> -> memref<208x128xf32, #tpu.memory_space<vmem>>
    %dma_wait3A_1469 = arith.constant 0 : i32
    %dma_wait3A_1470 = tpu.memref_slice %arg4[%dma_wait3A_1464, %add3A_50, %dma_wait3A_1469] : memref<2x100000x128xf32, #tpu.memory_space<hbm>> -> memref<1x208x128xf32, #tpu.memory_space<hbm>>
    %dma_wait3A_1471 = tpu.memref_squeeze %dma_wait3A_1470 : memref<1x208x128xf32, #tpu.memory_space<hbm>> -> memref<208x128xf32, #tpu.memory_space<hbm>>
    %dma_wait3A_1472 = arith.constant 0 : i32
    %dma_wait3A_1473 = tpu.memref_slice %arg4[%dma_wait3A_1464, %add3A_50, %dma_wait3A_1472] : memref<2x100000x128xf32, #tpu.memory_space<hbm>> -> memref<1x208x128xf32, #tpu.memory_space<hbm>>
    %dma_wait3A_1474 = tpu.memref_squeeze %dma_wait3A_1473 : memref<1x208x128xf32, #tpu.memory_space<hbm>> -> memref<208x128xf32, #tpu.memory_space<hbm>>
    %dma_wait3A_1475 = arith.constant 0 : i32
    %dma_wait3A_1476 = arith.constant 0 : i32
    %dma_wait3A_1477 = tpu.memref_slice %arg5[%dma_wait3A_1463, %dma_wait3A_1475, %dma_wait3A_1476] : memref<3x208x128xf32, #tpu.memory_space<vmem>> -> memref<1x208x128xf32, #tpu.memory_space<vmem>>
    %dma_wait3A_1478 = tpu.memref_squeeze %dma_wait3A_1477 : memref<1x208x128xf32, #tpu.memory_space<vmem>> -> memref<208x128xf32, #tpu.memory_space<vmem>>
    tpu.wait_dma2 semaphore(%arg11 : memref<!tpu.dma_semaphore, #tpu.memory_space<semaphore_mem>>) src(%dma_wait3A_1478 : memref<208x128xf32, #tpu.memory_space<vmem>>) dst(%dma_wait3A_1474 : memref<208x128xf32, #tpu.memory_space<hbm>>)
    %dma_start3A_1479 = arith.constant 2 : i32
    %dma_start3A_1480 = arith.constant 0 : i32
    %dma_start3A_1481 = arith.constant 0 : i32
    %dma_start3A_1482 = tpu.memref_slice %arg5[%dma_start3A_1479, %dma_start3A_1480, %dma_start3A_1481] : memref<3x208x128xf32, #tpu.memory_space<vmem>> -> memref<1x208x128xf32, #tpu.memory_space<vmem>>
    %dma_start3A_1483 = tpu.memref_squeeze %dma_start3A_1482 : memref<1x208x128xf32, #tpu.memory_space<vmem>> -> memref<208x128xf32, #tpu.memory_space<vmem>>
    %dma_start3A_1484 = arith.constant 0 : i32
    %dma_start3A_1485 = tpu.memref_slice %arg3[%add3A_56, %dma_start3A_1484] : memref<100000x128xf32, #tpu.memory_space<hbm>> -> memref<208x128xf32, #tpu.memory_space<hbm>>
    %dma_start3A_1486 = arith.constant 0 : i32
    %dma_start3A_1487 = arith.constant 0 : i32
    %dma_start3A_1488 = tpu.memref_slice %arg5[%dma_start3A_1479, %dma_start3A_1486, %dma_start3A_1487] : memref<3x208x128xf32, #tpu.memory_space<vmem>> -> memref<1x208x128xf32, #tpu.memory_space<vmem>>
    %dma_start3A_1489 = tpu.memref_squeeze %dma_start3A_1488 : memref<1x208x128xf32, #tpu.memory_space<vmem>> -> memref<208x128xf32, #tpu.memory_space<vmem>>
    %dma_start3A_1490 = arith.constant 0 : i32
    %dma_start3A_1491 = tpu.memref_slice %arg3[%add3A_56, %dma_start3A_1490] : memref<100000x128xf32, #tpu.memory_space<hbm>> -> memref<208x128xf32, #tpu.memory_space<hbm>>
    tpu.enqueue_dma source(%dma_start3A_1491 : memref<208x128xf32, #tpu.memory_space<hbm>>) target(%dma_start3A_1489 : memref<208x128xf32, #tpu.memory_space<vmem>>) target_semaphore(%arg8 : memref<!tpu.dma_semaphore, #tpu.memory_space<semaphore_mem>>)
    %dma_wait3A_1492 = arith.constant 0 : i32
    %dma_wait3A_1493 = arith.constant 0 : i32
    %dma_wait3A_1494 = arith.constant 0 : i32
    %dma_wait3A_1495 = tpu.memref_slice %arg5[%dma_wait3A_1492, %dma_wait3A_1493, %dma_wait3A_1494] : memref<3x208x128xf32, #tpu.memory_space<vmem>> -> memref<1x208x128xf32, #tpu.memory_space<vmem>>
    %dma_wait3A_1496 = tpu.memref_squeeze %dma_wait3A_1495 : memref<1x208x128xf32, #tpu.memory_space<vmem>> -> memref<208x128xf32, #tpu.memory_space<vmem>>
    %dma_wait3A_1497 = arith.constant 0 : i32
    %dma_wait3A_1498 = tpu.memref_slice %arg3[%add3A_52, %dma_wait3A_1497] : memref<100000x128xf32, #tpu.memory_space<hbm>> -> memref<208x128xf32, #tpu.memory_space<hbm>>
    %dma_wait3A_1499 = arith.constant 0 : i32
    %dma_wait3A_1500 = arith.constant 0 : i32
    %dma_wait3A_1501 = tpu.memref_slice %arg5[%dma_wait3A_1492, %dma_wait3A_1499, %dma_wait3A_1500] : memref<3x208x128xf32, #tpu.memory_space<vmem>> -> memref<1x208x128xf32, #tpu.memory_space<vmem>>
    %dma_wait3A_1502 = tpu.memref_squeeze %dma_wait3A_1501 : memref<1x208x128xf32, #tpu.memory_space<vmem>> -> memref<208x128xf32, #tpu.memory_space<vmem>>
    %dma_wait3A_1503 = arith.constant 0 : i32
    %dma_wait3A_1504 = tpu.memref_slice %arg3[%add3A_52, %dma_wait3A_1503] : memref<100000x128xf32, #tpu.memory_space<hbm>> -> memref<208x128xf32, #tpu.memory_space<hbm>>
    tpu.wait_dma2 semaphore(%arg6 : memref<!tpu.dma_semaphore, #tpu.memory_space<semaphore_mem>>) src(%dma_wait3A_1504 : memref<208x128xf32, #tpu.memory_space<hbm>>) dst(%dma_wait3A_1502 : memref<208x128xf32, #tpu.memory_space<vmem>>)
    %dma_start3A_1505 = arith.constant 0 : i32
    %dma_start3A_1506 = arith.constant 1 : i32
    %dma_start3A_1507 = arith.constant 0 : i32
    %dma_start3A_1508 = arith.constant 0 : i32
    %dma_start3A_1509 = tpu.memref_slice %arg5[%dma_start3A_1505, %dma_start3A_1507, %dma_start3A_1508] : memref<3x208x128xf32, #tpu.memory_space<vmem>> -> memref<1x208x128xf32, #tpu.memory_space<vmem>>
    %dma_start3A_1510 = tpu.memref_squeeze %dma_start3A_1509 : memref<1x208x128xf32, #tpu.memory_space<vmem>> -> memref<208x128xf32, #tpu.memory_space<vmem>>
    %dma_start3A_1511 = arith.constant 0 : i32
    %dma_start3A_1512 = tpu.memref_slice %arg4[%dma_start3A_1506, %add3A_52, %dma_start3A_1511] : memref<2x100000x128xf32, #tpu.memory_space<hbm>> -> memref<1x208x128xf32, #tpu.memory_space<hbm>>
    %dma_start3A_1513 = tpu.memref_squeeze %dma_start3A_1512 : memref<1x208x128xf32, #tpu.memory_space<hbm>> -> memref<208x128xf32, #tpu.memory_space<hbm>>
    %dma_start3A_1514 = arith.constant 0 : i32
    %dma_start3A_1515 = tpu.memref_slice %arg4[%dma_start3A_1506, %add3A_52, %dma_start3A_1514] : memref<2x100000x128xf32, #tpu.memory_space<hbm>> -> memref<1x208x128xf32, #tpu.memory_space<hbm>>
    %dma_start3A_1516 = tpu.memref_squeeze %dma_start3A_1515 : memref<1x208x128xf32, #tpu.memory_space<hbm>> -> memref<208x128xf32, #tpu.memory_space<hbm>>
    %dma_start3A_1517 = arith.constant 0 : i32
    %dma_start3A_1518 = arith.constant 0 : i32
    %dma_start3A_1519 = tpu.memref_slice %arg5[%dma_start3A_1505, %dma_start3A_1517, %dma_start3A_1518] : memref<3x208x128xf32, #tpu.memory_space<vmem>> -> memref<1x208x128xf32, #tpu.memory_space<vmem>>
    %dma_start3A_1520 = tpu.memref_squeeze %dma_start3A_1519 : memref<1x208x128xf32, #tpu.memory_space<vmem>> -> memref<208x128xf32, #tpu.memory_space<vmem>>
    tpu.enqueue_dma source(%dma_start3A_1520 : memref<208x128xf32, #tpu.memory_space<vmem>>) target(%dma_start3A_1516 : memref<208x128xf32, #tpu.memory_space<hbm>>) target_semaphore(%arg9 : memref<!tpu.dma_semaphore, #tpu.memory_space<semaphore_mem>>)
    %dma_wait3A_1521 = arith.constant 0 : i32
    %dma_wait3A_1522 = arith.constant 1 : i32
    %dma_wait3A_1523 = arith.constant 0 : i32
    %dma_wait3A_1524 = arith.constant 0 : i32
    %dma_wait3A_1525 = tpu.memref_slice %arg5[%dma_wait3A_1521, %dma_wait3A_1523, %dma_wait3A_1524] : memref<3x208x128xf32, #tpu.memory_space<vmem>> -> memref<1x208x128xf32, #tpu.memory_space<vmem>>
    %dma_wait3A_1526 = tpu.memref_squeeze %dma_wait3A_1525 : memref<1x208x128xf32, #tpu.memory_space<vmem>> -> memref<208x128xf32, #tpu.memory_space<vmem>>
    %dma_wait3A_1527 = arith.constant 0 : i32
    %dma_wait3A_1528 = tpu.memref_slice %arg4[%dma_wait3A_1522, %add3A_52, %dma_wait3A_1527] : memref<2x100000x128xf32, #tpu.memory_space<hbm>> -> memref<1x208x128xf32, #tpu.memory_space<hbm>>
    %dma_wait3A_1529 = tpu.memref_squeeze %dma_wait3A_1528 : memref<1x208x128xf32, #tpu.memory_space<hbm>> -> memref<208x128xf32, #tpu.memory_space<hbm>>
    %dma_wait3A_1530 = arith.constant 0 : i32
    %dma_wait3A_1531 = tpu.memref_slice %arg4[%dma_wait3A_1522, %add3A_52, %dma_wait3A_1530] : memref<2x100000x128xf32, #tpu.memory_space<hbm>> -> memref<1x208x128xf32, #tpu.memory_space<hbm>>
    %dma_wait3A_1532 = tpu.memref_squeeze %dma_wait3A_1531 : memref<1x208x128xf32, #tpu.memory_space<hbm>> -> memref<208x128xf32, #tpu.memory_space<hbm>>
    %dma_wait3A_1533 = arith.constant 0 : i32
    %dma_wait3A_1534 = arith.constant 0 : i32
    %dma_wait3A_1535 = tpu.memref_slice %arg5[%dma_wait3A_1521, %dma_wait3A_1533, %dma_wait3A_1534] : memref<3x208x128xf32, #tpu.memory_space<vmem>> -> memref<1x208x128xf32, #tpu.memory_space<vmem>>
    %dma_wait3A_1536 = tpu.memref_squeeze %dma_wait3A_1535 : memref<1x208x128xf32, #tpu.memory_space<vmem>> -> memref<208x128xf32, #tpu.memory_space<vmem>>
    tpu.wait_dma2 semaphore(%arg9 : memref<!tpu.dma_semaphore, #tpu.memory_space<semaphore_mem>>) src(%dma_wait3A_1536 : memref<208x128xf32, #tpu.memory_space<vmem>>) dst(%dma_wait3A_1532 : memref<208x128xf32, #tpu.memory_space<hbm>>)
    %dma_start3A_1537 = arith.constant 0 : i32
    %dma_start3A_1538 = arith.constant 0 : i32
    %dma_start3A_1539 = arith.constant 0 : i32
    %dma_start3A_1540 = tpu.memref_slice %arg5[%dma_start3A_1537, %dma_start3A_1538, %dma_start3A_1539] : memref<3x208x128xf32, #tpu.memory_space<vmem>> -> memref<1x208x128xf32, #tpu.memory_space<vmem>>
    %dma_start3A_1541 = tpu.memref_squeeze %dma_start3A_1540 : memref<1x208x128xf32, #tpu.memory_space<vmem>> -> memref<208x128xf32, #tpu.memory_space<vmem>>
    %dma_start3A_1542 = arith.constant 0 : i32
    %dma_start3A_1543 = tpu.memref_slice %arg3[%add3A_58, %dma_start3A_1542] : memref<100000x128xf32, #tpu.memory_space<hbm>> -> memref<208x128xf32, #tpu.memory_space<hbm>>
    %dma_start3A_1544 = arith.constant 0 : i32
    %dma_start3A_1545 = arith.constant 0 : i32
    %dma_start3A_1546 = tpu.memref_slice %arg5[%dma_start3A_1537, %dma_start3A_1544, %dma_start3A_1545] : memref<3x208x128xf32, #tpu.memory_space<vmem>> -> memref<1x208x128xf32, #tpu.memory_space<vmem>>
    %dma_start3A_1547 = tpu.memref_squeeze %dma_start3A_1546 : memref<1x208x128xf32, #tpu.memory_space<vmem>> -> memref<208x128xf32, #tpu.memory_space<vmem>>
    %dma_start3A_1548 = arith.constant 0 : i32
    %dma_start3A_1549 = tpu.memref_slice %arg3[%add3A_58, %dma_start3A_1548] : memref<100000x128xf32, #tpu.memory_space<hbm>> -> memref<208x128xf32, #tpu.memory_space<hbm>>
    tpu.enqueue_dma source(%dma_start3A_1549 : memref<208x128xf32, #tpu.memory_space<hbm>>) target(%dma_start3A_1547 : memref<208x128xf32, #tpu.memory_space<vmem>>) target_semaphore(%arg6 : memref<!tpu.dma_semaphore, #tpu.memory_space<semaphore_mem>>)
    %dma_wait3A_1550 = arith.constant 1 : i32
    %dma_wait3A_1551 = arith.constant 0 : i32
    %dma_wait3A_1552 = arith.constant 0 : i32
    %dma_wait3A_1553 = tpu.memref_slice %arg5[%dma_wait3A_1550, %dma_wait3A_1551, %dma_wait3A_1552] : memref<3x208x128xf32, #tpu.memory_space<vmem>> -> memref<1x208x128xf32, #tpu.memory_space<vmem>>
    %dma_wait3A_1554 = tpu.memref_squeeze %dma_wait3A_1553 : memref<1x208x128xf32, #tpu.memory_space<vmem>> -> memref<208x128xf32, #tpu.memory_space<vmem>>
    %dma_wait3A_1555 = arith.constant 0 : i32
    %dma_wait3A_1556 = tpu.memref_slice %arg3[%add3A_54, %dma_wait3A_1555] : memref<100000x128xf32, #tpu.memory_space<hbm>> -> memref<208x128xf32, #tpu.memory_space<hbm>>
    %dma_wait3A_1557 = arith.constant 0 : i32
    %dma_wait3A_1558 = arith.constant 0 : i32
    %dma_wait3A_1559 = tpu.memref_slice %arg5[%dma_wait3A_1550, %dma_wait3A_1557, %dma_wait3A_1558] : memref<3x208x128xf32, #tpu.memory_space<vmem>> -> memref<1x208x128xf32, #tpu.memory_space<vmem>>
    %dma_wait3A_1560 = tpu.memref_squeeze %dma_wait3A_1559 : memref<1x208x128xf32, #tpu.memory_space<vmem>> -> memref<208x128xf32, #tpu.memory_space<vmem>>
    %dma_wait3A_1561 = arith.constant 0 : i32
    %dma_wait3A_1562 = tpu.memref_slice %arg3[%add3A_54, %dma_wait3A_1561] : memref<100000x128xf32, #tpu.memory_space<hbm>> -> memref<208x128xf32, #tpu.memory_space<hbm>>
    tpu.wait_dma2 semaphore(%arg7 : memref<!tpu.dma_semaphore, #tpu.memory_space<semaphore_mem>>) src(%dma_wait3A_1562 : memref<208x128xf32, #tpu.memory_space<hbm>>) dst(%dma_wait3A_1560 : memref<208x128xf32, #tpu.memory_space<vmem>>)
    %dma_start3A_1563 = arith.constant 1 : i32
    %dma_start3A_1564 = arith.constant 1 : i32
    %dma_start3A_1565 = arith.constant 0 : i32
    %dma_start3A_1566 = arith.constant 0 : i32
    %dma_start3A_1567 = tpu.memref_slice %arg5[%dma_start3A_1563, %dma_start3A_1565, %dma_start3A_1566] : memref<3x208x128xf32, #tpu.memory_space<vmem>> -> memref<1x208x128xf32, #tpu.memory_space<vmem>>
    %dma_start3A_1568 = tpu.memref_squeeze %dma_start3A_1567 : memref<1x208x128xf32, #tpu.memory_space<vmem>> -> memref<208x128xf32, #tpu.memory_space<vmem>>
    %dma_start3A_1569 = arith.constant 0 : i32
    %dma_start3A_1570 = tpu.memref_slice %arg4[%dma_start3A_1564, %add3A_54, %dma_start3A_1569] : memref<2x100000x128xf32, #tpu.memory_space<hbm>> -> memref<1x208x128xf32, #tpu.memory_space<hbm>>
    %dma_start3A_1571 = tpu.memref_squeeze %dma_start3A_1570 : memref<1x208x128xf32, #tpu.memory_space<hbm>> -> memref<208x128xf32, #tpu.memory_space<hbm>>
    %dma_start3A_1572 = arith.constant 0 : i32
    %dma_start3A_1573 = tpu.memref_slice %arg4[%dma_start3A_1564, %add3A_54, %dma_start3A_1572] : memref<2x100000x128xf32, #tpu.memory_space<hbm>> -> memref<1x208x128xf32, #tpu.memory_space<hbm>>
    %dma_start3A_1574 = tpu.memref_squeeze %dma_start3A_1573 : memref<1x208x128xf32, #tpu.memory_space<hbm>> -> memref<208x128xf32, #tpu.memory_space<hbm>>
    %dma_start3A_1575 = arith.constant 0 : i32
    %dma_start3A_1576 = arith.constant 0 : i32
    %dma_start3A_1577 = tpu.memref_slice %arg5[%dma_start3A_1563, %dma_start3A_1575, %dma_start3A_1576] : memref<3x208x128xf32, #tpu.memory_space<vmem>> -> memref<1x208x128xf32, #tpu.memory_space<vmem>>
    %dma_start3A_1578 = tpu.memref_squeeze %dma_start3A_1577 : memref<1x208x128xf32, #tpu.memory_space<vmem>> -> memref<208x128xf32, #tpu.memory_space<vmem>>
    tpu.enqueue_dma source(%dma_start3A_1578 : memref<208x128xf32, #tpu.memory_space<vmem>>) target(%dma_start3A_1574 : memref<208x128xf32, #tpu.memory_space<hbm>>) target_semaphore(%arg10 : memref<!tpu.dma_semaphore, #tpu.memory_space<semaphore_mem>>)
    %dma_wait3A_1579 = arith.constant 1 : i32
    %dma_wait3A_1580 = arith.constant 1 : i32
    %dma_wait3A_1581 = arith.constant 0 : i32
    %dma_wait3A_1582 = arith.constant 0 : i32
    %dma_wait3A_1583 = tpu.memref_slice %arg5[%dma_wait3A_1579, %dma_wait3A_1581, %dma_wait3A_1582] : memref<3x208x128xf32, #tpu.memory_space<vmem>> -> memref<1x208x128xf32, #tpu.memory_space<vmem>>
    %dma_wait3A_1584 = tpu.memref_squeeze %dma_wait3A_1583 : memref<1x208x128xf32, #tpu.memory_space<vmem>> -> memref<208x128xf32, #tpu.memory_space<vmem>>
    %dma_wait3A_1585 = arith.constant 0 : i32
    %dma_wait3A_1586 = tpu.memref_slice %arg4[%dma_wait3A_1580, %add3A_54, %dma_wait3A_1585] : memref<2x100000x128xf32, #tpu.memory_space<hbm>> -> memref<1x208x128xf32, #tpu.memory_space<hbm>>
    %dma_wait3A_1587 = tpu.memref_squeeze %dma_wait3A_1586 : memref<1x208x128xf32, #tpu.memory_space<hbm>> -> memref<208x128xf32, #tpu.memory_space<hbm>>
    %dma_wait3A_1588 = arith.constant 0 : i32
    %dma_wait3A_1589 = tpu.memref_slice %arg4[%dma_wait3A_1580, %add3A_54, %dma_wait3A_1588] : memref<2x100000x128xf32, #tpu.memory_space<hbm>> -> memref<1x208x128xf32, #tpu.memory_space<hbm>>
    %dma_wait3A_1590 = tpu.memref_squeeze %dma_wait3A_1589 : memref<1x208x128xf32, #tpu.memory_space<hbm>> -> memref<208x128xf32, #tpu.memory_space<hbm>>
    %dma_wait3A_1591 = arith.constant 0 : i32
    %dma_wait3A_1592 = arith.constant 0 : i32
    %dma_wait3A_1593 = tpu.memref_slice %arg5[%dma_wait3A_1579, %dma_wait3A_1591, %dma_wait3A_1592] : memref<3x208x128xf32, #tpu.memory_space<vmem>> -> memref<1x208x128xf32, #tpu.memory_space<vmem>>
    %dma_wait3A_1594 = tpu.memref_squeeze %dma_wait3A_1593 : memref<1x208x128xf32, #tpu.memory_space<vmem>> -> memref<208x128xf32, #tpu.memory_space<vmem>>
    tpu.wait_dma2 semaphore(%arg10 : memref<!tpu.dma_semaphore, #tpu.memory_space<semaphore_mem>>) src(%dma_wait3A_1594 : memref<208x128xf32, #tpu.memory_space<vmem>>) dst(%dma_wait3A_1590 : memref<208x128xf32, #tpu.memory_space<hbm>>)
    %dma_start3A_1595 = arith.constant 1 : i32
    %dma_start3A_1596 = arith.constant 0 : i32
    %dma_start3A_1597 = arith.constant 0 : i32
    %dma_start3A_1598 = tpu.memref_slice %arg5[%dma_start3A_1595, %dma_start3A_1596, %dma_start3A_1597] : memref<3x208x128xf32, #tpu.memory_space<vmem>> -> memref<1x208x128xf32, #tpu.memory_space<vmem>>
    %dma_start3A_1599 = tpu.memref_squeeze %dma_start3A_1598 : memref<1x208x128xf32, #tpu.memory_space<vmem>> -> memref<208x128xf32, #tpu.memory_space<vmem>>
    %dma_start3A_1600 = arith.constant 0 : i32
    %dma_start3A_1601 = tpu.memref_slice %arg3[%add3A_60, %dma_start3A_1600] : memref<100000x128xf32, #tpu.memory_space<hbm>> -> memref<208x128xf32, #tpu.memory_space<hbm>>
    %dma_start3A_1602 = arith.constant 0 : i32
    %dma_start3A_1603 = arith.constant 0 : i32
    %dma_start3A_1604 = tpu.memref_slice %arg5[%dma_start3A_1595, %dma_start3A_1602, %dma_start3A_1603] : memref<3x208x128xf32, #tpu.memory_space<vmem>> -> memref<1x208x128xf32, #tpu.memory_space<vmem>>
    %dma_start3A_1605 = tpu.memref_squeeze %dma_start3A_1604 : memref<1x208x128xf32, #tpu.memory_space<vmem>> -> memref<208x128xf32, #tpu.memory_space<vmem>>
    %dma_start3A_1606 = arith.constant 0 : i32
    %dma_start3A_1607 = tpu.memref_slice %arg3[%add3A_60, %dma_start3A_1606] : memref<100000x128xf32, #tpu.memory_space<hbm>> -> memref<208x128xf32, #tpu.memory_space<hbm>>
    tpu.enqueue_dma source(%dma_start3A_1607 : memref<208x128xf32, #tpu.memory_space<hbm>>) target(%dma_start3A_1605 : memref<208x128xf32, #tpu.memory_space<vmem>>) target_semaphore(%arg7 : memref<!tpu.dma_semaphore, #tpu.memory_space<semaphore_mem>>)
    %dma_wait3A_1608 = arith.constant 2 : i32
    %dma_wait3A_1609 = arith.constant 0 : i32
    %dma_wait3A_1610 = arith.constant 0 : i32
    %dma_wait3A_1611 = tpu.memref_slice %arg5[%dma_wait3A_1608, %dma_wait3A_1609, %dma_wait3A_1610] : memref<3x208x128xf32, #tpu.memory_space<vmem>> -> memref<1x208x128xf32, #tpu.memory_space<vmem>>
    %dma_wait3A_1612 = tpu.memref_squeeze %dma_wait3A_1611 : memref<1x208x128xf32, #tpu.memory_space<vmem>> -> memref<208x128xf32, #tpu.memory_space<vmem>>
    %dma_wait3A_1613 = arith.constant 0 : i32
    %dma_wait3A_1614 = tpu.memref_slice %arg3[%add3A_56, %dma_wait3A_1613] : memref<100000x128xf32, #tpu.memory_space<hbm>> -> memref<208x128xf32, #tpu.memory_space<hbm>>
    %dma_wait3A_1615 = arith.constant 0 : i32
    %dma_wait3A_1616 = arith.constant 0 : i32
    %dma_wait3A_1617 = tpu.memref_slice %arg5[%dma_wait3A_1608, %dma_wait3A_1615, %dma_wait3A_1616] : memref<3x208x128xf32, #tpu.memory_space<vmem>> -> memref<1x208x128xf32, #tpu.memory_space<vmem>>
    %dma_wait3A_1618 = tpu.memref_squeeze %dma_wait3A_1617 : memref<1x208x128xf32, #tpu.memory_space<vmem>> -> memref<208x128xf32, #tpu.memory_space<vmem>>
    %dma_wait3A_1619 = arith.constant 0 : i32
    %dma_wait3A_1620 = tpu.memref_slice %arg3[%add3A_56, %dma_wait3A_1619] : memref<100000x128xf32, #tpu.memory_space<hbm>> -> memref<208x128xf32, #tpu.memory_space<hbm>>
    tpu.wait_dma2 semaphore(%arg8 : memref<!tpu.dma_semaphore, #tpu.memory_space<semaphore_mem>>) src(%dma_wait3A_1620 : memref<208x128xf32, #tpu.memory_space<hbm>>) dst(%dma_wait3A_1618 : memref<208x128xf32, #tpu.memory_space<vmem>>)
    %dma_start3A_1621 = arith.constant 2 : i32
    %dma_start3A_1622 = arith.constant 1 : i32
    %dma_start3A_1623 = arith.constant 0 : i32
    %dma_start3A_1624 = arith.constant 0 : i32
    %dma_start3A_1625 = tpu.memref_slice %arg5[%dma_start3A_1621, %dma_start3A_1623, %dma_start3A_1624] : memref<3x208x128xf32, #tpu.memory_space<vmem>> -> memref<1x208x128xf32, #tpu.memory_space<vmem>>
    %dma_start3A_1626 = tpu.memref_squeeze %dma_start3A_1625 : memref<1x208x128xf32, #tpu.memory_space<vmem>> -> memref<208x128xf32, #tpu.memory_space<vmem>>
    %dma_start3A_1627 = arith.constant 0 : i32
    %dma_start3A_1628 = tpu.memref_slice %arg4[%dma_start3A_1622, %add3A_56, %dma_start3A_1627] : memref<2x100000x128xf32, #tpu.memory_space<hbm>> -> memref<1x208x128xf32, #tpu.memory_space<hbm>>
    %dma_start3A_1629 = tpu.memref_squeeze %dma_start3A_1628 : memref<1x208x128xf32, #tpu.memory_space<hbm>> -> memref<208x128xf32, #tpu.memory_space<hbm>>
    %dma_start3A_1630 = arith.constant 0 : i32
    %dma_start3A_1631 = tpu.memref_slice %arg4[%dma_start3A_1622, %add3A_56, %dma_start3A_1630] : memref<2x100000x128xf32, #tpu.memory_space<hbm>> -> memref<1x208x128xf32, #tpu.memory_space<hbm>>
    %dma_start3A_1632 = tpu.memref_squeeze %dma_start3A_1631 : memref<1x208x128xf32, #tpu.memory_space<hbm>> -> memref<208x128xf32, #tpu.memory_space<hbm>>
    %dma_start3A_1633 = arith.constant 0 : i32
    %dma_start3A_1634 = arith.constant 0 : i32
    %dma_start3A_1635 = tpu.memref_slice %arg5[%dma_start3A_1621, %dma_start3A_1633, %dma_start3A_1634] : memref<3x208x128xf32, #tpu.memory_space<vmem>> -> memref<1x208x128xf32, #tpu.memory_space<vmem>>
    %dma_start3A_1636 = tpu.memref_squeeze %dma_start3A_1635 : memref<1x208x128xf32, #tpu.memory_space<vmem>> -> memref<208x128xf32, #tpu.memory_space<vmem>>
    tpu.enqueue_dma source(%dma_start3A_1636 : memref<208x128xf32, #tpu.memory_space<vmem>>) target(%dma_start3A_1632 : memref<208x128xf32, #tpu.memory_space<hbm>>) target_semaphore(%arg11 : memref<!tpu.dma_semaphore, #tpu.memory_space<semaphore_mem>>)
    %dma_wait3A_1637 = arith.constant 2 : i32
    %dma_wait3A_1638 = arith.constant 1 : i32
    %dma_wait3A_1639 = arith.constant 0 : i32
    %dma_wait3A_1640 = arith.constant 0 : i32
    %dma_wait3A_1641 = tpu.memref_slice %arg5[%dma_wait3A_1637, %dma_wait3A_1639, %dma_wait3A_1640] : memref<3x208x128xf32, #tpu.memory_space<vmem>> -> memref<1x208x128xf32, #tpu.memory_space<vmem>>
    %dma_wait3A_1642 = tpu.memref_squeeze %dma_wait3A_1641 : memref<1x208x128xf32, #tpu.memory_space<vmem>> -> memref<208x128xf32, #tpu.memory_space<vmem>>
    %dma_wait3A_1643 = arith.constant 0 : i32
    %dma_wait3A_1644 = tpu.memref_slice %arg4[%dma_wait3A_1638, %add3A_56, %dma_wait3A_1643] : memref<2x100000x128xf32, #tpu.memory_space<hbm>> -> memref<1x208x128xf32, #tpu.memory_space<hbm>>
    %dma_wait3A_1645 = tpu.memref_squeeze %dma_wait3A_1644 : memref<1x208x128xf32, #tpu.memory_space<hbm>> -> memref<208x128xf32, #tpu.memory_space<hbm>>
    %dma_wait3A_1646 = arith.constant 0 : i32
    %dma_wait3A_1647 = tpu.memref_slice %arg4[%dma_wait3A_1638, %add3A_56, %dma_wait3A_1646] : memref<2x100000x128xf32, #tpu.memory_space<hbm>> -> memref<1x208x128xf32, #tpu.memory_space<hbm>>
    %dma_wait3A_1648 = tpu.memref_squeeze %dma_wait3A_1647 : memref<1x208x128xf32, #tpu.memory_space<hbm>> -> memref<208x128xf32, #tpu.memory_space<hbm>>
    %dma_wait3A_1649 = arith.constant 0 : i32
    %dma_wait3A_1650 = arith.constant 0 : i32
    %dma_wait3A_1651 = tpu.memref_slice %arg5[%dma_wait3A_1637, %dma_wait3A_1649, %dma_wait3A_1650] : memref<3x208x128xf32, #tpu.memory_space<vmem>> -> memref<1x208x128xf32, #tpu.memory_space<vmem>>
    %dma_wait3A_1652 = tpu.memref_squeeze %dma_wait3A_1651 : memref<1x208x128xf32, #tpu.memory_space<vmem>> -> memref<208x128xf32, #tpu.memory_space<vmem>>
    tpu.wait_dma2 semaphore(%arg11 : memref<!tpu.dma_semaphore, #tpu.memory_space<semaphore_mem>>) src(%dma_wait3A_1652 : memref<208x128xf32, #tpu.memory_space<vmem>>) dst(%dma_wait3A_1648 : memref<208x128xf32, #tpu.memory_space<hbm>>)
    %dma_start3A_1653 = arith.constant 2 : i32
    %dma_start3A_1654 = arith.constant 0 : i32
    %dma_start3A_1655 = arith.constant 0 : i32
    %dma_start3A_1656 = tpu.memref_slice %arg5[%dma_start3A_1653, %dma_start3A_1654, %dma_start3A_1655] : memref<3x208x128xf32, #tpu.memory_space<vmem>> -> memref<1x208x128xf32, #tpu.memory_space<vmem>>
    %dma_start3A_1657 = tpu.memref_squeeze %dma_start3A_1656 : memref<1x208x128xf32, #tpu.memory_space<vmem>> -> memref<208x128xf32, #tpu.memory_space<vmem>>
    %dma_start3A_1658 = arith.constant 0 : i32
    %dma_start3A_1659 = tpu.memref_slice %arg3[%add3A_62, %dma_start3A_1658] : memref<100000x128xf32, #tpu.memory_space<hbm>> -> memref<208x128xf32, #tpu.memory_space<hbm>>
    %dma_start3A_1660 = arith.constant 0 : i32
    %dma_start3A_1661 = arith.constant 0 : i32
    %dma_start3A_1662 = tpu.memref_slice %arg5[%dma_start3A_1653, %dma_start3A_1660, %dma_start3A_1661] : memref<3x208x128xf32, #tpu.memory_space<vmem>> -> memref<1x208x128xf32, #tpu.memory_space<vmem>>
    %dma_start3A_1663 = tpu.memref_squeeze %dma_start3A_1662 : memref<1x208x128xf32, #tpu.memory_space<vmem>> -> memref<208x128xf32, #tpu.memory_space<vmem>>
    %dma_start3A_1664 = arith.constant 0 : i32
    %dma_start3A_1665 = tpu.memref_slice %arg3[%add3A_62, %dma_start3A_1664] : memref<100000x128xf32, #tpu.memory_space<hbm>> -> memref<208x128xf32, #tpu.memory_space<hbm>>
    tpu.enqueue_dma source(%dma_start3A_1665 : memref<208x128xf32, #tpu.memory_space<hbm>>) target(%dma_start3A_1663 : memref<208x128xf32, #tpu.memory_space<vmem>>) target_semaphore(%arg8 : memref<!tpu.dma_semaphore, #tpu.memory_space<semaphore_mem>>)
    %dma_wait3A_1666 = arith.constant 0 : i32
    %dma_wait3A_1667 = arith.constant 0 : i32
    %dma_wait3A_1668 = arith.constant 0 : i32
    %dma_wait3A_1669 = tpu.memref_slice %arg5[%dma_wait3A_1666, %dma_wait3A_1667, %dma_wait3A_1668] : memref<3x208x128xf32, #tpu.memory_space<vmem>> -> memref<1x208x128xf32, #tpu.memory_space<vmem>>
    %dma_wait3A_1670 = tpu.memref_squeeze %dma_wait3A_1669 : memref<1x208x128xf32, #tpu.memory_space<vmem>> -> memref<208x128xf32, #tpu.memory_space<vmem>>
    %dma_wait3A_1671 = arith.constant 0 : i32
    %dma_wait3A_1672 = tpu.memref_slice %arg3[%add3A_58, %dma_wait3A_1671] : memref<100000x128xf32, #tpu.memory_space<hbm>> -> memref<208x128xf32, #tpu.memory_space<hbm>>
    %dma_wait3A_1673 = arith.constant 0 : i32
    %dma_wait3A_1674 = arith.constant 0 : i32
    %dma_wait3A_1675 = tpu.memref_slice %arg5[%dma_wait3A_1666, %dma_wait3A_1673, %dma_wait3A_1674] : memref<3x208x128xf32, #tpu.memory_space<vmem>> -> memref<1x208x128xf32, #tpu.memory_space<vmem>>
    %dma_wait3A_1676 = tpu.memref_squeeze %dma_wait3A_1675 : memref<1x208x128xf32, #tpu.memory_space<vmem>> -> memref<208x128xf32, #tpu.memory_space<vmem>>
    %dma_wait3A_1677 = arith.constant 0 : i32
    %dma_wait3A_1678 = tpu.memref_slice %arg3[%add3A_58, %dma_wait3A_1677] : memref<100000x128xf32, #tpu.memory_space<hbm>> -> memref<208x128xf32, #tpu.memory_space<hbm>>
    tpu.wait_dma2 semaphore(%arg6 : memref<!tpu.dma_semaphore, #tpu.memory_space<semaphore_mem>>) src(%dma_wait3A_1678 : memref<208x128xf32, #tpu.memory_space<hbm>>) dst(%dma_wait3A_1676 : memref<208x128xf32, #tpu.memory_space<vmem>>)
    %dma_start3A_1679 = arith.constant 0 : i32
    %dma_start3A_1680 = arith.constant 1 : i32
    %dma_start3A_1681 = arith.constant 0 : i32
    %dma_start3A_1682 = arith.constant 0 : i32
    %dma_start3A_1683 = tpu.memref_slice %arg5[%dma_start3A_1679, %dma_start3A_1681, %dma_start3A_1682] : memref<3x208x128xf32, #tpu.memory_space<vmem>> -> memref<1x208x128xf32, #tpu.memory_space<vmem>>
    %dma_start3A_1684 = tpu.memref_squeeze %dma_start3A_1683 : memref<1x208x128xf32, #tpu.memory_space<vmem>> -> memref<208x128xf32, #tpu.memory_space<vmem>>
    %dma_start3A_1685 = arith.constant 0 : i32
    %dma_start3A_1686 = tpu.memref_slice %arg4[%dma_start3A_1680, %add3A_58, %dma_start3A_1685] : memref<2x100000x128xf32, #tpu.memory_space<hbm>> -> memref<1x208x128xf32, #tpu.memory_space<hbm>>
    %dma_start3A_1687 = tpu.memref_squeeze %dma_start3A_1686 : memref<1x208x128xf32, #tpu.memory_space<hbm>> -> memref<208x128xf32, #tpu.memory_space<hbm>>
    %dma_start3A_1688 = arith.constant 0 : i32
    %dma_start3A_1689 = tpu.memref_slice %arg4[%dma_start3A_1680, %add3A_58, %dma_start3A_1688] : memref<2x100000x128xf32, #tpu.memory_space<hbm>> -> memref<1x208x128xf32, #tpu.memory_space<hbm>>
    %dma_start3A_1690 = tpu.memref_squeeze %dma_start3A_1689 : memref<1x208x128xf32, #tpu.memory_space<hbm>> -> memref<208x128xf32, #tpu.memory_space<hbm>>
    %dma_start3A_1691 = arith.constant 0 : i32
    %dma_start3A_1692 = arith.constant 0 : i32
    %dma_start3A_1693 = tpu.memref_slice %arg5[%dma_start3A_1679, %dma_start3A_1691, %dma_start3A_1692] : memref<3x208x128xf32, #tpu.memory_space<vmem>> -> memref<1x208x128xf32, #tpu.memory_space<vmem>>
    %dma_start3A_1694 = tpu.memref_squeeze %dma_start3A_1693 : memref<1x208x128xf32, #tpu.memory_space<vmem>> -> memref<208x128xf32, #tpu.memory_space<vmem>>
    tpu.enqueue_dma source(%dma_start3A_1694 : memref<208x128xf32, #tpu.memory_space<vmem>>) target(%dma_start3A_1690 : memref<208x128xf32, #tpu.memory_space<hbm>>) target_semaphore(%arg9 : memref<!tpu.dma_semaphore, #tpu.memory_space<semaphore_mem>>)
    %dma_wait3A_1695 = arith.constant 1 : i32
    %dma_wait3A_1696 = arith.constant 0 : i32
    %dma_wait3A_1697 = arith.constant 0 : i32
    %dma_wait3A_1698 = tpu.memref_slice %arg5[%dma_wait3A_1695, %dma_wait3A_1696, %dma_wait3A_1697] : memref<3x208x128xf32, #tpu.memory_space<vmem>> -> memref<1x208x128xf32, #tpu.memory_space<vmem>>
    %dma_wait3A_1699 = tpu.memref_squeeze %dma_wait3A_1698 : memref<1x208x128xf32, #tpu.memory_space<vmem>> -> memref<208x128xf32, #tpu.memory_space<vmem>>
    %dma_wait3A_1700 = arith.constant 0 : i32
    %dma_wait3A_1701 = tpu.memref_slice %arg3[%add3A_60, %dma_wait3A_1700] : memref<100000x128xf32, #tpu.memory_space<hbm>> -> memref<208x128xf32, #tpu.memory_space<hbm>>
    %dma_wait3A_1702 = arith.constant 0 : i32
    %dma_wait3A_1703 = arith.constant 0 : i32
    %dma_wait3A_1704 = tpu.memref_slice %arg5[%dma_wait3A_1695, %dma_wait3A_1702, %dma_wait3A_1703] : memref<3x208x128xf32, #tpu.memory_space<vmem>> -> memref<1x208x128xf32, #tpu.memory_space<vmem>>
    %dma_wait3A_1705 = tpu.memref_squeeze %dma_wait3A_1704 : memref<1x208x128xf32, #tpu.memory_space<vmem>> -> memref<208x128xf32, #tpu.memory_space<vmem>>
    %dma_wait3A_1706 = arith.constant 0 : i32
    %dma_wait3A_1707 = tpu.memref_slice %arg3[%add3A_60, %dma_wait3A_1706] : memref<100000x128xf32, #tpu.memory_space<hbm>> -> memref<208x128xf32, #tpu.memory_space<hbm>>
    tpu.wait_dma2 semaphore(%arg7 : memref<!tpu.dma_semaphore, #tpu.memory_space<semaphore_mem>>) src(%dma_wait3A_1707 : memref<208x128xf32, #tpu.memory_space<hbm>>) dst(%dma_wait3A_1705 : memref<208x128xf32, #tpu.memory_space<vmem>>)
    %dma_start3A_1708 = arith.constant 1 : i32
    %dma_start3A_1709 = arith.constant 1 : i32
    %dma_start3A_1710 = arith.constant 0 : i32
    %dma_start3A_1711 = arith.constant 0 : i32
    %dma_start3A_1712 = tpu.memref_slice %arg5[%dma_start3A_1708, %dma_start3A_1710, %dma_start3A_1711] : memref<3x208x128xf32, #tpu.memory_space<vmem>> -> memref<1x208x128xf32, #tpu.memory_space<vmem>>
    %dma_start3A_1713 = tpu.memref_squeeze %dma_start3A_1712 : memref<1x208x128xf32, #tpu.memory_space<vmem>> -> memref<208x128xf32, #tpu.memory_space<vmem>>
    %dma_start3A_1714 = arith.constant 0 : i32
    %dma_start3A_1715 = tpu.memref_slice %arg4[%dma_start3A_1709, %add3A_60, %dma_start3A_1714] : memref<2x100000x128xf32, #tpu.memory_space<hbm>> -> memref<1x208x128xf32, #tpu.memory_space<hbm>>
    %dma_start3A_1716 = tpu.memref_squeeze %dma_start3A_1715 : memref<1x208x128xf32, #tpu.memory_space<hbm>> -> memref<208x128xf32, #tpu.memory_space<hbm>>
    %dma_start3A_1717 = arith.constant 0 : i32
    %dma_start3A_1718 = tpu.memref_slice %arg4[%dma_start3A_1709, %add3A_60, %dma_start3A_1717] : memref<2x100000x128xf32, #tpu.memory_space<hbm>> -> memref<1x208x128xf32, #tpu.memory_space<hbm>>
    %dma_start3A_1719 = tpu.memref_squeeze %dma_start3A_1718 : memref<1x208x128xf32, #tpu.memory_space<hbm>> -> memref<208x128xf32, #tpu.memory_space<hbm>>
    %dma_start3A_1720 = arith.constant 0 : i32
    %dma_start3A_1721 = arith.constant 0 : i32
    %dma_start3A_1722 = tpu.memref_slice %arg5[%dma_start3A_1708, %dma_start3A_1720, %dma_start3A_1721] : memref<3x208x128xf32, #tpu.memory_space<vmem>> -> memref<1x208x128xf32, #tpu.memory_space<vmem>>
    %dma_start3A_1723 = tpu.memref_squeeze %dma_start3A_1722 : memref<1x208x128xf32, #tpu.memory_space<vmem>> -> memref<208x128xf32, #tpu.memory_space<vmem>>
    tpu.enqueue_dma source(%dma_start3A_1723 : memref<208x128xf32, #tpu.memory_space<vmem>>) target(%dma_start3A_1719 : memref<208x128xf32, #tpu.memory_space<hbm>>) target_semaphore(%arg10 : memref<!tpu.dma_semaphore, #tpu.memory_space<semaphore_mem>>)
    %dma_wait3A_1724 = arith.constant 2 : i32
    %dma_wait3A_1725 = arith.constant 0 : i32
    %dma_wait3A_1726 = arith.constant 0 : i32
    %dma_wait3A_1727 = tpu.memref_slice %arg5[%dma_wait3A_1724, %dma_wait3A_1725, %dma_wait3A_1726] : memref<3x208x128xf32, #tpu.memory_space<vmem>> -> memref<1x208x128xf32, #tpu.memory_space<vmem>>
    %dma_wait3A_1728 = tpu.memref_squeeze %dma_wait3A_1727 : memref<1x208x128xf32, #tpu.memory_space<vmem>> -> memref<208x128xf32, #tpu.memory_space<vmem>>
    %dma_wait3A_1729 = arith.constant 0 : i32
    %dma_wait3A_1730 = tpu.memref_slice %arg3[%add3A_62, %dma_wait3A_1729] : memref<100000x128xf32, #tpu.memory_space<hbm>> -> memref<208x128xf32, #tpu.memory_space<hbm>>
    %dma_wait3A_1731 = arith.constant 0 : i32
    %dma_wait3A_1732 = arith.constant 0 : i32
    %dma_wait3A_1733 = tpu.memref_slice %arg5[%dma_wait3A_1724, %dma_wait3A_1731, %dma_wait3A_1732] : memref<3x208x128xf32, #tpu.memory_space<vmem>> -> memref<1x208x128xf32, #tpu.memory_space<vmem>>
    %dma_wait3A_1734 = tpu.memref_squeeze %dma_wait3A_1733 : memref<1x208x128xf32, #tpu.memory_space<vmem>> -> memref<208x128xf32, #tpu.memory_space<vmem>>
    %dma_wait3A_1735 = arith.constant 0 : i32
    %dma_wait3A_1736 = tpu.memref_slice %arg3[%add3A_62, %dma_wait3A_1735] : memref<100000x128xf32, #tpu.memory_space<hbm>> -> memref<208x128xf32, #tpu.memory_space<hbm>>
    tpu.wait_dma2 semaphore(%arg8 : memref<!tpu.dma_semaphore, #tpu.memory_space<semaphore_mem>>) src(%dma_wait3A_1736 : memref<208x128xf32, #tpu.memory_space<hbm>>) dst(%dma_wait3A_1734 : memref<208x128xf32, #tpu.memory_space<vmem>>)
    %dma_start3A_1737 = arith.constant 2 : i32
    %dma_start3A_1738 = arith.constant 1 : i32
    %dma_start3A_1739 = arith.constant 0 : i32
    %dma_start3A_1740 = arith.constant 0 : i32
    %dma_start3A_1741 = tpu.memref_slice %arg5[%dma_start3A_1737, %dma_start3A_1739, %dma_start3A_1740] : memref<3x208x128xf32, #tpu.memory_space<vmem>> -> memref<1x208x128xf32, #tpu.memory_space<vmem>>
    %dma_start3A_1742 = tpu.memref_squeeze %dma_start3A_1741 : memref<1x208x128xf32, #tpu.memory_space<vmem>> -> memref<208x128xf32, #tpu.memory_space<vmem>>
    %dma_start3A_1743 = arith.constant 0 : i32
    %dma_start3A_1744 = tpu.memref_slice %arg4[%dma_start3A_1738, %add3A_62, %dma_start3A_1743] : memref<2x100000x128xf32, #tpu.memory_space<hbm>> -> memref<1x208x128xf32, #tpu.memory_space<hbm>>
    %dma_start3A_1745 = tpu.memref_squeeze %dma_start3A_1744 : memref<1x208x128xf32, #tpu.memory_space<hbm>> -> memref<208x128xf32, #tpu.memory_space<hbm>>
    %dma_start3A_1746 = arith.constant 0 : i32
    %dma_start3A_1747 = tpu.memref_slice %arg4[%dma_start3A_1738, %add3A_62, %dma_start3A_1746] : memref<2x100000x128xf32, #tpu.memory_space<hbm>> -> memref<1x208x128xf32, #tpu.memory_space<hbm>>
    %dma_start3A_1748 = tpu.memref_squeeze %dma_start3A_1747 : memref<1x208x128xf32, #tpu.memory_space<hbm>> -> memref<208x128xf32, #tpu.memory_space<hbm>>
    %dma_start3A_1749 = arith.constant 0 : i32
    %dma_start3A_1750 = arith.constant 0 : i32
    %dma_start3A_1751 = tpu.memref_slice %arg5[%dma_start3A_1737, %dma_start3A_1749, %dma_start3A_1750] : memref<3x208x128xf32, #tpu.memory_space<vmem>> -> memref<1x208x128xf32, #tpu.memory_space<vmem>>
    %dma_start3A_1752 = tpu.memref_squeeze %dma_start3A_1751 : memref<1x208x128xf32, #tpu.memory_space<vmem>> -> memref<208x128xf32, #tpu.memory_space<vmem>>
    tpu.enqueue_dma source(%dma_start3A_1752 : memref<208x128xf32, #tpu.memory_space<vmem>>) target(%dma_start3A_1748 : memref<208x128xf32, #tpu.memory_space<hbm>>) target_semaphore(%arg11 : memref<!tpu.dma_semaphore, #tpu.memory_space<semaphore_mem>>)
    %dma_wait3A_1753 = arith.constant 0 : i32
    %dma_wait3A_1754 = arith.constant 1 : i32
    %dma_wait3A_1755 = arith.constant 0 : i32
    %dma_wait3A_1756 = arith.constant 0 : i32
    %dma_wait3A_1757 = tpu.memref_slice %arg5[%dma_wait3A_1753, %dma_wait3A_1755, %dma_wait3A_1756] : memref<3x208x128xf32, #tpu.memory_space<vmem>> -> memref<1x208x128xf32, #tpu.memory_space<vmem>>
    %dma_wait3A_1758 = tpu.memref_squeeze %dma_wait3A_1757 : memref<1x208x128xf32, #tpu.memory_space<vmem>> -> memref<208x128xf32, #tpu.memory_space<vmem>>
    %dma_wait3A_1759 = arith.constant 0 : i32
    %dma_wait3A_1760 = tpu.memref_slice %arg4[%dma_wait3A_1754, %add3A_58, %dma_wait3A_1759] : memref<2x100000x128xf32, #tpu.memory_space<hbm>> -> memref<1x208x128xf32, #tpu.memory_space<hbm>>
    %dma_wait3A_1761 = tpu.memref_squeeze %dma_wait3A_1760 : memref<1x208x128xf32, #tpu.memory_space<hbm>> -> memref<208x128xf32, #tpu.memory_space<hbm>>
    %dma_wait3A_1762 = arith.constant 0 : i32
    %dma_wait3A_1763 = tpu.memref_slice %arg4[%dma_wait3A_1754, %add3A_58, %dma_wait3A_1762] : memref<2x100000x128xf32, #tpu.memory_space<hbm>> -> memref<1x208x128xf32, #tpu.memory_space<hbm>>
    %dma_wait3A_1764 = tpu.memref_squeeze %dma_wait3A_1763 : memref<1x208x128xf32, #tpu.memory_space<hbm>> -> memref<208x128xf32, #tpu.memory_space<hbm>>
    %dma_wait3A_1765 = arith.constant 0 : i32
    %dma_wait3A_1766 = arith.constant 0 : i32
    %dma_wait3A_1767 = tpu.memref_slice %arg5[%dma_wait3A_1753, %dma_wait3A_1765, %dma_wait3A_1766] : memref<3x208x128xf32, #tpu.memory_space<vmem>> -> memref<1x208x128xf32, #tpu.memory_space<vmem>>
    %dma_wait3A_1768 = tpu.memref_squeeze %dma_wait3A_1767 : memref<1x208x128xf32, #tpu.memory_space<vmem>> -> memref<208x128xf32, #tpu.memory_space<vmem>>
    tpu.wait_dma2 semaphore(%arg9 : memref<!tpu.dma_semaphore, #tpu.memory_space<semaphore_mem>>) src(%dma_wait3A_1768 : memref<208x128xf32, #tpu.memory_space<vmem>>) dst(%dma_wait3A_1764 : memref<208x128xf32, #tpu.memory_space<hbm>>)
    %dma_wait3A_1769 = arith.constant 1 : i32
    %dma_wait3A_1770 = arith.constant 1 : i32
    %dma_wait3A_1771 = arith.constant 0 : i32
    %dma_wait3A_1772 = arith.constant 0 : i32
    %dma_wait3A_1773 = tpu.memref_slice %arg5[%dma_wait3A_1769, %dma_wait3A_1771, %dma_wait3A_1772] : memref<3x208x128xf32, #tpu.memory_space<vmem>> -> memref<1x208x128xf32, #tpu.memory_space<vmem>>
    %dma_wait3A_1774 = tpu.memref_squeeze %dma_wait3A_1773 : memref<1x208x128xf32, #tpu.memory_space<vmem>> -> memref<208x128xf32, #tpu.memory_space<vmem>>
    %dma_wait3A_1775 = arith.constant 0 : i32
    %dma_wait3A_1776 = tpu.memref_slice %arg4[%dma_wait3A_1770, %add3A_60, %dma_wait3A_1775] : memref<2x100000x128xf32, #tpu.memory_space<hbm>> -> memref<1x208x128xf32, #tpu.memory_space<hbm>>
    %dma_wait3A_1777 = tpu.memref_squeeze %dma_wait3A_1776 : memref<1x208x128xf32, #tpu.memory_space<hbm>> -> memref<208x128xf32, #tpu.memory_space<hbm>>
    %dma_wait3A_1778 = arith.constant 0 : i32
    %dma_wait3A_1779 = tpu.memref_slice %arg4[%dma_wait3A_1770, %add3A_60, %dma_wait3A_1778] : memref<2x100000x128xf32, #tpu.memory_space<hbm>> -> memref<1x208x128xf32, #tpu.memory_space<hbm>>
    %dma_wait3A_1780 = tpu.memref_squeeze %dma_wait3A_1779 : memref<1x208x128xf32, #tpu.memory_space<hbm>> -> memref<208x128xf32, #tpu.memory_space<hbm>>
    %dma_wait3A_1781 = arith.constant 0 : i32
    %dma_wait3A_1782 = arith.constant 0 : i32
    %dma_wait3A_1783 = tpu.memref_slice %arg5[%dma_wait3A_1769, %dma_wait3A_1781, %dma_wait3A_1782] : memref<3x208x128xf32, #tpu.memory_space<vmem>> -> memref<1x208x128xf32, #tpu.memory_space<vmem>>
    %dma_wait3A_1784 = tpu.memref_squeeze %dma_wait3A_1783 : memref<1x208x128xf32, #tpu.memory_space<vmem>> -> memref<208x128xf32, #tpu.memory_space<vmem>>
    tpu.wait_dma2 semaphore(%arg10 : memref<!tpu.dma_semaphore, #tpu.memory_space<semaphore_mem>>) src(%dma_wait3A_1784 : memref<208x128xf32, #tpu.memory_space<vmem>>) dst(%dma_wait3A_1780 : memref<208x128xf32, #tpu.memory_space<hbm>>)
    %dma_wait3A_1785 = arith.constant 2 : i32
    %dma_wait3A_1786 = arith.constant 1 : i32
    %dma_wait3A_1787 = arith.constant 0 : i32
    %dma_wait3A_1788 = arith.constant 0 : i32
    %dma_wait3A_1789 = tpu.memref_slice %arg5[%dma_wait3A_1785, %dma_wait3A_1787, %dma_wait3A_1788] : memref<3x208x128xf32, #tpu.memory_space<vmem>> -> memref<1x208x128xf32, #tpu.memory_space<vmem>>
    %dma_wait3A_1790 = tpu.memref_squeeze %dma_wait3A_1789 : memref<1x208x128xf32, #tpu.memory_space<vmem>> -> memref<208x128xf32, #tpu.memory_space<vmem>>
    %dma_wait3A_1791 = arith.constant 0 : i32
    %dma_wait3A_1792 = tpu.memref_slice %arg4[%dma_wait3A_1786, %add3A_62, %dma_wait3A_1791] : memref<2x100000x128xf32, #tpu.memory_space<hbm>> -> memref<1x208x128xf32, #tpu.memory_space<hbm>>
    %dma_wait3A_1793 = tpu.memref_squeeze %dma_wait3A_1792 : memref<1x208x128xf32, #tpu.memory_space<hbm>> -> memref<208x128xf32, #tpu.memory_space<hbm>>
    %dma_wait3A_1794 = arith.constant 0 : i32
    %dma_wait3A_1795 = tpu.memref_slice %arg4[%dma_wait3A_1786, %add3A_62, %dma_wait3A_1794] : memref<2x100000x128xf32, #tpu.memory_space<hbm>> -> memref<1x208x128xf32, #tpu.memory_space<hbm>>
    %dma_wait3A_1796 = tpu.memref_squeeze %dma_wait3A_1795 : memref<1x208x128xf32, #tpu.memory_space<hbm>> -> memref<208x128xf32, #tpu.memory_space<hbm>>
    %dma_wait3A_1797 = arith.constant 0 : i32
    %dma_wait3A_1798 = arith.constant 0 : i32
    %dma_wait3A_1799 = tpu.memref_slice %arg5[%dma_wait3A_1785, %dma_wait3A_1797, %dma_wait3A_1798] : memref<3x208x128xf32, #tpu.memory_space<vmem>> -> memref<1x208x128xf32, #tpu.memory_space<vmem>>
    %dma_wait3A_1800 = tpu.memref_squeeze %dma_wait3A_1799 : memref<1x208x128xf32, #tpu.memory_space<vmem>> -> memref<208x128xf32, #tpu.memory_space<vmem>>
    tpu.wait_dma2 semaphore(%arg11 : memref<!tpu.dma_semaphore, #tpu.memory_space<semaphore_mem>>) src(%dma_wait3A_1800 : memref<208x128xf32, #tpu.memory_space<vmem>>) dst(%dma_wait3A_1796 : memref<208x128xf32, #tpu.memory_space<hbm>>)
    %eq3A = arith.constant 0 : i32
    %eq3A_1801 = arith.cmpi eq, %add3A, %eq3A : i32
    %convert_element_type3A = arith.extui %eq3A_1801 : i1 to i32
    %cond3A = arith.constant 0 : i32
    %cond3A_1802 = arith.cmpi ne, %convert_element_type3A, %cond3A : i32
    scf.if %cond3A_1802 {
      %dma_start3A_1808 = arith.constant 0 : i32
      %dma_start3A_1809 = arith.constant 0 : i32
      %dma_start3A_1810 = arith.constant 0 : i32
      %dma_start3A_1811 = tpu.memref_slice %arg5[%dma_start3A_1808, %dma_start3A_1809, %dma_start3A_1810] : memref<3x208x128xf32, #tpu.memory_space<vmem>> -> memref<1x160x128xf32, #tpu.memory_space<vmem>>
      %dma_start3A_1812 = tpu.memref_squeeze %dma_start3A_1811 : memref<1x160x128xf32, #tpu.memory_space<vmem>> -> memref<160x128xf32, #tpu.memory_space<vmem>>
      %dma_start3A_1813 = arith.constant 99840 : i32
      %dma_start3A_1814 = arith.constant 0 : i32
      %dma_start3A_1815 = tpu.memref_slice %arg2[%dma_start3A_1813, %dma_start3A_1814] : memref<100000x128xf32, #tpu.memory_space<hbm>> -> memref<160x128xf32, #tpu.memory_space<hbm>>
      %dma_start3A_1816 = arith.constant 0 : i32
      %dma_start3A_1817 = arith.constant 0 : i32
      %dma_start3A_1818 = tpu.memref_slice %arg5[%dma_start3A_1808, %dma_start3A_1816, %dma_start3A_1817] : memref<3x208x128xf32, #tpu.memory_space<vmem>> -> memref<1x160x128xf32, #tpu.memory_space<vmem>>
      %dma_start3A_1819 = tpu.memref_squeeze %dma_start3A_1818 : memref<1x160x128xf32, #tpu.memory_space<vmem>> -> memref<160x128xf32, #tpu.memory_space<vmem>>
      %dma_start3A_1820 = arith.constant 99840 : i32
      %dma_start3A_1821 = arith.constant 0 : i32
      %dma_start3A_1822 = tpu.memref_slice %arg2[%dma_start3A_1820, %dma_start3A_1821] : memref<100000x128xf32, #tpu.memory_space<hbm>> -> memref<160x128xf32, #tpu.memory_space<hbm>>
      tpu.enqueue_dma source(%dma_start3A_1822 : memref<160x128xf32, #tpu.memory_space<hbm>>) target(%dma_start3A_1819 : memref<160x128xf32, #tpu.memory_space<vmem>>) target_semaphore(%arg6 : memref<!tpu.dma_semaphore, #tpu.memory_space<semaphore_mem>>)
      %dma_wait3A_1823 = arith.constant 0 : i32
      %dma_wait3A_1824 = arith.constant 0 : i32
      %dma_wait3A_1825 = arith.constant 0 : i32
      %dma_wait3A_1826 = tpu.memref_slice %arg5[%dma_wait3A_1823, %dma_wait3A_1824, %dma_wait3A_1825] : memref<3x208x128xf32, #tpu.memory_space<vmem>> -> memref<1x160x128xf32, #tpu.memory_space<vmem>>
      %dma_wait3A_1827 = tpu.memref_squeeze %dma_wait3A_1826 : memref<1x160x128xf32, #tpu.memory_space<vmem>> -> memref<160x128xf32, #tpu.memory_space<vmem>>
      %dma_wait3A_1828 = arith.constant 99840 : i32
      %dma_wait3A_1829 = arith.constant 0 : i32
      %dma_wait3A_1830 = tpu.memref_slice %arg2[%dma_wait3A_1828, %dma_wait3A_1829] : memref<100000x128xf32, #tpu.memory_space<hbm>> -> memref<160x128xf32, #tpu.memory_space<hbm>>
      %dma_wait3A_1831 = arith.constant 0 : i32
      %dma_wait3A_1832 = arith.constant 0 : i32
      %dma_wait3A_1833 = tpu.memref_slice %arg5[%dma_wait3A_1823, %dma_wait3A_1831, %dma_wait3A_1832] : memref<3x208x128xf32, #tpu.memory_space<vmem>> -> memref<1x160x128xf32, #tpu.memory_space<vmem>>
      %dma_wait3A_1834 = tpu.memref_squeeze %dma_wait3A_1833 : memref<1x160x128xf32, #tpu.memory_space<vmem>> -> memref<160x128xf32, #tpu.memory_space<vmem>>
      %dma_wait3A_1835 = arith.constant 99840 : i32
      %dma_wait3A_1836 = arith.constant 0 : i32
      %dma_wait3A_1837 = tpu.memref_slice %arg2[%dma_wait3A_1835, %dma_wait3A_1836] : memref<100000x128xf32, #tpu.memory_space<hbm>> -> memref<160x128xf32, #tpu.memory_space<hbm>>
      tpu.wait_dma2 semaphore(%arg6 : memref<!tpu.dma_semaphore, #tpu.memory_space<semaphore_mem>>) src(%dma_wait3A_1837 : memref<160x128xf32, #tpu.memory_space<hbm>>) dst(%dma_wait3A_1834 : memref<160x128xf32, #tpu.memory_space<vmem>>)
      %dma_start3A_1838 = arith.constant 0 : i32
      %dma_start3A_1839 = arith.constant 0 : i32
      %dma_start3A_1840 = arith.constant 0 : i32
      %dma_start3A_1841 = arith.constant 0 : i32
      %dma_start3A_1842 = tpu.memref_slice %arg5[%dma_start3A_1838, %dma_start3A_1840, %dma_start3A_1841] : memref<3x208x128xf32, #tpu.memory_space<vmem>> -> memref<1x160x128xf32, #tpu.memory_space<vmem>>
      %dma_start3A_1843 = tpu.memref_squeeze %dma_start3A_1842 : memref<1x160x128xf32, #tpu.memory_space<vmem>> -> memref<160x128xf32, #tpu.memory_space<vmem>>
      %dma_start3A_1844 = arith.constant 99840 : i32
      %dma_start3A_1845 = arith.constant 0 : i32
      %dma_start3A_1846 = tpu.memref_slice %arg4[%dma_start3A_1839, %dma_start3A_1844, %dma_start3A_1845] : memref<2x100000x128xf32, #tpu.memory_space<hbm>> -> memref<1x160x128xf32, #tpu.memory_space<hbm>>
      %dma_start3A_1847 = tpu.memref_squeeze %dma_start3A_1846 : memref<1x160x128xf32, #tpu.memory_space<hbm>> -> memref<160x128xf32, #tpu.memory_space<hbm>>
      %dma_start3A_1848 = arith.constant 99840 : i32
      %dma_start3A_1849 = arith.constant 0 : i32
      %dma_start3A_1850 = tpu.memref_slice %arg4[%dma_start3A_1839, %dma_start3A_1848, %dma_start3A_1849] : memref<2x100000x128xf32, #tpu.memory_space<hbm>> -> memref<1x160x128xf32, #tpu.memory_space<hbm>>
      %dma_start3A_1851 = tpu.memref_squeeze %dma_start3A_1850 : memref<1x160x128xf32, #tpu.memory_space<hbm>> -> memref<160x128xf32, #tpu.memory_space<hbm>>
      %dma_start3A_1852 = arith.constant 0 : i32
      %dma_start3A_1853 = arith.constant 0 : i32
      %dma_start3A_1854 = tpu.memref_slice %arg5[%dma_start3A_1838, %dma_start3A_1852, %dma_start3A_1853] : memref<3x208x128xf32, #tpu.memory_space<vmem>> -> memref<1x160x128xf32, #tpu.memory_space<vmem>>
      %dma_start3A_1855 = tpu.memref_squeeze %dma_start3A_1854 : memref<1x160x128xf32, #tpu.memory_space<vmem>> -> memref<160x128xf32, #tpu.memory_space<vmem>>
      tpu.enqueue_dma source(%dma_start3A_1855 : memref<160x128xf32, #tpu.memory_space<vmem>>) target(%dma_start3A_1851 : memref<160x128xf32, #tpu.memory_space<hbm>>) target_semaphore(%arg9 : memref<!tpu.dma_semaphore, #tpu.memory_space<semaphore_mem>>)
      %dma_wait3A_1856 = arith.constant 0 : i32
      %dma_wait3A_1857 = arith.constant 0 : i32
      %dma_wait3A_1858 = arith.constant 0 : i32
      %dma_wait3A_1859 = arith.constant 0 : i32
      %dma_wait3A_1860 = tpu.memref_slice %arg5[%dma_wait3A_1856, %dma_wait3A_1858, %dma_wait3A_1859] : memref<3x208x128xf32, #tpu.memory_space<vmem>> -> memref<1x160x128xf32, #tpu.memory_space<vmem>>
      %dma_wait3A_1861 = tpu.memref_squeeze %dma_wait3A_1860 : memref<1x160x128xf32, #tpu.memory_space<vmem>> -> memref<160x128xf32, #tpu.memory_space<vmem>>
      %dma_wait3A_1862 = arith.constant 99840 : i32
      %dma_wait3A_1863 = arith.constant 0 : i32
      %dma_wait3A_1864 = tpu.memref_slice %arg4[%dma_wait3A_1857, %dma_wait3A_1862, %dma_wait3A_1863] : memref<2x100000x128xf32, #tpu.memory_space<hbm>> -> memref<1x160x128xf32, #tpu.memory_space<hbm>>
      %dma_wait3A_1865 = tpu.memref_squeeze %dma_wait3A_1864 : memref<1x160x128xf32, #tpu.memory_space<hbm>> -> memref<160x128xf32, #tpu.memory_space<hbm>>
      %dma_wait3A_1866 = arith.constant 99840 : i32
      %dma_wait3A_1867 = arith.constant 0 : i32
      %dma_wait3A_1868 = tpu.memref_slice %arg4[%dma_wait3A_1857, %dma_wait3A_1866, %dma_wait3A_1867] : memref<2x100000x128xf32, #tpu.memory_space<hbm>> -> memref<1x160x128xf32, #tpu.memory_space<hbm>>
      %dma_wait3A_1869 = tpu.memref_squeeze %dma_wait3A_1868 : memref<1x160x128xf32, #tpu.memory_space<hbm>> -> memref<160x128xf32, #tpu.memory_space<hbm>>
      %dma_wait3A_1870 = arith.constant 0 : i32
      %dma_wait3A_1871 = arith.constant 0 : i32
      %dma_wait3A_1872 = tpu.memref_slice %arg5[%dma_wait3A_1856, %dma_wait3A_1870, %dma_wait3A_1871] : memref<3x208x128xf32, #tpu.memory_space<vmem>> -> memref<1x160x128xf32, #tpu.memory_space<vmem>>
      %dma_wait3A_1873 = tpu.memref_squeeze %dma_wait3A_1872 : memref<1x160x128xf32, #tpu.memory_space<vmem>> -> memref<160x128xf32, #tpu.memory_space<vmem>>
      tpu.wait_dma2 semaphore(%arg9 : memref<!tpu.dma_semaphore, #tpu.memory_space<semaphore_mem>>) src(%dma_wait3A_1873 : memref<160x128xf32, #tpu.memory_space<vmem>>) dst(%dma_wait3A_1869 : memref<160x128xf32, #tpu.memory_space<hbm>>)
    } else {
    }
    %eq3A_1803 = arith.constant 1 : i32
    %eq3A_1804 = arith.cmpi eq, %add3A, %eq3A_1803 : i32
    %convert_element_type3A_1805 = arith.extui %eq3A_1804 : i1 to i32
    %cond3A_1806 = arith.constant 0 : i32
    %cond3A_1807 = arith.cmpi ne, %convert_element_type3A_1805, %cond3A_1806 : i32
    scf.if %cond3A_1807 {
      %dma_start3A_1808 = arith.constant 0 : i32
      %dma_start3A_1809 = arith.constant 0 : i32
      %dma_start3A_1810 = arith.constant 0 : i32
      %dma_start3A_1811 = tpu.memref_slice %arg5[%dma_start3A_1808, %dma_start3A_1809, %dma_start3A_1810] : memref<3x208x128xf32, #tpu.memory_space<vmem>> -> memref<1x160x128xf32, #tpu.memory_space<vmem>>
      %dma_start3A_1812 = tpu.memref_squeeze %dma_start3A_1811 : memref<1x160x128xf32, #tpu.memory_space<vmem>> -> memref<160x128xf32, #tpu.memory_space<vmem>>
      %dma_start3A_1813 = arith.constant 99840 : i32
      %dma_start3A_1814 = arith.constant 0 : i32
      %dma_start3A_1815 = tpu.memref_slice %arg3[%dma_start3A_1813, %dma_start3A_1814] : memref<100000x128xf32, #tpu.memory_space<hbm>> -> memref<160x128xf32, #tpu.memory_space<hbm>>
      %dma_start3A_1816 = arith.constant 0 : i32
      %dma_start3A_1817 = arith.constant 0 : i32
      %dma_start3A_1818 = tpu.memref_slice %arg5[%dma_start3A_1808, %dma_start3A_1816, %dma_start3A_1817] : memref<3x208x128xf32, #tpu.memory_space<vmem>> -> memref<1x160x128xf32, #tpu.memory_space<vmem>>
      %dma_start3A_1819 = tpu.memref_squeeze %dma_start3A_1818 : memref<1x160x128xf32, #tpu.memory_space<vmem>> -> memref<160x128xf32, #tpu.memory_space<vmem>>
      %dma_start3A_1820 = arith.constant 99840 : i32
      %dma_start3A_1821 = arith.constant 0 : i32
      %dma_start3A_1822 = tpu.memref_slice %arg3[%dma_start3A_1820, %dma_start3A_1821] : memref<100000x128xf32, #tpu.memory_space<hbm>> -> memref<160x128xf32, #tpu.memory_space<hbm>>
      tpu.enqueue_dma source(%dma_start3A_1822 : memref<160x128xf32, #tpu.memory_space<hbm>>) target(%dma_start3A_1819 : memref<160x128xf32, #tpu.memory_space<vmem>>) target_semaphore(%arg6 : memref<!tpu.dma_semaphore, #tpu.memory_space<semaphore_mem>>)
      %dma_wait3A_1823 = arith.constant 0 : i32
      %dma_wait3A_1824 = arith.constant 0 : i32
      %dma_wait3A_1825 = arith.constant 0 : i32
      %dma_wait3A_1826 = tpu.memref_slice %arg5[%dma_wait3A_1823, %dma_wait3A_1824, %dma_wait3A_1825] : memref<3x208x128xf32, #tpu.memory_space<vmem>> -> memref<1x160x128xf32, #tpu.memory_space<vmem>>
      %dma_wait3A_1827 = tpu.memref_squeeze %dma_wait3A_1826 : memref<1x160x128xf32, #tpu.memory_space<vmem>> -> memref<160x128xf32, #tpu.memory_space<vmem>>
      %dma_wait3A_1828 = arith.constant 99840 : i32
      %dma_wait3A_1829 = arith.constant 0 : i32
      %dma_wait3A_1830 = tpu.memref_slice %arg3[%dma_wait3A_1828, %dma_wait3A_1829] : memref<100000x128xf32, #tpu.memory_space<hbm>> -> memref<160x128xf32, #tpu.memory_space<hbm>>
      %dma_wait3A_1831 = arith.constant 0 : i32
      %dma_wait3A_1832 = arith.constant 0 : i32
      %dma_wait3A_1833 = tpu.memref_slice %arg5[%dma_wait3A_1823, %dma_wait3A_1831, %dma_wait3A_1832] : memref<3x208x128xf32, #tpu.memory_space<vmem>> -> memref<1x160x128xf32, #tpu.memory_space<vmem>>
      %dma_wait3A_1834 = tpu.memref_squeeze %dma_wait3A_1833 : memref<1x160x128xf32, #tpu.memory_space<vmem>> -> memref<160x128xf32, #tpu.memory_space<vmem>>
      %dma_wait3A_1835 = arith.constant 99840 : i32
      %dma_wait3A_1836 = arith.constant 0 : i32
      %dma_wait3A_1837 = tpu.memref_slice %arg3[%dma_wait3A_1835, %dma_wait3A_1836] : memref<100000x128xf32, #tpu.memory_space<hbm>> -> memref<160x128xf32, #tpu.memory_space<hbm>>
      tpu.wait_dma2 semaphore(%arg6 : memref<!tpu.dma_semaphore, #tpu.memory_space<semaphore_mem>>) src(%dma_wait3A_1837 : memref<160x128xf32, #tpu.memory_space<hbm>>) dst(%dma_wait3A_1834 : memref<160x128xf32, #tpu.memory_space<vmem>>)
      %dma_start3A_1838 = arith.constant 0 : i32
      %dma_start3A_1839 = arith.constant 1 : i32
      %dma_start3A_1840 = arith.constant 0 : i32
      %dma_start3A_1841 = arith.constant 0 : i32
      %dma_start3A_1842 = tpu.memref_slice %arg5[%dma_start3A_1838, %dma_start3A_1840, %dma_start3A_1841] : memref<3x208x128xf32, #tpu.memory_space<vmem>> -> memref<1x160x128xf32, #tpu.memory_space<vmem>>
      %dma_start3A_1843 = tpu.memref_squeeze %dma_start3A_1842 : memref<1x160x128xf32, #tpu.memory_space<vmem>> -> memref<160x128xf32, #tpu.memory_space<vmem>>
      %dma_start3A_1844 = arith.constant 99840 : i32
      %dma_start3A_1845 = arith.constant 0 : i32
      %dma_start3A_1846 = tpu.memref_slice %arg4[%dma_start3A_1839, %dma_start3A_1844, %dma_start3A_1845] : memref<2x100000x128xf32, #tpu.memory_space<hbm>> -> memref<1x160x128xf32, #tpu.memory_space<hbm>>
      %dma_start3A_1847 = tpu.memref_squeeze %dma_start3A_1846 : memref<1x160x128xf32, #tpu.memory_space<hbm>> -> memref<160x128xf32, #tpu.memory_space<hbm>>
      %dma_start3A_1848 = arith.constant 99840 : i32
      %dma_start3A_1849 = arith.constant 0 : i32
      %dma_start3A_1850 = tpu.memref_slice %arg4[%dma_start3A_1839, %dma_start3A_1848, %dma_start3A_1849] : memref<2x100000x128xf32, #tpu.memory_space<hbm>> -> memref<1x160x128xf32, #tpu.memory_space<hbm>>
      %dma_start3A_1851 = tpu.memref_squeeze %dma_start3A_1850 : memref<1x160x128xf32, #tpu.memory_space<hbm>> -> memref<160x128xf32, #tpu.memory_space<hbm>>
      %dma_start3A_1852 = arith.constant 0 : i32
      %dma_start3A_1853 = arith.constant 0 : i32
      %dma_start3A_1854 = tpu.memref_slice %arg5[%dma_start3A_1838, %dma_start3A_1852, %dma_start3A_1853] : memref<3x208x128xf32, #tpu.memory_space<vmem>> -> memref<1x160x128xf32, #tpu.memory_space<vmem>>
      %dma_start3A_1855 = tpu.memref_squeeze %dma_start3A_1854 : memref<1x160x128xf32, #tpu.memory_space<vmem>> -> memref<160x128xf32, #tpu.memory_space<vmem>>
      tpu.enqueue_dma source(%dma_start3A_1855 : memref<160x128xf32, #tpu.memory_space<vmem>>) target(%dma_start3A_1851 : memref<160x128xf32, #tpu.memory_space<hbm>>) target_semaphore(%arg9 : memref<!tpu.dma_semaphore, #tpu.memory_space<semaphore_mem>>)
      %dma_wait3A_1856 = arith.constant 0 : i32
      %dma_wait3A_1857 = arith.constant 1 : i32
      %dma_wait3A_1858 = arith.constant 0 : i32
      %dma_wait3A_1859 = arith.constant 0 : i32
      %dma_wait3A_1860 = tpu.memref_slice %arg5[%dma_wait3A_1856, %dma_wait3A_1858, %dma_wait3A_1859] : memref<3x208x128xf32, #tpu.memory_space<vmem>> -> memref<1x160x128xf32, #tpu.memory_space<vmem>>
      %dma_wait3A_1861 = tpu.memref_squeeze %dma_wait3A_1860 : memref<1x160x128xf32, #tpu.memory_space<vmem>> -> memref<160x128xf32, #tpu.memory_space<vmem>>
      %dma_wait3A_1862 = arith.constant 99840 : i32
      %dma_wait3A_1863 = arith.constant 0 : i32
      %dma_wait3A_1864 = tpu.memref_slice %arg4[%dma_wait3A_1857, %dma_wait3A_1862, %dma_wait3A_1863] : memref<2x100000x128xf32, #tpu.memory_space<hbm>> -> memref<1x160x128xf32, #tpu.memory_space<hbm>>
      %dma_wait3A_1865 = tpu.memref_squeeze %dma_wait3A_1864 : memref<1x160x128xf32, #tpu.memory_space<hbm>> -> memref<160x128xf32, #tpu.memory_space<hbm>>
      %dma_wait3A_1866 = arith.constant 99840 : i32
      %dma_wait3A_1867 = arith.constant 0 : i32
      %dma_wait3A_1868 = tpu.memref_slice %arg4[%dma_wait3A_1857, %dma_wait3A_1866, %dma_wait3A_1867] : memref<2x100000x128xf32, #tpu.memory_space<hbm>> -> memref<1x160x128xf32, #tpu.memory_space<hbm>>
      %dma_wait3A_1869 = tpu.memref_squeeze %dma_wait3A_1868 : memref<1x160x128xf32, #tpu.memory_space<hbm>> -> memref<160x128xf32, #tpu.memory_space<hbm>>
      %dma_wait3A_1870 = arith.constant 0 : i32
      %dma_wait3A_1871 = arith.constant 0 : i32
      %dma_wait3A_1872 = tpu.memref_slice %arg5[%dma_wait3A_1856, %dma_wait3A_1870, %dma_wait3A_1871] : memref<3x208x128xf32, #tpu.memory_space<vmem>> -> memref<1x160x128xf32, #tpu.memory_space<vmem>>
      %dma_wait3A_1873 = tpu.memref_squeeze %dma_wait3A_1872 : memref<1x160x128xf32, #tpu.memory_space<vmem>> -> memref<160x128xf32, #tpu.memory_space<vmem>>
      tpu.wait_dma2 semaphore(%arg9 : memref<!tpu.dma_semaphore, #tpu.memory_space<semaphore_mem>>) src(%dma_wait3A_1873 : memref<160x128xf32, #tpu.memory_space<vmem>>) dst(%dma_wait3A_1869 : memref<160x128xf32, #tpu.memory_space<hbm>>)
    } else {
    }
    return
  }
}

</mosaic_0001>

<sc_bundles>
// kernel: kernel.3.cloned.1.call-start
scs
__scs_entry_jumppad:
0x0: {  	(pc) =	sbr.rel $0x88, $3  }
0x1: {  	(tag) =	ssettag $0x0;
	lr =	simm.s32 $0x1  }
0x2: {  	[smem:$0x3F9F] =	sst lr;
	_ =	strace $0xD0000000  }
0x3: {  	_ = 	snop  }
0x4: {  	_ = 	snop  }
0x5: {  	_ = 	snop  }
0x6: {  	_ = 	snop  }
0x7: {  	_ = 	snop  }
__scs_overlays_trampoline_lowered:
0x8: {  	[smem:$0x3FAE] =	sst s0  }
0x9: {  	[smem:$0x3FAF] =	sst s1  }
0xa: {  	[smem:$0x3FB0] =	sst s2  }
0xb: {  	[smem:$0x3FB1] =	sst s3  }
0xc: {  	[smem:$0x3FB2] =	sst s4  }
0xd: {  	[smem:$0x3FB3] =	sst s5  }
0xe: {  	[smem:$0x3FB4] =	sst s6  }
0xf: {  	[smem:$0x3FB5] =	sst s7  }
0x10: {  	[smem:$0x3FB6] =	sst s8  }
0x11: {  	[smem:$0x3FB7] =	sst s9;
	s0 =	simm.s32 @!p0 $0x0  }
0x12: {  	s1 =	sld [smem:$0x3F9D];
	s0 =	simm.s32 @p0 $0x1  }
0x13: {  	[smem:$0x3FB8] =	sst s0;
	s0 =	simm.s32 @!p1 $0x0  }
0x14: {  	s2 =	sld [smem:$0x3F9C];
	s0 =	simm.s32 @p1 $0x1  }
0x15: {  	[smem:$0x3FB9] =	sst s0;
	s0 =	simm.s32 @!p2 $0x0  }
0x16: {  	s3 =	sld [smem:$0x3FDB];
	s0 =	simm.s32 @p2 $0x1  }
0x17: {  	s4 =	simm.s32 $0x1BF5;
	[smem:$0x3FBB] =	sst s0  }
0x18: {  	s0 =	sld [smem:$0x3F9E];
	_ =	swait.ge [sflag:s4], $0x0  }
0x19: {  	s7 =	sld [smem:$0x3F9F]  }
0x1a: {  	s8 =	sadd.s32 $0xFFFFE003, lr  }
0x1b: {  	s9 =	sadd.s32 $0xFFFFFEF7, lr;
	s5 =	simm.s32 $0xFFFFFFFF;
	p2 =	slt.u32 s8, $0xFFFFF086  }
0x1c: {  	p1 =	slt.u32 s9, $0xF7A;
	s5 =	simm.s32 @!p2 $0x0  }
0x1d: {  	s5 =	simm.s32 @p1 $0x1;
	p0 =	seq.s32 s7, s2  }
0x1e: {  	s7 =	smul.u32 @!p0 $0xF7A, s2;
	p2 =	seq.s32 @!p0 s5, $0x0  }
0x1f: {  	s9 =	smul.u32 $0xF7A, s1;
	s8 =	simm.s32 @!p0 $0x1BF5;
	p2 =	por !p2, p0  }
0x20: {  	[sflag:s8] =	ssyncset.s32 @!p0 $0xFFFFF086;
	s6 =	sadd.s32 @!p0 s3, s7;
	s7 =	simm.s32 @!p0 $0x108  }
0x21: {  	s3 =	sadd.s32 s3, s9;
	s6 =	sadd.s32 @!p0 $0x88, s6;
	s7 =	simm.s32 @p2 $0x1082  }
0x22: {  	[simem:s7], [sflag:s8] =	dma.local @!p0 [hbm:s6], $0xF7A  }
0x23: {  	s9 =	sor.u32 $0xD0000000, s2;
	s6 =	simm.s32 $0x108;
	_ =	swait.ge @!p0 [sflag:s8], $0x0  }
0x24: {  	s3 =	sadd.s32 $0x88, s3;
	s6 =	simm.s32 @!p1 $0x1082;
	[sflag:s4] =	ssyncset.s32 $0xFFFFF086  }
0x25: {  	[simem:s6], [sflag:s4] =	dma.local [hbm:s3], $0xF7A  }
0x26: {  	[smem:$0x3F9F] =	sst s1;
	(tag) =	ssettag s2;
	_ =	strace s9  }
0x27: {  	s1 =	sld [smem:$0x3FAF]  }
0x28: {  	s2 =	sld [smem:$0x3FB0]  }
0x29: {  	s4 =	sld [smem:$0x3FB2]  }
0x2a: {  	p0 =	seq.s32 s5, $0x0;
	s5 =	sld [smem:$0x3FB3]  }
0x2b: {  	s6 =	sld [smem:$0x3FB4]  }
0x2c: {  	s7 =	sld [smem:$0x3FB5]  }
0x2d: {  	s3 =	simm.s32 $0x108;
	s8 =	sld [smem:$0x3FB6]  }
0x2e: {  	s3 =	simm.s32 @!p0 $0x1082;
	s9 =	sld [smem:$0x3FB7]  }
0x2f: {  	lr =	sadd.s32 s0, s3;
	s0 =	sld [smem:$0x3FAE]  }
0x30: {  	s3 =	sld [smem:$0x3FB1]  }
0x31: {  	[smem:$0x3FBA] =	sst s10  }
0x32: {  	s10 =	sld [smem:$0x3FB8];
	_ =	sdelay $0x3  }
0x33: {  	p0 =	seq.s32 s10, $0x1;
	s10 =	sld [smem:$0x3FBA];
	_ =	sdelay $0x3  }
0x34: {  	[smem:$0x3FBA] =	sst s10  }
0x35: {  	s10 =	sld [smem:$0x3FB9];
	_ =	sdelay $0x3  }
0x36: {  	p1 =	seq.s32 s10, $0x1;
	s10 =	sld [smem:$0x3FBA];
	_ =	sdelay $0x3  }
0x37: {  	[smem:$0x3FBA] =	sst s10  }
0x38: {  	s10 =	sld [smem:$0x3FBB]  }
0x39: {  	_ = 	snop;
	(pc) =	sbr.ind lr, $3  }
0x3a: {  	_ = 	snop  }
0x3b: {  	_ = 	snop  }
0x3c: {  	p2 =	seq.s32 s10, $0x1;
	s10 =	sld [smem:$0x3FBA]  }
0x3d: {  	_ =	shalt  }
0x3e: {  	_ =	shalt  }
0x3f: {  	_ =	shalt  }
0x40: {  	_ =	shalt  }
0x41: {  	_ =	shalt  }
0x42: {  	_ =	shalt  }
0x43: {  	_ =	shalt  }
0x44: {  	_ =	shalt  }
0x45: {  	_ =	shalt  }
0x46: {  	_ =	shalt  }
0x47: {  	_ =	shalt  }
0x48: {  	_ =	shalt  }
0x49: {  	_ =	shalt  }
0x4a: {  	_ =	shalt  }
0x4b: {  	_ =	shalt  }
0x4c: {  	_ =	shalt  }
0x4d: {  	_ =	shalt  }
0x4e: {  	_ =	shalt  }
0x4f: {  	_ =	shalt  }
0x50: {  	_ =	shalt  }
0x51: {  	_ =	shalt  }
0x52: {  	_ =	shalt  }
0x53: {  	_ =	shalt  }
0x54: {  	_ =	shalt  }
0x55: {  	_ =	shalt  }
0x56: {  	_ =	shalt  }
0x57: {  	_ =	shalt  }
0x58: {  	_ =	shalt  }
0x59: {  	_ =	shalt  }
0x5a: {  	_ =	shalt  }
0x5b: {  	_ =	shalt  }
0x5c: {  	_ =	shalt  }
0x5d: {  	_ =	shalt  }
0x5e: {  	_ =	shalt  }
0x5f: {  	_ =	shalt  }
0x60: {  	_ =	shalt  }
0x61: {  	_ =	shalt  }
0x62: {  	_ =	shalt  }
0x63: {  	_ =	shalt  }
0x64: {  	_ =	shalt  }
0x65: {  	_ =	shalt  }
0x66: {  	_ =	shalt  }
0x67: {  	_ =	shalt  }
0x68: {  	_ =	shalt  }
0x69: {  	_ =	shalt  }
0x6a: {  	_ =	shalt  }
0x6b: {  	_ =	shalt  }
0x6c: {  	_ =	shalt  }
0x6d: {  	_ =	shalt  }
0x6e: {  	_ =	shalt  }
0x6f: {  	_ =	shalt  }
0x70: {  	_ =	shalt  }
0x71: {  	_ =	shalt  }
0x72: {  	_ =	shalt  }
0x73: {  	_ =	shalt  }
0x74: {  	_ =	shalt  }
0x75: {  	_ =	shalt  }
0x76: {  	_ =	shalt  }
0x77: {  	_ =	shalt  }
0x78: {  	_ =	shalt  }
0x79: {  	_ =	shalt  }
0x7a: {  	_ =	shalt  }
0x7b: {  	_ =	shalt  }
0x7c: {  	_ =	shalt  }
0x7d: {  	_ =	shalt  }
0x7e: {  	_ =	shalt  }
0x7f: {  	_ =	shalt  }
0x80: {  	_ =	shalt  }
0x81: {  	_ =	shalt  }
0x82: {  	_ =	shalt  }
0x83: {  	_ =	shalt  }
0x84: {  	_ =	shalt  }
0x85: {  	_ =	shalt  }
0x86: {  	_ =	shalt  }
0x87: {  	_ =	shalt  }
.Lfunc_end0:
.L_simem_size_0:
called_computation_lowered:
.L_overlay_start_0:
0x88: {  	s2 =	sld [smem:$0x3FD9]  }
0x89: {  	s3 =	sld [smem:$0x3FFE];
	_ =	sdelay $0x1  }
0x8a: {  	s1 =	srdreg.scid  }
0x8b: {  	s0 =	sand.u32 $0x1, s1  }
0x8c: {  	s18 =	sshll.u32 s0, $0xA;
	s2 =	sadd.s32 s3, s2  }
0x8d: {  	s2 =	sadd.s32 s2, s18  }
0x8e: {  	[smem:$0x3FC6] =	sst s2  }
0x8f: {  	_ = 	snop  }
0x90: {  	s2 =	sld [smem:$0x3FC9]  }
0x91: {  	s19 =	sld [smem:$0x3FC8]  }
0x92: {  	s4 =	sld [smem:$0x3FD0];
	(tm) =	ssettm $0x1  }
0x93: {  	s5 =	sld [smem:$0x3FFB];
	_ =	sdelay $0x3  }
0x94: {  	_ =	strace s5  }
0x95: {  	s5 =	sld [smem:$0x3FFC];
	_ =	sdelay $0x3  }
0x96: {  	_ =	strace s5  }
0x97: {  	s5 =	sld [smem:$0x3FFD];
	_ =	sdelay $0x3  }
0x98: {  	_ =	strace s5  }
0x99: {  	_ =	strace $0x8FFFFFFF  }
0x9a: {  	s20 =	sld [smem:$0x3FDB];
	_ =	sdelay $0x1  }
0x9b: {  	s6 =	simm.s32 $_scs_section_size  }
0x9c: {  	s7 =	simm.s32 $_size__tile_overlayer_lowered;
	s8 =	simm.s32 $_tile_overlayer_lowered  }
0x9d: {  	s23 =	simm.s32 $0x1BFF;
	s22 =	sshll.u32 s8, $0x1;
	s5 =	sadd.s32 s6, s20  }
0x9e: {  	s9 =	simm.s32 $0x0;
	s21 =	sshll.u32 s7, $0x1;
	s7 =	sadd.s32 s22, s5  }
0x9f: {  	[timem:s9], [sflag:s23] =	dma.local [hbm:s7], s21  }
0xa0: {  	_ =	swait.ge [sflag:s23], s21  }
0xa1: {  	s6 =	ssub.s32 $0x0, s21;
	[sflag:s23] =	ssyncset.done $0x0  }
0xa2: {  	[sflag:s23] =	ssyncadd.s32 s6;
	_ =	sdelay $0x1  }
0xa3: {  	s24 =	simm.s32 $0x1B8B  }
0xa4: {  	_ =	swait.ge [sflag:s24], $0x1  }
0xa5: {  	[sflag:s24] =	ssyncset.done $0x0  }
0xa6: {  	s25 =	simm.s32 $0x1B8E;
	[sflag:s24] =	ssyncadd.s32 $0xFFFFFFFF  }
0xa7: {  	s26 =	simm.s32 $execute0_lowered;
	[smem:$0x3FD2] =	sst s25  }
0xa8: {  	s6 =	sshll.u32 s26, $0x1;
	_ =	strace $0x80000046;
	[dreg:$0x1] =	wrdreg $0xFFFFFFFF  }
0xa9: {  	s28 =	simm.s32 $_size_execute0_lowered;
	s5 =	sadd.s32 s5, s6;
	[dreg:$0x0] =	wrdreg $0x0  }
0xaa: {  	s6 =	sshll.u32 s28, $0x1;
	[dreg:$0x2] =	wrdreg s5  }
0xab: {  	[dreg:$0x3] =	wrdreg s6  }
0xac: {  	[dreg:$0x4] =	wrdreg $0xC0  }
0xad: {  	_ =	task [dreg:s9], $0x5FFFF  }
0xae: {  	[dreg:$0x1] =	wrdreg $0xFFFFFFFF  }
0xaf: {  	[dreg:$0x0] =	wrdreg $0x60  }
0xb0: {  	[dreg:$0x2] =	wrdreg s2  }
0xb1: {  	[dreg:$0x3] =	wrdreg s19  }
0xb2: {  	[dreg:$0x4] =	wrdreg s4  }
0xb3: {  	[dreg:$0x5] =	wrdreg $0x9  }
0xb4: {  	_ =	task.clear_ibuf [dreg:s9], $0x6FFFF;
	_ =	strace $0x90000046  }
0xb5: {  	s29 =	simm.s32 $0x9;
	_ =	strace $0x80000048  }
0xb6: {  	_ =	swait.ge [sflag:s29], $0x1  }
0xb7: {  	[sflag:s29] =	ssyncadd.s32 $0xFFFFFFFF  }
0xb8: {  	_ =	strace $0x90000048  }
0xb9: {  	_ =	sfence  }
0xba: {  	s30 =	sld [smem:$0x0];
	_ =	sdelay $0x2  }
0xbb: {  	s31 =	sshll.u32 s1, $0xD;
	s1 =	sshrl.u32 s1, $0x2  }
0xbc: {  	s3 =	sand.u32 $0x4000, s31;
	s1 =	sadd.s32 s1, s30  }
0xbd: {  	s0 =	sor.u32 s3, s0;
	s1 =	sshll.u32 s1, $0x11  }
0xbe: {  	s0 =	sor.u32 s1, s0  }
0xbf: {  	s0 =	sadd.s32 $0x8F2B, s0  }
0xc0: {  	[sflag:s0] =	ssyncadd.remote.s32 $0x1  }
0xc1: {  	_ =	sfence.sel $0xFFFF  }
0xc2: {  	[dreg:$0x0] =	wrdreg $0xFFFFFFFF;
	(pc) =	sbr.abs _section_cstart, $3  }
0xc3: {  	[dreg:$0x1] =	wrdreg $0xFFFFFFFF  }
0xc4: {  	_ =	task.clear_ibuf [dreg:s9], $0x2FFFF;
	_ =	strace $0x9FFFFFFF  }
0xc5: {  	(tm) =	ssettm $0x7FFFFFFF  }
tec
execute0_lowered:
.L_overlay_start_1:
0x0: {  	(tag) =	ssettag $0x1  }
0x1: {  	s0 =	srdreg.scid;
	s2 =	stileid.u32  }
0x2: {  	s29 =	rddreg [dreg:$0x0];
	s1 =	sand.u32 $0x1, s0;
	s23 =	sshll.u32 s2, $0x1  }
0x3: {  	s18 =	rddreg [dreg:$0x1];
	s2 =	sor.u32 s1, s23  }
0x4: {  	s4 =	simm.s32 $0x0;
	s0 =	rddreg [dreg:$0x2];
	s3 =	smul.u32 $0x61800, s2  }
0x5: {  	[smem:$0x7FF] =	sst s4  }
0x6: {  	_ =	strace $0x80000047;
	p0 =	seq.s32 s2, $0x0;
	s3 =	sshrl.u32 s3, $0x3  }
0x7: {  	p1 =	sne.s32 s2, $0x1;
	s6 =	sadd.s32 $0xD00, s3;
	s24 =	sadd.s32 s29, s3  }
0x8: {  	s26 =	sadd.s32 $0x1A00, s3;
	s7 =	sadd.s32 s0, s3;
	s8 =	sadd.s32 $0x2700, s3  }
0x9: {  	s10 =	sadd.s32 $0x4100, s3;
	[dreg:$0x4] =	wrdreg s24;
	s25 =	sadd.s32 s29, s6  }
0xa: {  	s11 =	sadd.s32 $0x4E00, s3;
	s9 =	sadd.s32 s0, s6;
	[dreg:$0x5] =	wrdreg s25  }
0xb: {  	s12 =	sadd.s32 $0x5B00, s3;
	s6 =	sadd.s32 s18, s6;
	[dreg:$0x6] =	wrdreg s9  }
0xc: {  	s13 =	sadd.s32 $0x6800, s3;
	s19 =	sadd.s32 s29, s26;
	[dreg:$0x8] =	wrdreg s6  }
0xd: {  	s14 =	sadd.s32 $0x7500, s3;
	s20 =	sadd.s32 s0, s26;
	[dreg:$0x9] =	wrdreg s19  }
0xe: {  	s15 =	sadd.s32 $0x8200, s3;
	s21 =	sadd.s32 s18, s26;
	[dreg:$0xa] =	wrdreg s20  }
0xf: {  	s16 =	sadd.s32 $0x8F00, s3;
	s22 =	sadd.s32 s29, s8;
	[dreg:$0xb] =	wrdreg s21  }
0x10: {  	s17 =	sadd.s32 $0x9C00, s3;
	s23 =	sadd.s32 s0, s8;
	[dreg:$0xc] =	wrdreg s22  }
0x11: {  	s2 =	sadd.s32 $0xB600, s3;
	s24 =	sadd.s32 s18, s8;
	[dreg:$0xd] =	wrdreg s23  }
0x12: {  	s8 =	sadd.s32 s29, s10;
	s9 =	sadd.s32 $0x3400, s3;
	[dreg:$0xe] =	wrdreg s24  }
0x13: {  	s25 =	sadd.s32 $0xA900, s3;
	s3 =	sadd.s32 s18, s3;
	[dreg:$0x12] =	wrdreg s8  }
0x14: {  	s19 =	sadd.s32 s29, s11;
	[dreg:$0x7] =	wrdreg s3  }
0x15: {  	s20 =	sadd.s32 s0, s11;
	[dreg:$0x15] =	wrdreg s19  }
0x16: {  	s21 =	sadd.s32 s18, s11;
	[dreg:$0x16] =	wrdreg s20  }
0x17: {  	s22 =	sadd.s32 s29, s12;
	[dreg:$0x17] =	wrdreg s21  }
0x18: {  	s23 =	sadd.s32 s0, s12;
	[dreg:$0x18] =	wrdreg s22  }
0x19: {  	s1 =	ssub.s32 $0x2, s1;
	s24 =	sadd.s32 s18, s12;
	[dreg:$0x19] =	wrdreg s23  }
0x1a: {  	s5 =	sshrl.u32 s1, $0x1;
	s8 =	sadd.s32 s29, s14;
	[dreg:$0x1a] =	wrdreg s24  }
0x1b: {  	s1 =	ssub.s32 s1, s5;
	s11 =	sadd.s32 s29, s15;
	[dreg:$0x1e] =	wrdreg s8  }
0x1c: {  	s1 =	smax.u32 s1, $0x1;
	s12 =	sadd.s32 s0, s15;
	[smem:$0x7F0] =	sst s11  }
0x1d: {  	s28 =	sadd.s32 $0x18C500, s7;
	s26 =	sadd.s32 s29, s9;
	[smem:$0x7F1] =	sst s12  }
0x1e: {  	s30 =	sadd.s32 $0x18D200, s7;
	s5 =	sadd.s32 s0, s9;
	[dreg:$0xf] =	wrdreg s26  }
0x1f: {  	s31 =	sadd.s32 $0x18DF00, s7;
	s6 =	sadd.s32 s18, s9;
	[dreg:$0x10] =	wrdreg s5  }
0x20: {  	s9 =	sadd.s32 s0, s10;
	s10 =	sadd.s32 s18, s10;
	[dreg:$0x11] =	wrdreg s6  }
0x21: {  	s19 =	sadd.s32 s0, s17;
	s20 =	sadd.s32 s0, s25;
	[dreg:$0x13] =	wrdreg s9  }
0x22: {  	s21 =	sadd.s32 s0, s2;
	s22 =	sadd.s32 $0x30CA00, s0;
	[dreg:$0x14] =	wrdreg s10  }
0x23: {  	s23 =	sadd.s32 s29, s17;
	s24 =	sadd.s32 $0x186A00, s7;
	[smem:$0x7F6] =	sst s19  }
0x24: {  	s3 =	sadd.s32 $0x18F900, s7;
	s8 =	sadd.s32 $0x192000, s7;
	[smem:$0x7F7] =	sst s20  }
0x25: {  	s11 =	simm.s32 $0x1;
	s12 =	simm.s32 $0x4;
	[smem:$0x7F8] =	sst s21  }
0x26: {  	s26 =	sadd.s32 s29, s13;
	s5 =	sadd.s32 s0, s13;
	[smem:$0x7F9] =	sst s22  }
0x27: {  	s6 =	sadd.s32 s18, s13;
	s9 =	sadd.s32 s0, s14;
	[smem:$0x7FB] =	sst s23  }
0x28: {  	s10 =	sadd.s32 s18, s14;
	s13 =	sadd.s32 s18, s15;
	[smem:$0x7FC] =	sst s24  }
0x29: {  	s14 =	sadd.s32 s29, s16;
	s15 =	sadd.s32 s0, s16;
	[dreg:$0x1b] =	wrdreg s26  }
0x2a: {  	s16 =	sadd.s32 s18, s16;
	s0 =	sadd.s32 $0x186000, s0;
	[dreg:$0x1c] =	wrdreg s5  }
0x2b: {  	s20 =	sadd.s32 $0x188400, s7;
	s21 =	sadd.s32 $0x189100, s7;
	[dreg:$0x1d] =	wrdreg s6  }
0x2c: {  	s19 =	sadd.s32 s18, s17;
	s23 =	sadd.s32 $0x189E00, s7;
	[smem:$0x7EF] =	sst s10  }
0x2d: {  	s22 =	sadd.s32 s29, s25;
	s24 =	sadd.s32 $0x18AB00, s7;
	[smem:$0x7F2] =	sst s13  }
0x2e: {  	s25 =	sadd.s32 s18, s25;
	s29 =	sadd.s32 s29, s2;
	[smem:$0x7F3] =	sst s14  }
0x2f: {  	s2 =	sadd.s32 s18, s2;
	s17 =	simm.s32 $0x6;
	[smem:$0x7F4] =	sst s15  }
.Ltmp0:
0x30: {  	[smem:$0x7FA] =	sst s0;
	s26 =	sadd.s32 $0x187700, s7;
	(pc) =	sbr.rel .LBB2_1-.Ltmp0, $4  }
0x31: {  	[dreg:$0x1f] =	wrdreg s9;
	s0 =	sadd.s32 $0x18EC00, s7;
	s5 =	sadd.s32 $0x190600, s7  }
0x32: {  	[smem:$0x7F5] =	sst s16;
	s6 =	sadd.s32 $0x191300, s7;
	s9 =	simm.s32 $0x6800  }
0x33: {  	s10 =	simm.s32 $0xD000;
	s13 =	simm.s32 $0x2;
	s14 =	simm.s32 $0x5  }
0x34: {  	s16 =	simm.s32 $0x3;
	[smem:$0x7FD] =	sst s26;
	s26 =	sadd.s32 $0x18B800, s7  }
.LBB2_4:
0x35: {  	s18 =	sadd.s32 $0x186000, s18  }
0x36: {  	[tilespmem:s4], [sflag:$0x1] =	stream.linear.gather [hbm4b:s18+s4], $0x5000, $0x38;
	[tilespmem:$0x13800] =	vst v63  }
0x37: {  	_ =	swait.ge [sflag:s11], $0x5000  }
0x38: {  	[sflag:s11] =	ssyncset.done $0x0  }
0x39: {  	[sflag:s11] =	ssyncadd.s32 $0xFFFFB000  }
0x3a: {  	[hbm4b:s15+s4] =	stream.linear.scatter [tilespmem:s4], [sflag:$0x4], $0x5000, $0x38;
	[tilespmem:$0x13800] =	vst v63  }
0x3b: {  	_ =	swait.ge [sflag:s12], $0x5000  }
0x3c: {  	[sflag:s12] =	ssyncset.done $0x0  }
0x3d: {  	[sflag:s12] =	ssyncadd.s32 $0xFFFFB000  }
.LBB2_5:
0x3e: {  	s1 =	sadd.s32 $0xFFFFFFFF, s1  }
0x3f: {  	p2 =	sne.s32 s1, $0x0  }
.Ltmp1:
0x40: {  	_ = 	snop;
	(pc) =	sbr.rel @!p2 .LBB2_6-.Ltmp1, $1  }
0x41: {  	_ =	sdelay $0x3  }
.LBB2_1:
0x42: {  	s15 =	rddreg [dreg:$0x4]  }
0x43: {  	[tilespmem:s4], [sflag:$0x1] =	stream.linear.gather [hbm4b:s15+s4], $0x6800, $0x38;
	[tilespmem:$0x13800] =	vst v63  }
0x44: {  	s18 =	rddreg [dreg:$0x5]  }
0x45: {  	[tilespmem:s9], [sflag:$0x2] =	stream.linear.gather [hbm4b:s18+s4], $0x6800, $0x38;
	[tilespmem:$0x13800] =	vst v63  }
0x46: {  	s18 =	rddreg [dreg:$0x9]  }
0x47: {  	[tilespmem:s10], [sflag:$0x3] =	stream.linear.gather [hbm4b:s18+s4], $0x6800, $0x38;
	[tilespmem:$0x13800] =	vst v63  }
0x48: {  	_ =	swait.ge [sflag:s11], $0x6800  }
0x49: {  	[sflag:s11] =	ssyncset.done $0x0  }
0x4a: {  	[sflag:s11] =	ssyncadd.s32 $0xFFFF9800  }
0x4b: {  	[hbm4b:s7+s4] =	stream.linear.scatter [tilespmem:s4], [sflag:$0x4], $0x6800, $0x38;
	[tilespmem:$0x13800] =	vst v63  }
0x4c: {  	_ =	swait.ge [sflag:s12], $0x6800  }
0x4d: {  	[sflag:s12] =	ssyncset.done $0x0  }
0x4e: {  	s18 =	rddreg [dreg:$0xc];
	[sflag:s12] =	ssyncadd.s32 $0xFFFF9800  }
0x4f: {  	[tilespmem:s4], [sflag:$0x1] =	stream.linear.gather [hbm4b:s18+s4], $0x6800, $0x38;
	[tilespmem:$0x13800] =	vst v63  }
0x50: {  	_ =	swait.ge [sflag:s13], $0x6800  }
0x51: {  	[sflag:s13] =	ssyncset.done $0x0  }
0x52: {  	s18 =	rddreg [dreg:$0x6];
	[sflag:s13] =	ssyncadd.s32 $0xFFFF9800  }
0x53: {  	[hbm4b:s18+s4] =	stream.linear.scatter [tilespmem:s9], [sflag:$0x5], $0x6800, $0x38;
	[tilespmem:$0x13800] =	vst v63  }
0x54: {  	_ =	swait.ge [sflag:s14], $0x6800  }
0x55: {  	[sflag:s14] =	ssyncset.done $0x0  }
0x56: {  	s18 =	rddreg [dreg:$0xf];
	[sflag:s14] =	ssyncadd.s32 $0xFFFF9800  }
0x57: {  	[tilespmem:s9], [sflag:$0x2] =	stream.linear.gather [hbm4b:s18+s4], $0x6800, $0x38;
	[tilespmem:$0x13800] =	vst v63  }
0x58: {  	_ =	swait.ge [sflag:s16], $0x6800  }
0x59: {  	[sflag:s16] =	ssyncset.done $0x0  }
0x5a: {  	s18 =	rddreg [dreg:$0xa];
	[sflag:s16] =	ssyncadd.s32 $0xFFFF9800  }
0x5b: {  	[hbm4b:s18+s4] =	stream.linear.scatter [tilespmem:s10], [sflag:$0x6], $0x6800, $0x38;
	[tilespmem:$0x13800] =	vst v63  }
0x5c: {  	_ =	swait.ge [sflag:s17], $0x6800  }
0x5d: {  	[sflag:s17] =	ssyncset.done $0x0  }
0x5e: {  	s18 =	rddreg [dreg:$0x12];
	[sflag:s17] =	ssyncadd.s32 $0xFFFF9800  }
0x5f: {  	[tilespmem:s10], [sflag:$0x3] =	stream.linear.gather [hbm4b:s18+s4], $0x6800, $0x38;
	[tilespmem:$0x13800] =	vst v63  }
0x60: {  	_ =	swait.ge [sflag:s11], $0x6800  }
0x61: {  	[sflag:s11] =	ssyncset.done $0x0  }
0x62: {  	s18 =	rddreg [dreg:$0xd];
	[sflag:s11] =	ssyncadd.s32 $0xFFFF9800  }
0x63: {  	[hbm4b:s18+s4] =	stream.linear.scatter [tilespmem:s4], [sflag:$0x4], $0x6800, $0x38;
	[tilespmem:$0x13800] =	vst v63  }
0x64: {  	_ =	swait.ge [sflag:s12], $0x6800  }
0x65: {  	[sflag:s12] =	ssyncset.done $0x0  }
0x66: {  	s18 =	rddreg [dreg:$0x15];
	[sflag:s12] =	ssyncadd.s32 $0xFFFF9800  }
0x67: {  	[tilespmem:s4], [sflag:$0x1] =	stream.linear.gather [hbm4b:s18+s4], $0x6800, $0x38;
	[tilespmem:$0x13800] =	vst v63  }
0x68: {  	_ =	swait.ge [sflag:s13], $0x6800  }
0x69: {  	[sflag:s13] =	ssyncset.done $0x0  }
0x6a: {  	s18 =	rddreg [dreg:$0x10];
	[sflag:s13] =	ssyncadd.s32 $0xFFFF9800  }
0x6b: {  	[hbm4b:s18+s4] =	stream.linear.scatter [tilespmem:s9], [sflag:$0x5], $0x6800, $0x38;
	[tilespmem:$0x13800] =	vst v63  }
0x6c: {  	_ =	swait.ge [sflag:s14], $0x6800  }
0x6d: {  	[sflag:s14] =	ssyncset.done $0x0  }
0x6e: {  	s18 =	rddreg [dreg:$0x18];
	[sflag:s14] =	ssyncadd.s32 $0xFFFF9800  }
0x6f: {  	[tilespmem:s9], [sflag:$0x2] =	stream.linear.gather [hbm4b:s18+s4], $0x6800, $0x38;
	[tilespmem:$0x13800] =	vst v63  }
0x70: {  	_ =	swait.ge [sflag:s16], $0x6800  }
0x71: {  	[sflag:s16] =	ssyncset.done $0x0  }
0x72: {  	s18 =	rddreg [dreg:$0x13];
	[sflag:s16] =	ssyncadd.s32 $0xFFFF9800  }
0x73: {  	[hbm4b:s18+s4] =	stream.linear.scatter [tilespmem:s10], [sflag:$0x6], $0x6800, $0x38;
	[tilespmem:$0x13800] =	vst v63  }
0x74: {  	_ =	swait.ge [sflag:s17], $0x6800  }
0x75: {  	[sflag:s17] =	ssyncset.done $0x0  }
0x76: {  	s18 =	rddreg [dreg:$0x1b];
	[sflag:s17] =	ssyncadd.s32 $0xFFFF9800  }
0x77: {  	[tilespmem:s10], [sflag:$0x3] =	stream.linear.gather [hbm4b:s18+s4], $0x6800, $0x38;
	[tilespmem:$0x13800] =	vst v63  }
0x78: {  	_ =	swait.ge [sflag:s11], $0x6800  }
0x79: {  	[sflag:s11] =	ssyncset.done $0x0  }
0x7a: {  	s18 =	rddreg [dreg:$0x16];
	[sflag:s11] =	ssyncadd.s32 $0xFFFF9800  }
0x7b: {  	[hbm4b:s18+s4] =	stream.linear.scatter [tilespmem:s4], [sflag:$0x4], $0x6800, $0x38;
	[tilespmem:$0x13800] =	vst v63  }
0x7c: {  	_ =	swait.ge [sflag:s12], $0x6800  }
0x7d: {  	[sflag:s12] =	ssyncset.done $0x0  }
0x7e: {  	s18 =	rddreg [dreg:$0x1e];
	[sflag:s12] =	ssyncadd.s32 $0xFFFF9800  }
0x7f: {  	[tilespmem:s4], [sflag:$0x1] =	stream.linear.gather [hbm4b:s18+s4], $0x6800, $0x38;
	[tilespmem:$0x13800] =	vst v63  }
0x80: {  	_ =	swait.ge [sflag:s13], $0x6800  }
0x81: {  	[sflag:s13] =	ssyncset.done $0x0  }
0x82: {  	s18 =	rddreg [dreg:$0x19];
	[sflag:s13] =	ssyncadd.s32 $0xFFFF9800  }
0x83: {  	[hbm4b:s18+s4] =	stream.linear.scatter [tilespmem:s9], [sflag:$0x5], $0x6800, $0x38;
	[tilespmem:$0x13800] =	vst v63  }
0x84: {  	_ =	swait.ge [sflag:s14], $0x6800  }
0x85: {  	s18 =	sld [smem:$0x7F0]  }
0x86: {  	[sflag:s14] =	ssyncset.done $0x0  }
0x87: {  	[sflag:s14] =	ssyncadd.s32 $0xFFFF9800  }
0x88: {  	[tilespmem:s9], [sflag:$0x2] =	stream.linear.gather [hbm4b:s18+s4], $0x6800, $0x38;
	[tilespmem:$0x13800] =	vst v63  }
0x89: {  	_ =	swait.ge [sflag:s16], $0x6800  }
0x8a: {  	[sflag:s16] =	ssyncset.done $0x0  }
0x8b: {  	s18 =	rddreg [dreg:$0x1c];
	[sflag:s16] =	ssyncadd.s32 $0xFFFF9800  }
0x8c: {  	[hbm4b:s18+s4] =	stream.linear.scatter [tilespmem:s10], [sflag:$0x6], $0x6800, $0x38;
	[tilespmem:$0x13800] =	vst v63  }
0x8d: {  	_ =	swait.ge [sflag:s17], $0x6800  }
0x8e: {  	s18 =	sld [smem:$0x7F3]  }
0x8f: {  	[sflag:s17] =	ssyncset.done $0x0  }
0x90: {  	[sflag:s17] =	ssyncadd.s32 $0xFFFF9800  }
0x91: {  	[tilespmem:s10], [sflag:$0x3] =	stream.linear.gather [hbm4b:s18+s4], $0x6800, $0x38;
	[tilespmem:$0x13800] =	vst v63  }
0x92: {  	_ =	swait.ge [sflag:s11], $0x6800  }
0x93: {  	[sflag:s11] =	ssyncset.done $0x0  }
0x94: {  	s18 =	rddreg [dreg:$0x1f];
	[sflag:s11] =	ssyncadd.s32 $0xFFFF9800  }
0x95: {  	[hbm4b:s18+s4] =	stream.linear.scatter [tilespmem:s4], [sflag:$0x4], $0x6800, $0x38;
	[tilespmem:$0x13800] =	vst v63  }
0x96: {  	_ =	swait.ge [sflag:s12], $0x6800  }
0x97: {  	s18 =	sld [smem:$0x7FB]  }
0x98: {  	[sflag:s12] =	ssyncset.done $0x0  }
0x99: {  	[sflag:s12] =	ssyncadd.s32 $0xFFFF9800  }
0x9a: {  	[tilespmem:s4], [sflag:$0x1] =	stream.linear.gather [hbm4b:s18+s4], $0x6800, $0x38;
	[tilespmem:$0x13800] =	vst v63  }
0x9b: {  	_ =	swait.ge [sflag:s13], $0x6800  }
0x9c: {  	s18 =	sld [smem:$0x7F1]  }
0x9d: {  	[sflag:s13] =	ssyncset.done $0x0  }
0x9e: {  	[sflag:s13] =	ssyncadd.s32 $0xFFFF9800  }
0x9f: {  	[hbm4b:s18+s4] =	stream.linear.scatter [tilespmem:s9], [sflag:$0x5], $0x6800, $0x38;
	[tilespmem:$0x13800] =	vst v63  }
0xa0: {  	_ =	swait.ge [sflag:s14], $0x6800  }
0xa1: {  	[sflag:s14] =	ssyncset.done $0x0  }
0xa2: {  	[sflag:s14] =	ssyncadd.s32 $0xFFFF9800  }
0xa3: {  	[tilespmem:s9], [sflag:$0x2] =	stream.linear.gather [hbm4b:s22+s4], $0x6800, $0x38;
	[tilespmem:$0x13800] =	vst v63  }
0xa4: {  	_ =	swait.ge [sflag:s16], $0x6800  }
0xa5: {  	s18 =	sld [smem:$0x7F4]  }
0xa6: {  	[sflag:s16] =	ssyncset.done $0x0  }
0xa7: {  	[sflag:s16] =	ssyncadd.s32 $0xFFFF9800  }
0xa8: {  	[hbm4b:s18+s4] =	stream.linear.scatter [tilespmem:s10], [sflag:$0x6], $0x6800, $0x38;
	[tilespmem:$0x13800] =	vst v63  }
0xa9: {  	_ =	swait.ge [sflag:s17], $0x6800  }
0xaa: {  	[sflag:s17] =	ssyncset.done $0x0  }
0xab: {  	[sflag:s17] =	ssyncadd.s32 $0xFFFF9800  }
0xac: {  	[tilespmem:s10], [sflag:$0x3] =	stream.linear.gather [hbm4b:s29+s4], $0x6800, $0x38;
	[tilespmem:$0x13800] =	vst v63  }
0xad: {  	_ =	swait.ge [sflag:s11], $0x6800  }
0xae: {  	s18 =	sld [smem:$0x7F6]  }
0xaf: {  	[sflag:s11] =	ssyncset.done $0x0  }
0xb0: {  	[sflag:s11] =	ssyncadd.s32 $0xFFFF9800  }
0xb1: {  	[hbm4b:s18+s4] =	stream.linear.scatter [tilespmem:s4], [sflag:$0x4], $0x6800, $0x38;
	[tilespmem:$0x13800] =	vst v63  }
0xb2: {  	_ =	swait.ge [sflag:s12], $0x6800  }
0xb3: {  	[sflag:s12] =	ssyncset.done $0x0  }
0xb4: {  	s18 =	rddreg [dreg:$0x7];
	[sflag:s12] =	ssyncadd.s32 $0xFFFF9800  }
0xb5: {  	[tilespmem:s4], [sflag:$0x1] =	stream.linear.gather [hbm4b:s18+s4], $0x6800, $0x38;
	[tilespmem:$0x13800] =	vst v63  }
0xb6: {  	_ =	swait.ge [sflag:s13], $0x6800  }
0xb7: {  	s18 =	sld [smem:$0x7F7]  }
0xb8: {  	[sflag:s13] =	ssyncset.done $0x0  }
0xb9: {  	[sflag:s13] =	ssyncadd.s32 $0xFFFF9800  }
0xba: {  	[hbm4b:s18+s4] =	stream.linear.scatter [tilespmem:s9], [sflag:$0x5], $0x6800, $0x38;
	[tilespmem:$0x13800] =	vst v63  }
0xbb: {  	_ =	swait.ge [sflag:s14], $0x6800  }
0xbc: {  	[sflag:s14] =	ssyncset.done $0x0  }
0xbd: {  	s18 =	rddreg [dreg:$0x8];
	[sflag:s14] =	ssyncadd.s32 $0xFFFF9800  }
0xbe: {  	[tilespmem:s9], [sflag:$0x2] =	stream.linear.gather [hbm4b:s18+s4], $0x6800, $0x38;
	[tilespmem:$0x13800] =	vst v63  }
0xbf: {  	_ =	swait.ge [sflag:s16], $0x6800  }
0xc0: {  	s18 =	sld [smem:$0x7F8]  }
0xc1: {  	[sflag:s16] =	ssyncset.done $0x0  }
0xc2: {  	[sflag:s16] =	ssyncadd.s32 $0xFFFF9800  }
0xc3: {  	[hbm4b:s18+s4] =	stream.linear.scatter [tilespmem:s10], [sflag:$0x6], $0x6800, $0x38;
	[tilespmem:$0x13800] =	vst v63  }
0xc4: {  	_ =	swait.ge [sflag:s17], $0x6800  }
0xc5: {  	[sflag:s17] =	ssyncset.done $0x0  }
0xc6: {  	s18 =	rddreg [dreg:$0xb];
	[sflag:s17] =	ssyncadd.s32 $0xFFFF9800  }
0xc7: {  	[tilespmem:s10], [sflag:$0x3] =	stream.linear.gather [hbm4b:s18+s4], $0x6800, $0x38;
	[tilespmem:$0x13800] =	vst v63  }
0xc8: {  	_ =	swait.ge [sflag:s11], $0x6800  }
0xc9: {  	s18 =	sld [smem:$0x7FC]  }
0xca: {  	[sflag:s11] =	ssyncset.done $0x0  }
0xcb: {  	[sflag:s11] =	ssyncadd.s32 $0xFFFF9800  }
0xcc: {  	[hbm4b:s18+s4] =	stream.linear.scatter [tilespmem:s4], [sflag:$0x4], $0x6800, $0x38;
	[tilespmem:$0x13800] =	vst v63  }
0xcd: {  	_ =	swait.ge [sflag:s12], $0x6800  }
0xce: {  	[sflag:s12] =	ssyncset.done $0x0  }
0xcf: {  	s18 =	rddreg [dreg:$0xe];
	[sflag:s12] =	ssyncadd.s32 $0xFFFF9800  }
0xd0: {  	[tilespmem:s4], [sflag:$0x1] =	stream.linear.gather [hbm4b:s18+s4], $0x6800, $0x38;
	[tilespmem:$0x13800] =	vst v63  }
0xd1: {  	_ =	swait.ge [sflag:s13], $0x6800  }
0xd2: {  	s18 =	sld [smem:$0x7FD]  }
0xd3: {  	[sflag:s13] =	ssyncset.done $0x0  }
0xd4: {  	[sflag:s13] =	ssyncadd.s32 $0xFFFF9800  }
0xd5: {  	[hbm4b:s18+s4] =	stream.linear.scatter [tilespmem:s9], [sflag:$0x5], $0x6800, $0x38;
	[tilespmem:$0x13800] =	vst v63  }
0xd6: {  	_ =	swait.ge [sflag:s14], $0x6800  }
0xd7: {  	[sflag:s14] =	ssyncset.done $0x0  }
0xd8: {  	s18 =	rddreg [dreg:$0x11];
	[sflag:s14] =	ssyncadd.s32 $0xFFFF9800  }
0xd9: {  	[tilespmem:s9], [sflag:$0x2] =	stream.linear.gather [hbm4b:s18+s4], $0x6800, $0x38;
	[tilespmem:$0x13800] =	vst v63  }
0xda: {  	_ =	swait.ge [sflag:s16], $0x6800  }
0xdb: {  	[sflag:s16] =	ssyncset.done $0x0  }
0xdc: {  	[sflag:s16] =	ssyncadd.s32 $0xFFFF9800  }
0xdd: {  	[hbm4b:s20+s4] =	stream.linear.scatter [tilespmem:s10], [sflag:$0x6], $0x6800, $0x38;
	[tilespmem:$0x13800] =	vst v63  }
0xde: {  	_ =	swait.ge [sflag:s17], $0x6800  }
0xdf: {  	[sflag:s17] =	ssyncset.done $0x0  }
0xe0: {  	s18 =	rddreg [dreg:$0x14];
	[sflag:s17] =	ssyncadd.s32 $0xFFFF9800  }
0xe1: {  	[tilespmem:s10], [sflag:$0x3] =	stream.linear.gather [hbm4b:s18+s4], $0x6800, $0x38;
	[tilespmem:$0x13800] =	vst v63  }
0xe2: {  	_ =	swait.ge [sflag:s11], $0x6800  }
0xe3: {  	[sflag:s11] =	ssyncset.done $0x0  }
0xe4: {  	[sflag:s11] =	ssyncadd.s32 $0xFFFF9800  }
0xe5: {  	[hbm4b:s21+s4] =	stream.linear.scatter [tilespmem:s4], [sflag:$0x4], $0x6800, $0x38;
	[tilespmem:$0x13800] =	vst v63  }
0xe6: {  	_ =	swait.ge [sflag:s12], $0x6800  }
0xe7: {  	[sflag:s12] =	ssyncset.done $0x0  }
0xe8: {  	s18 =	rddreg [dreg:$0x17];
	[sflag:s12] =	ssyncadd.s32 $0xFFFF9800  }
0xe9: {  	[tilespmem:s4], [sflag:$0x1] =	stream.linear.gather [hbm4b:s18+s4], $0x6800, $0x38;
	[tilespmem:$0x13800] =	vst v63  }
0xea: {  	_ =	swait.ge [sflag:s13], $0x6800  }
0xeb: {  	[sflag:s13] =	ssyncset.done $0x0  }
0xec: {  	[sflag:s13] =	ssyncadd.s32 $0xFFFF9800  }
0xed: {  	[hbm4b:s23+s4] =	stream.linear.scatter [tilespmem:s9], [sflag:$0x5], $0x6800, $0x38;
	[tilespmem:$0x13800] =	vst v63  }
0xee: {  	_ =	swait.ge [sflag:s14], $0x6800  }
0xef: {  	[sflag:s14] =	ssyncset.done $0x0  }
0xf0: {  	s18 =	rddreg [dreg:$0x1a];
	[sflag:s14] =	ssyncadd.s32 $0xFFFF9800  }
0xf1: {  	[tilespmem:s9], [sflag:$0x2] =	stream.linear.gather [hbm4b:s18+s4], $0x6800, $0x38;
	[tilespmem:$0x13800] =	vst v63  }
0xf2: {  	_ =	swait.ge [sflag:s16], $0x6800  }
0xf3: {  	[sflag:s16] =	ssyncset.done $0x0  }
0xf4: {  	[sflag:s16] =	ssyncadd.s32 $0xFFFF9800  }
0xf5: {  	[hbm4b:s24+s4] =	stream.linear.scatter [tilespmem:s10], [sflag:$0x6], $0x6800, $0x38;
	[tilespmem:$0x13800] =	vst v63  }
0xf6: {  	_ =	swait.ge [sflag:s17], $0x6800  }
0xf7: {  	[sflag:s17] =	ssyncset.done $0x0  }
0xf8: {  	s18 =	rddreg [dreg:$0x1d];
	[sflag:s17] =	ssyncadd.s32 $0xFFFF9800  }
0xf9: {  	[tilespmem:s10], [sflag:$0x3] =	stream.linear.gather [hbm4b:s18+s4], $0x6800, $0x38;
	[tilespmem:$0x13800] =	vst v63  }
0xfa: {  	_ =	swait.ge [sflag:s11], $0x6800  }
0xfb: {  	[sflag:s11] =	ssyncset.done $0x0  }
0xfc: {  	[sflag:s11] =	ssyncadd.s32 $0xFFFF9800  }
0xfd: {  	[hbm4b:s26+s4] =	stream.linear.scatter [tilespmem:s4], [sflag:$0x4], $0x6800, $0x38;
	[tilespmem:$0x13800] =	vst v63  }
0xfe: {  	_ =	swait.ge [sflag:s12], $0x6800  }
0xff: {  	s18 =	sld [smem:$0x7EF]  }
0x100: {  	[sflag:s12] =	ssyncset.done $0x0  }
0x101: {  	[sflag:s12] =	ssyncadd.s32 $0xFFFF9800  }
0x102: {  	[tilespmem:s4], [sflag:$0x1] =	stream.linear.gather [hbm4b:s18+s4], $0x6800, $0x38;
	[tilespmem:$0x13800] =	vst v63  }
0x103: {  	_ =	swait.ge [sflag:s13], $0x6800  }
0x104: {  	[sflag:s13] =	ssyncset.done $0x0  }
0x105: {  	[sflag:s13] =	ssyncadd.s32 $0xFFFF9800  }
0x106: {  	[hbm4b:s28+s4] =	stream.linear.scatter [tilespmem:s9], [sflag:$0x5], $0x6800, $0x38;
	[tilespmem:$0x13800] =	vst v63  }
0x107: {  	_ =	swait.ge [sflag:s14], $0x6800  }
0x108: {  	s18 =	sld [smem:$0x7F2]  }
0x109: {  	[sflag:s14] =	ssyncset.done $0x0  }
0x10a: {  	[sflag:s14] =	ssyncadd.s32 $0xFFFF9800  }
0x10b: {  	[tilespmem:s9], [sflag:$0x2] =	stream.linear.gather [hbm4b:s18+s4], $0x6800, $0x38;
	[tilespmem:$0x13800] =	vst v63  }
0x10c: {  	_ =	swait.ge [sflag:s16], $0x6800  }
0x10d: {  	[sflag:s16] =	ssyncset.done $0x0  }
0x10e: {  	[sflag:s16] =	ssyncadd.s32 $0xFFFF9800  }
0x10f: {  	[hbm4b:s30+s4] =	stream.linear.scatter [tilespmem:s10], [sflag:$0x6], $0x6800, $0x38;
	[tilespmem:$0x13800] =	vst v63  }
0x110: {  	_ =	swait.ge [sflag:s17], $0x6800  }
0x111: {  	s18 =	sld [smem:$0x7F5]  }
0x112: {  	[sflag:s17] =	ssyncset.done $0x0  }
0x113: {  	[sflag:s17] =	ssyncadd.s32 $0xFFFF9800  }
0x114: {  	[tilespmem:s10], [sflag:$0x3] =	stream.linear.gather [hbm4b:s18+s4], $0x6800, $0x38;
	[tilespmem:$0x13800] =	vst v63  }
0x115: {  	_ =	swait.ge [sflag:s11], $0x6800  }
0x116: {  	[sflag:s11] =	ssyncset.done $0x0  }
0x117: {  	[sflag:s11] =	ssyncadd.s32 $0xFFFF9800  }
0x118: {  	[hbm4b:s31+s4] =	stream.linear.scatter [tilespmem:s4], [sflag:$0x4], $0x6800, $0x38;
	[tilespmem:$0x13800] =	vst v63  }
0x119: {  	_ =	swait.ge [sflag:s12], $0x6800  }
0x11a: {  	[sflag:s12] =	ssyncset.done $0x0  }
0x11b: {  	[sflag:s12] =	ssyncadd.s32 $0xFFFF9800  }
0x11c: {  	[tilespmem:s4], [sflag:$0x1] =	stream.linear.gather [hbm4b:s19+s4], $0x6800, $0x38;
	[tilespmem:$0x13800] =	vst v63  }
0x11d: {  	_ =	swait.ge [sflag:s13], $0x6800  }
0x11e: {  	[sflag:s13] =	ssyncset.done $0x0  }
0x11f: {  	[sflag:s13] =	ssyncadd.s32 $0xFFFF9800  }
0x120: {  	[hbm4b:s0+s4] =	stream.linear.scatter [tilespmem:s9], [sflag:$0x5], $0x6800, $0x38;
	[tilespmem:$0x13800] =	vst v63  }
0x121: {  	_ =	swait.ge [sflag:s14], $0x6800  }
0x122: {  	[sflag:s14] =	ssyncset.done $0x0  }
0x123: {  	[sflag:s14] =	ssyncadd.s32 $0xFFFF9800  }
0x124: {  	[tilespmem:s9], [sflag:$0x2] =	stream.linear.gather [hbm4b:s25+s4], $0x6800, $0x38;
	[tilespmem:$0x13800] =	vst v63  }
0x125: {  	_ =	swait.ge [sflag:s16], $0x6800  }
0x126: {  	[sflag:s16] =	ssyncset.done $0x0  }
0x127: {  	[sflag:s16] =	ssyncadd.s32 $0xFFFF9800  }
0x128: {  	[hbm4b:s3+s4] =	stream.linear.scatter [tilespmem:s10], [sflag:$0x6], $0x6800, $0x38;
	[tilespmem:$0x13800] =	vst v63  }
0x129: {  	_ =	swait.ge [sflag:s17], $0x6800  }
0x12a: {  	[sflag:s17] =	ssyncset.done $0x0  }
0x12b: {  	[sflag:s17] =	ssyncadd.s32 $0xFFFF9800  }
0x12c: {  	[tilespmem:s10], [sflag:$0x3] =	stream.linear.gather [hbm4b:s2+s4], $0x6800, $0x38;
	[tilespmem:$0x13800] =	vst v63  }
0x12d: {  	_ =	swait.ge [sflag:s11], $0x6800  }
0x12e: {  	[sflag:s11] =	ssyncset.done $0x0  }
0x12f: {  	[sflag:s11] =	ssyncadd.s32 $0xFFFF9800  }
0x130: {  	[hbm4b:s5+s4] =	stream.linear.scatter [tilespmem:s4], [sflag:$0x4], $0x6800, $0x38;
	[tilespmem:$0x13800] =	vst v63  }
0x131: {  	_ =	swait.ge [sflag:s13], $0x6800  }
0x132: {  	[sflag:s13] =	ssyncset.done $0x0  }
0x133: {  	[sflag:s13] =	ssyncadd.s32 $0xFFFF9800  }
0x134: {  	[hbm4b:s6+s4] =	stream.linear.scatter [tilespmem:s9], [sflag:$0x5], $0x6800, $0x38;
	[tilespmem:$0x13800] =	vst v63  }
0x135: {  	_ =	swait.ge [sflag:s16], $0x6800  }
0x136: {  	[sflag:s16] =	ssyncset.done $0x0  }
0x137: {  	[sflag:s16] =	ssyncadd.s32 $0xFFFF9800  }
0x138: {  	[hbm4b:s8+s4] =	stream.linear.scatter [tilespmem:s10], [sflag:$0x6], $0x6800, $0x38;
	[tilespmem:$0x13800] =	vst v63  }
0x139: {  	_ =	swait.ge [sflag:s12], $0x6800  }
0x13a: {  	[sflag:s12] =	ssyncset.done $0x0  }
0x13b: {  	[sflag:s12] =	ssyncadd.s32 $0xFFFF9800  }
0x13c: {  	_ =	swait.ge [sflag:s14], $0x6800  }
0x13d: {  	[sflag:s14] =	ssyncset.done $0x0  }
.Ltmp2:
0x13e: {  	[sflag:s14] =	ssyncadd.s32 $0xFFFF9800;
	(pc) =	sbr.rel @p0 .LBB2_4-.Ltmp2, $4  }
0x13f: {  	_ =	swait.ge [sflag:s17], $0x6800  }
0x140: {  	[sflag:s17] =	ssyncset.done $0x0  }
0x141: {  	s15 =	sld [smem:$0x7FA];
	[sflag:s17] =	ssyncadd.s32 $0xFFFF9800  }
0x142: {  	s18 =	rddreg [dreg:$0x0]  }
.Ltmp3:
0x143: {  	(pc) =	sbr.rel @p1 .LBB2_5-.Ltmp3, $1  }
0x144: {  	_ =	sdelay $0x3  }
.Ltmp4:
0x145: {  	(pc) =	sbr.rel .LBB2_4-.Ltmp4, $3  }
0x146: {  	_ =	sdelay $0x1  }
0x147: {  	s18 =	rddreg [dreg:$0x1]  }
0x148: {  	s15 =	sld [smem:$0x7F9]  }
.LBB2_6:
0x149: {  	_ =	sfence.sel $0x180000  }
0x14a: {  	[bflag:$0x0] =	sbarrier.arrive $0xFFFF  }
0x14b: {  	_ =	strace $0x90000047  }
0x14c: {  	s0 =	stileid.u32;
	[bflag:$0x2] =	sbarrier.arrive $0xFFFF  }
0x14d: {  	p0 =	sne.s32 s0, $0x0;
	s0 =	rddreg [dreg:$0x3]  }
0x14e: {  	s0 =	sadd.s32 @!p0 $0x100000, s0  }
0x14f: {  	[sflag:s0] =	ssyncadd.tile.s32 @!p0 $0x1;
	_ =	shalt  }
.Lfunc_end2:
_tile_overlayer_lowered:
.L_overlay_start_2:
0x150: {  	(tag) =	ssettag $0x2  }
0x151: {  	s0 =	rddreg [dreg:$0x0];
	s2 =	stileid.u32  }
0x152: {  	s1 =	rddreg [dreg:$0x1];
	p0 =	sne.s32 s2, $0x0  }
0x153: {  	s3 =	rddreg [dreg:$0x2];
	[bflag:$0x3] =	sbarrier.arrive $0xFFFF;
	s2 =	simm.s32 @!p0 $0x1C07  }
0x154: {  	[timem:s3], [sflag:s2] =	dma.local @!p0 [hbm:s0], s1  }
0x155: {  	s0 =	simm.s32 @!p0 $0x7  }
0x156: {  	_ =	swait.ge @!p0 [sflag:s0], s1  }
0x157: {  	s1 =	ssub.s32 @!p0 $0x0, s1;
	[sflag:s0] =	ssyncset.done @!p0 $0x0  }
0x158: {  	[sflag:s0] =	ssyncadd.s32 @!p0 s1  }
0x159: {  	[bflag:$0x3] =	sbarrier.arrive $0xFFFF  }
0x15a: {  	_ =	shalt  }

</sc_bundles>
